<compile_context>
chip_gen: v7x
topology: tpu7x:2x2x1
jax: 0.10.2.dev20260603
libtpu: 0.0.44.dev20260713+nightly
codegen_flags: <defaults>
</compile_context>

<pallas_src>
import jax
import jax.numpy as jnp
from jax import lax
from jax.experimental import pallas as pl
from jax.experimental.pallas import tpu as pltpu
from jax.experimental.pallas import tpu_sc as plsc

_STD = (0.1, 0.1, 0.2, 0.2)
_PROPOSAL_COUNT = 2000
_THR = 0.7

_B, _N = 2, 5000
_NP = 5120
_NB = _NP // 128
_NW = 32
_ROWS1 = _NP // _NW
_OUTP = 2048
_ROWS2 = _OUTP // _NW
_SENTINEL = 1 << 20
_CH = 1024
_TB = 1024
_NT = _NP // _TB


_RW = 512


def _decode_rank_kernel(srow_ref, scol_ref, d_ref, a_ref, boxes_ref, rank_ref):
    a0 = a_ref[0, 0]
    a1 = a_ref[0, 1]
    a2 = a_ref[0, 2]
    a3 = a_ref[0, 3]
    d0 = d_ref[0, 0] * _STD[0]
    d1 = d_ref[0, 1] * _STD[1]
    d2 = d_ref[0, 2] * _STD[2]
    d3 = d_ref[0, 3] * _STD[3]
    h = a2 - a0
    w = a3 - a1
    cy = a0 + 0.5 * h
    cx = a1 + 0.5 * w
    cy = cy + d0 * h
    cx = cx + d1 * w
    h = h * jnp.exp(d2)
    w = w * jnp.exp(d3)
    y1 = cy - 0.5 * h
    x1 = cx - 0.5 * w
    y2 = y1 + h
    x2 = x1 + w
    boxes_ref[0, 0] = jnp.clip(y1, 0.0, 1.0)
    boxes_ref[0, 1] = jnp.clip(x1, 0.0, 1.0)
    boxes_ref[0, 2] = jnp.clip(y2, 0.0, 1.0)
    boxes_ref[0, 3] = jnp.clip(x2, 0.0, 1.0)

    scol = scol_ref[0]
    jcol = lax.broadcasted_iota(jnp.int32, (_NP, 1), 0)

    def chunk(ic, _):
        srow = srow_ref[0, pl.ds(0, 1), pl.ds(ic * _RW, _RW)]
        irow = lax.broadcasted_iota(jnp.int32, (1, _RW), 1) + ic * _RW
        beats = (scol > srow) | ((scol == srow) & (jcol < irow))
        rank = jnp.sum(beats.astype(jnp.float32), axis=0, keepdims=True)
        rank_ref[0, pl.ds(0, 1), pl.ds(ic * _RW, _RW)] = rank
        return 0

    lax.fori_loop(0, _NP // _RW, chunk, 0)


def _nms_kernel(rows_ref, cols_ref, keep_ref, pos_ref, m_ref, area_ref):
    m_ref[pl.ds(0, 4)] = jnp.full((4, _NP, 1), 2.0, jnp.float32)
    m_ref[4] = jnp.zeros((_NP, 1), jnp.float32)
    area_ref[...] = ((cols_ref[0, 2] - cols_ref[0, 0])
                     * (cols_ref[0, 3] - cols_ref[0, 1]))

    r2 = lax.broadcasted_iota(jnp.int32, (_TB, _TB), 0)
    c2 = lax.broadcasted_iota(jnp.int32, (_TB, _TB), 1)
    upper = (r2 < c2).astype(jnp.float32)
    eye = (r2 == c2).astype(jnp.float32)
    tri = (r2 <= c2).astype(jnp.float32)
    lane = lax.broadcasted_iota(jnp.int32, (1, _TB), 1)

    def block(b, base):
        y1b = rows_ref[0, 0, pl.ds(b, 1), :]
        x1b = rows_ref[0, 1, pl.ds(b, 1), :]
        y2b = rows_ref[0, 2, pl.ds(b, 1), :]
        x2b = rows_ref[0, 3, pl.ds(b, 1), :]
        area_b = (y2b - y1b) * (x2b - x1b)

        def sweep(jc, acc):
            rs = pl.ds(jc * _CH, _CH)
            yA = jnp.maximum(m_ref[0, rs, :], y1b)
            xA = jnp.maximum(m_ref[1, rs, :], x1b)
            yB = jnp.minimum(m_ref[2, rs, :], y2b)
            xB = jnp.minimum(m_ref[3, rs, :], x2b)
            inter = jnp.maximum(yB - yA, 0.0) * jnp.maximum(xB - xA, 0.0)
            union = m_ref[4, rs, :] + area_b - inter
            iou = inter / jnp.maximum(union, 1e-10)
            sup = (iou > _THR).astype(jnp.float32)
            return jnp.maximum(acc, jnp.max(sup, axis=0, keepdims=True))

        nchunks = (b * _TB + _CH - 1) // _CH
        supped = lax.fori_loop(0, nchunks, sweep,
                               jnp.zeros((1, _TB), jnp.float32))
        valid = (supped == 0.0) & (lane + b * _TB < _N)
        valid_f = valid.astype(jnp.float32)

        y1d = cols_ref[0, 0, pl.ds(b * _TB, _TB), :]
        x1d = cols_ref[0, 1, pl.ds(b * _TB, _TB), :]
        y2d = cols_ref[0, 2, pl.ds(b * _TB, _TB), :]
        x2d = cols_ref[0, 3, pl.ds(b * _TB, _TB), :]
        area_d = area_ref[pl.ds(b * _TB, _TB), :]
        yA2 = jnp.maximum(y1d, y1b)
        xA2 = jnp.maximum(x1d, x1b)
        yB2 = jnp.minimum(y2d, y2b)
        xB2 = jnp.minimum(x2d, x2b)
        inter2 = jnp.maximum(yB2 - yA2, 0.0) * jnp.maximum(xB2 - xA2, 0.0)
        union2 = area_d + area_b - inter2
        iou2 = inter2 / jnp.maximum(union2, 1e-10)
        S = (iou2 > _THR).astype(jnp.float32) * upper

        def cond(carry):
            return carry[1]

        def body(carry):
            keep, _ = carry
            cnt = lax.dot_general(keep, S, (((1,), (0,)), ((), ())),
                                  preferred_element_type=jnp.float32)
            keep_new = valid_f * (cnt == 0.0).astype(jnp.float32)
            changed = jnp.any(keep_new != keep)
            return keep_new, changed

        keep_b, _ = lax.while_loop(cond, body, (valid_f, True))

        keep_ref[0, pl.ds(b, 1), :] = keep_b
        kT = lax.dot_general(eye, keep_b, (((1,), (1,)), ((), ())),
                             preferred_element_type=jnp.float32)
        km = kT > 0.0
        m_ref[0, pl.ds(b * _TB, _TB), :] = jnp.where(km, y1d, 2.0)
        m_ref[1, pl.ds(b * _TB, _TB), :] = jnp.where(km, x1d, 2.0)
        m_ref[2, pl.ds(b * _TB, _TB), :] = jnp.where(km, y2d, 2.0)
        m_ref[3, pl.ds(b * _TB, _TB), :] = jnp.where(km, x2d, 2.0)
        m_ref[4, pl.ds(b * _TB, _TB), :] = jnp.where(km, area_d, 0.0)

        cum = lax.dot_general(keep_b, tri, (((1,), (0,)), ((), ())),
                              preferred_element_type=jnp.float32)
        pos = base + cum - 1.0
        pos_ref[0, pl.ds(b, 1), :] = jnp.where(
            keep_b > 0.0, pos, jnp.float32(_SENTINEL))
        return base + jnp.sum(keep_b)

    lax.fori_loop(0, _NT, block, jnp.float32(0.0))


def _make_sc_permute():
    mesh = plsc.VectorSubcoreMesh(core_axis_name="c", subcore_axis_name="s")

    def body(idx_hbm, val_hbm, out_hbm, idx_v, val_v, loc_v):
        wid = lax.axis_index("s") * 2 + lax.axis_index("c")
        lo = wid * _ROWS1
        for b in range(_B):
            pltpu.sync_copy(idx_hbm.at[pl.ds(b * _NP, _NP)], idx_v)
            pltpu.sync_copy(val_hbm.at[pl.ds(b * 4 * _NP, 4 * _NP)], val_v)

            def chunk(i, _):
                r16 = idx_v[pl.ds(i * 16, 16)]
                m = (r16 >= lo) & (r16 < lo + _ROWS1)
                rloc = r16 - lo
                for c in range(4):
                    v16 = val_v[pl.ds(c * _NP + i * 16, 16)]
                    c16 = jnp.full((16,), c, jnp.int32)
                    plsc.store_scatter(loc_v, [c16, rloc], v16, mask=m)
                return 0

            lax.fori_loop(0, _NP // 16, chunk, 0)
            for c in range(4):
                pltpu.sync_copy(
                    loc_v.at[c],
                    out_hbm.at[pl.ds(b * 4 * _NP + c * _NP + lo, _ROWS1)])

    return pl.kernel(
        body,
        out_type=jax.ShapeDtypeStruct((_B * 4 * _NP,), jnp.float32),
        mesh=mesh,
        compiler_params=pltpu.CompilerParams(
            use_tc_tiling_on_sc=False, needs_layout_passes=False),
        scratch_types=[
            pltpu.VMEM((_NP,), jnp.int32),
            pltpu.VMEM((4 * _NP,), jnp.float32),
            pltpu.VMEM((4, _ROWS1), jnp.float32),
        ],
    )


def _make_sc_compact():
    mesh = plsc.VectorSubcoreMesh(core_axis_name="c", subcore_axis_name="s")
    nrow = _ROWS2 * 4 // 16

    def body(idx_hbm, val_hbm, out_hbm, idx_v, val_v, loc_v):
        wid = lax.axis_index("s") * 2 + lax.axis_index("c")
        lo = wid * _ROWS2
        out_sz = _OUTP * 4
        for b in range(_B):
            pltpu.sync_copy(idx_hbm.at[pl.ds(b * _NP, _NP)], idx_v)
            pltpu.sync_copy(val_hbm.at[pl.ds(b * 4 * _NP, 4 * _NP)], val_v)
            for i in range(nrow):
                loc_v[i] = jnp.zeros((16,), jnp.float32)

            def chunk(i, _):
                r16 = idx_v[pl.ds(i * 16, 16)]
                m = (r16 >= lo) & (r16 < lo + _ROWS2)
                rloc = r16 - lo
                for c in range(4):
                    v16 = val_v[pl.ds(c * _NP + i * 16, 16)]
                    f = rloc * 4 + c
                    plsc.store_scatter(
                        loc_v, [lax.shift_right_logical(f, 4), f & 15],
                        v16, mask=m)
                return 0

            lax.fori_loop(0, _NP // 16, chunk, 0)
            for i in range(nrow):
                pltpu.sync_copy(
                    loc_v.at[i],
                    out_hbm.at[pl.ds(b * out_sz + lo * 4 + i * 16, 16)])

    return pl.kernel(
        body,
        out_type=jax.ShapeDtypeStruct((_B * _OUTP * 4,), jnp.float32),
        mesh=mesh,
        compiler_params=pltpu.CompilerParams(
            use_tc_tiling_on_sc=False, needs_layout_passes=False),
        scratch_types=[
            pltpu.VMEM((_NP,), jnp.int32),
            pltpu.VMEM((4 * _NP,), jnp.float32),
            pltpu.VMEM((nrow, 16), jnp.float32),
        ],
    )


def _tc1(srow, scol, d4, a4, interpret=False):
    f32 = jnp.float32
    return pl.pallas_call(
        _decode_rank_kernel,
        grid=(_B,),
        in_specs=[
            pl.BlockSpec((1, 1, _NP), lambda b: (b, 0, 0)),
            pl.BlockSpec((1, _NP, 1), lambda b: (b, 0, 0)),
            pl.BlockSpec((1, 4, _NB, 128), lambda b: (b, 0, 0, 0)),
            pl.BlockSpec((1, 4, _NB, 128), lambda b: (b, 0, 0, 0)),
        ],
        out_specs=[
            pl.BlockSpec((1, 4, _NB, 128), lambda b: (b, 0, 0, 0)),
            pl.BlockSpec((1, 1, _NP), lambda b: (b, 0, 0)),
        ],
        out_shape=[
            jax.ShapeDtypeStruct((_B, 4, _NB, 128), f32),
            jax.ShapeDtypeStruct((_B, 1, _NP), f32),
        ],
        interpret=interpret,
    )(srow, scol, d4, a4)


def _tc2(rows, cols, interpret=False):
    f32 = jnp.float32
    return pl.pallas_call(
        _nms_kernel,
        grid=(_B,),
        in_specs=[
            pl.BlockSpec((1, 4, _NT, _TB), lambda b: (b, 0, 0, 0)),
            pl.BlockSpec((1, 4, _NP, 1), lambda b: (b, 0, 0, 0)),
        ],
        out_specs=[
            pl.BlockSpec((1, _NT, _TB), lambda b: (b, 0, 0)),
            pl.BlockSpec((1, _NT, _TB), lambda b: (b, 0, 0)),
        ],
        out_shape=[
            jax.ShapeDtypeStruct((_B, _NT, _TB), f32),
            jax.ShapeDtypeStruct((_B, _NT, _TB), f32),
        ],
        scratch_shapes=[pltpu.VMEM((5, _NP, 1), f32),
                        pltpu.VMEM((_NP, 1), f32)],
        interpret=interpret,
    )(rows, cols)


@jax.jit
def kernel(rpn_probs, rpn_deltas, anchors):
    scores = rpn_probs[:, :, 1]
    pad = _NP - _N
    scores_p = jnp.pad(scores, ((0, 0), (0, pad)), constant_values=-1.0)
    srow = scores_p.reshape(_B, 1, _NP)
    scol = scores_p.reshape(_B, _NP, 1)
    d_t = jnp.pad(rpn_deltas.transpose(0, 2, 1), ((0, 0), (0, 0), (0, pad)))
    a_t = jnp.pad(anchors.transpose(0, 2, 1), ((0, 0), (0, 0), (0, pad)))
    d4 = d_t.reshape(_B, 4, _NB, 128)
    a4 = a_t.reshape(_B, 4, _NB, 128)

    boxes, rank = _tc1(srow, scol, d4, a4)

    rank_i = rank.astype(jnp.int32).reshape(_B * _NP)
    boxes_flat = boxes.reshape(_B * 4 * _NP)

    sorted_flat = _make_sc_permute()(rank_i, boxes_flat)

    rows = sorted_flat.reshape(_B, 4, _NT, _TB)
    cols = sorted_flat.reshape(_B, 4, _NP, 1)

    keep, posf = _tc2(rows, cols)

    del keep
    pos_i = posf.astype(jnp.int32).reshape(_B * _NP)

    out_flat = _make_sc_compact()(pos_i, sorted_flat)
    return out_flat.reshape(_B, _OUTP, 4)[:, :_PROPOSAL_COUNT, :]

# --- scband reference (transcript-rebuilt; emitter-appended) ---
"""Pipeline reference for scband-proposal-layer-37761352466516 (READ-ONLY COPY).

The authoritative reference and input builder live on the scoring server;
editing this copy changes nothing except your own understanding.
"""

import jax, jax.numpy as jnp
import numpy as np

RPN_BBOX_STD_DEV = np.array([0.1, 0.1, 0.2, 0.2], dtype=np.float32)
PRE_NMS_LIMIT = 6000
PROPOSAL_COUNT = 2000
NMS_THRESHOLD = 0.7

B, N = 2, 5000


def setup_inputs(seed: int = 0) -> dict:
    key = jax.random.key(seed)
    k1, k2, k3, k4 = jax.random.split(key, 4)
    probs_raw = jax.random.uniform(k1, (B, N, 2), dtype=jnp.float32)
    rpn_probs = probs_raw / jnp.sum(probs_raw, axis=-1, keepdims=True)
    rpn_deltas = jax.random.normal(k2, (B, N, 4), dtype=jnp.float32)
    yx = jax.random.uniform(k3, (B, N, 2), dtype=jnp.float32) * 0.85
    hw = jax.random.uniform(k4, (B, N, 2), dtype=jnp.float32) * 0.1 + 0.02
    anchors = jnp.concatenate([yx, yx + hw], axis=-1)
    return {"rpn_probs": rpn_probs, "rpn_deltas": rpn_deltas, "anchors": anchors}


def _iou_one(box, boxes):
    y1 = jnp.maximum(box[0], boxes[:, 0])
    x1 = jnp.maximum(box[1], boxes[:, 1])
    y2 = jnp.minimum(box[2], boxes[:, 2])
    x2 = jnp.minimum(box[3], boxes[:, 3])
    inter = jnp.maximum(y2 - y1, 0.0) * jnp.maximum(x2 - x1, 0.0)
    area = (box[2] - box[0]) * (box[3] - box[1])
    areas = (boxes[:, 2] - boxes[:, 0]) * (boxes[:, 3] - boxes[:, 1])
    union = area + areas - inter
    return inter / jnp.maximum(union, 1e-10)


def _nms_pad(boxes, scores, thr, max_out):
    # boxes already sorted by descending score
    n = boxes.shape[0]
    idxs = jnp.arange(n)
    b_sg = jax.lax.stop_gradient(boxes)

    def step(suppressed, i):
        valid = jnp.logical_not(suppressed[i])
        ious = _iou_one(b_sg[i], b_sg)
        sup = jnp.logical_or(suppressed, jnp.logical_and(jnp.logical_and(valid, ious > thr), idxs > i))
        return sup, valid

    _, keep = jax.lax.scan(step, jnp.zeros((n,), dtype=bool), idxs)
    rank = jnp.where(keep, jax.lax.stop_gradient(scores), -jnp.inf)
    order = jnp.argsort(-rank)[:max_out]
    sel = keep[order]
    out = jnp.where(sel[:, None], boxes[order], 0.0)
    return out


def reference(rpn_probs, rpn_deltas, anchors):
    # scores: foreground probability
    scores = rpn_probs[:, :, 1]
    deltas = rpn_deltas * jnp.asarray(RPN_BBOX_STD_DEV).reshape(1, 1, 4)
    n = anchors.shape[1]
    pre_nms_limit = min(PRE_NMS_LIMIT, n)
    top_scores, ix = jax.lax.top_k(scores, pre_nms_limit)
    deltas_g = jnp.take_along_axis(deltas, ix[:, :, None], axis=1)
    anchors_g = jnp.take_along_axis(anchors, ix[:, :, None], axis=1)
    # apply box deltas (y1, x1, y2, x2)
    h = anchors_g[..., 2] - anchors_g[..., 0]
    w = anchors_g[..., 3] - anchors_g[..., 1]
    cy = anchors_g[..., 0] + 0.5 * h
    cx = anchors_g[..., 1] + 0.5 * w
    cy = cy + deltas_g[..., 0] * h
    cx = cx + deltas_g[..., 1] * w
    h = h * jnp.exp(deltas_g[..., 2])
    w = w * jnp.exp(deltas_g[..., 3])
    y1 = cy - 0.5 * h
    x1 = cx - 0.5 * w
    y2 = y1 + h
    x2 = x1 + w
    boxes = jnp.stack([y1, x1, y2, x2], axis=-1)
    # clip to normalized window [0, 0, 1, 1]
    boxes = jnp.clip(boxes, 0.0, 1.0)
    proposals = jax.vmap(lambda b, s: _nms_pad(b, s, NMS_THRESHOLD, PROPOSAL_COUNT))(boxes, top_scores)
    return proposals

if __name__ == "__main__":
    import jax
    _d = setup_inputs()
    print(jax.jit(kernel)(*tuple(_d.values())))

</pallas_src>

<mosaic_0001>
#map = affine_map<(d0, d1) -> (0)>
module attributes {stable_mosaic.version = 14 : i64} {
  func.func @body(%arg0: i32, %arg1: i32, %arg2: memref<10240xi32, #tpu.memory_space<hbm>>, %arg3: memref<40960xf32, #tpu.memory_space<hbm>>, %arg4: memref<40960xf32, #tpu.memory_space<hbm>>, %arg5: memref<5120xi32, #tpu.memory_space<vmem>>, %arg6: memref<20480xf32, #tpu.memory_space<vmem>>, %arg7: memref<4x160xf32, #tpu.memory_space<vmem>>) attributes {dimension_semantics = [#tpu.dimension_semantics<core_parallel>, #tpu.dimension_semantics<subcore_parallel>], iteration_bounds = array<i64: 2, 16>, scalar_prefetch = 0 : i64, scratch_operands = 3 : i64, tpu.core_type = #tpu.core_type<sc_vector_subcore>, window_params = [{transform_indices = #map}, {transform_indices = #map}, {transform_indices = #map}]} {
    %mul3A = arith.constant 2 : i32
    %mul3A_0 = arith.muli %arg1, %mul3A : i32
    %add3A = arith.addi %mul3A_0, %arg0 : i32
    %mul3A_1 = arith.constant 160 : i32
    %mul3A_2 = arith.muli %add3A, %mul3A_1 : i32
    "tpu.region"() ({
      %run_scoped3A_39 = tpu.sem_alloc : memref<!tpu.dma_semaphore, #tpu.memory_space<semaphore_mem>>
      %dma_start3A = arith.constant 0 : i32
      %dma_start3A_40 = tpu.memref_slice %arg2[%dma_start3A] : memref<10240xi32, #tpu.memory_space<hbm>> -> memref<5120xi32, #tpu.memory_space<hbm>>
      %dma_start3A_41 = arith.constant 0 : i32
      %dma_start3A_42 = tpu.memref_slice %arg2[%dma_start3A_41] : memref<10240xi32, #tpu.memory_space<hbm>> -> memref<5120xi32, #tpu.memory_space<hbm>>
      tpu.enqueue_dma source(%dma_start3A_42 : memref<5120xi32, #tpu.memory_space<hbm>>) target(%arg5 : memref<5120xi32, #tpu.memory_space<vmem>>) target_semaphore(%run_scoped3A_39 : memref<!tpu.dma_semaphore, #tpu.memory_space<semaphore_mem>>)
      %dma_wait3A = arith.constant 0 : i32
      %dma_wait3A_43 = tpu.memref_slice %arg2[%dma_wait3A] : memref<10240xi32, #tpu.memory_space<hbm>> -> memref<5120xi32, #tpu.memory_space<hbm>>
      %dma_wait3A_44 = arith.constant 0 : i32
      %dma_wait3A_45 = tpu.memref_slice %arg2[%dma_wait3A_44] : memref<10240xi32, #tpu.memory_space<hbm>> -> memref<5120xi32, #tpu.memory_space<hbm>>
      tpu.wait_dma2 semaphore(%run_scoped3A_39 : memref<!tpu.dma_semaphore, #tpu.memory_space<semaphore_mem>>) src(%dma_wait3A_45 : memref<5120xi32, #tpu.memory_space<hbm>>) dst(%arg5 : memref<5120xi32, #tpu.memory_space<vmem>>)
      tpu.yield
    }) : () -> ()
    "tpu.region"() ({
      %run_scoped3A_39 = tpu.sem_alloc : memref<!tpu.dma_semaphore, #tpu.memory_space<semaphore_mem>>
      %dma_start3A = arith.constant 0 : i32
      %dma_start3A_40 = tpu.memref_slice %arg3[%dma_start3A] : memref<40960xf32, #tpu.memory_space<hbm>> -> memref<20480xf32, #tpu.memory_space<hbm>>
      %dma_start3A_41 = arith.constant 0 : i32
      %dma_start3A_42 = tpu.memref_slice %arg3[%dma_start3A_41] : memref<40960xf32, #tpu.memory_space<hbm>> -> memref<20480xf32, #tpu.memory_space<hbm>>
      tpu.enqueue_dma source(%dma_start3A_42 : memref<20480xf32, #tpu.memory_space<hbm>>) target(%arg6 : memref<20480xf32, #tpu.memory_space<vmem>>) target_semaphore(%run_scoped3A_39 : memref<!tpu.dma_semaphore, #tpu.memory_space<semaphore_mem>>)
      %dma_wait3A = arith.constant 0 : i32
      %dma_wait3A_43 = tpu.memref_slice %arg3[%dma_wait3A] : memref<40960xf32, #tpu.memory_space<hbm>> -> memref<20480xf32, #tpu.memory_space<hbm>>
      %dma_wait3A_44 = arith.constant 0 : i32
      %dma_wait3A_45 = tpu.memref_slice %arg3[%dma_wait3A_44] : memref<40960xf32, #tpu.memory_space<hbm>> -> memref<20480xf32, #tpu.memory_space<hbm>>
      tpu.wait_dma2 semaphore(%run_scoped3A_39 : memref<!tpu.dma_semaphore, #tpu.memory_space<semaphore_mem>>) src(%dma_wait3A_45 : memref<20480xf32, #tpu.memory_space<hbm>>) dst(%arg6 : memref<20480xf32, #tpu.memory_space<vmem>>)
      tpu.yield
    }) : () -> ()
    %scan3A = arith.constant 0 : i32
    %scan3A_3 = arith.constant 0 : i32
    %scan3A_4 = arith.constant 320 : i32
    %scan3A_5 = arith.addi %scan3A_3, %scan3A_4 : i32
    %scan3A_6 = arith.constant 1 : i32
    %scan3A_7 = scf.for %scan3A_39 = %scan3A_3 to %scan3A_5 step %scan3A_6 iter_args(%scan3A_40 = %scan3A) -> (i32)  : i32 {
      %mul3A_41 = arith.constant 16 : i32
      %mul3A_42 = arith.muli %scan3A_39, %mul3A_41 : i32
      %get3A = arith.index_cast %mul3A_42 : i32 to index
      %get3A_43 = tpu.vector_load %arg5[%get3A] {strides = array<i32>} : memref<5120xi32, #tpu.memory_space<vmem>>, vector<16xi32>,
      %ge3A = vector.broadcast %mul3A_2 : i32 to vector<16xi32>
      %ge3A_44 = arith.cmpi sge, %get3A_43, %ge3A : vector<16xi32>
      %add3A_45 = arith.constant 160 : i32
      %add3A_46 = arith.addi %mul3A_2, %add3A_45 : i32
      %lt3A = vector.broadcast %add3A_46 : i32 to vector<16xi32>
      %lt3A_47 = arith.cmpi slt, %get3A_43, %lt3A : vector<16xi32>
      %and3A = arith.andi %ge3A_44, %lt3A_47 : vector<16xi1>
      %sub3A = vector.broadcast %mul3A_2 : i32 to vector<16xi32>
      %sub3A_48 = arith.subi %get3A_43, %sub3A : vector<16xi32>
      %mul3A_49 = arith.constant 16 : i32
      %mul3A_50 = arith.muli %scan3A_39, %mul3A_49 : i32
      %add3A_51 = arith.constant 0 : i32
      %add3A_52 = arith.addi %add3A_51, %mul3A_50 : i32
      %get3A_53 = arith.index_cast %add3A_52 : i32 to index
      %get3A_54 = tpu.vector_load %arg6[%get3A_53] {strides = array<i32>} : memref<20480xf32, #tpu.memory_space<vmem>>, vector<16xf32>,
      %broadcast_in_dim3A = arith.constant 0 : i32
      %broadcast_in_dim3A_55 = vector.broadcast %broadcast_in_dim3A : i32 to vector<16xi32>
      tpu.vector_store_idx %arg7[%broadcast_in_dim3A_55, %sub3A_48], %get3A_54 masked %and3A : memref<4x160xf32, #tpu.memory_space<vmem>>[vector<16xi32>, vector<16xi32>], vector<16xf32>, vector<16xi1>
      %mul3A_56 = arith.constant 16 : i32
      %mul3A_57 = arith.muli %scan3A_39, %mul3A_56 : i32
      %add3A_58 = arith.constant 5120 : i32
      %add3A_59 = arith.addi %add3A_58, %mul3A_57 : i32
      %get3A_60 = arith.index_cast %add3A_59 : i32 to index
      %get3A_61 = tpu.vector_load %arg6[%get3A_60] {strides = array<i32>} : memref<20480xf32, #tpu.memory_space<vmem>>, vector<16xf32>,
      %broadcast_in_dim3A_62 = arith.constant 1 : i32
      %broadcast_in_dim3A_63 = vector.broadcast %broadcast_in_dim3A_62 : i32 to vector<16xi32>
      tpu.vector_store_idx %arg7[%broadcast_in_dim3A_63, %sub3A_48], %get3A_61 masked %and3A : memref<4x160xf32, #tpu.memory_space<vmem>>[vector<16xi32>, vector<16xi32>], vector<16xf32>, vector<16xi1>
      %mul3A_64 = arith.constant 16 : i32
      %mul3A_65 = arith.muli %scan3A_39, %mul3A_64 : i32
      %add3A_66 = arith.constant 10240 : i32
      %add3A_67 = arith.addi %add3A_66, %mul3A_65 : i32
      %get3A_68 = arith.index_cast %add3A_67 : i32 to index
      %get3A_69 = tpu.vector_load %arg6[%get3A_68] {strides = array<i32>} : memref<20480xf32, #tpu.memory_space<vmem>>, vector<16xf32>,
      %broadcast_in_dim3A_70 = arith.constant 2 : i32
      %broadcast_in_dim3A_71 = vector.broadcast %broadcast_in_dim3A_70 : i32 to vector<16xi32>
      tpu.vector_store_idx %arg7[%broadcast_in_dim3A_71, %sub3A_48], %get3A_69 masked %and3A : memref<4x160xf32, #tpu.memory_space<vmem>>[vector<16xi32>, vector<16xi32>], vector<16xf32>, vector<16xi1>
      %mul3A_72 = arith.constant 16 : i32
      %mul3A_73 = arith.muli %scan3A_39, %mul3A_72 : i32
      %add3A_74 = arith.constant 15360 : i32
      %add3A_75 = arith.addi %add3A_74, %mul3A_73 : i32
      %get3A_76 = arith.index_cast %add3A_75 : i32 to index
      %get3A_77 = tpu.vector_load %arg6[%get3A_76] {strides = array<i32>} : memref<20480xf32, #tpu.memory_space<vmem>>, vector<16xf32>,
      %broadcast_in_dim3A_78 = arith.constant 3 : i32
      %broadcast_in_dim3A_79 = vector.broadcast %broadcast_in_dim3A_78 : i32 to vector<16xi32>
      tpu.vector_store_idx %arg7[%broadcast_in_dim3A_79, %sub3A_48], %get3A_77 masked %and3A : memref<4x160xf32, #tpu.memory_space<vmem>>[vector<16xi32>, vector<16xi32>], vector<16xf32>, vector<16xi1>
      %scan3A_80 = arith.constant 0 : i32
      scf.yield %scan3A_80 : i32
    }
    %scan3A_8 = arith.constant 320 : i32
    %add3A_9 = arith.constant 0 : i32
    %add3A_10 = arith.addi %add3A_9, %mul3A_2 : i32
    %run_scoped3A = arith.constant 0 : i32
    "tpu.region"() ({
      %run_scoped3A_39 = tpu.sem_alloc : memref<!tpu.dma_semaphore, #tpu.memory_space<semaphore_mem>>
      %dma_start3A = arith.constant 0 : i32
      %dma_start3A_40 = tpu.memref_slice %arg7[%run_scoped3A, %dma_start3A] : memref<4x160xf32, #tpu.memory_space<vmem>> -> memref<1x160xf32, #tpu.memory_space<vmem>>
      %dma_start3A_41 = tpu.memref_squeeze %dma_start3A_40 : memref<1x160xf32, #tpu.memory_space<vmem>> -> memref<160xf32, #tpu.memory_space<vmem>>
      %dma_start3A_42 = tpu.memref_slice %arg4[%add3A_10] : memref<40960xf32, #tpu.memory_space<hbm>> -> memref<160xf32, #tpu.memory_space<hbm>>
      %dma_start3A_43 = tpu.memref_slice %arg4[%add3A_10] : memref<40960xf32, #tpu.memory_space<hbm>> -> memref<160xf32, #tpu.memory_space<hbm>>
      %dma_start3A_44 = arith.constant 0 : i32
      %dma_start3A_45 = tpu.memref_slice %arg7[%run_scoped3A, %dma_start3A_44] : memref<4x160xf32, #tpu.memory_space<vmem>> -> memref<1x160xf32, #tpu.memory_space<vmem>>
      %dma_start3A_46 = tpu.memref_squeeze %dma_start3A_45 : memref<1x160xf32, #tpu.memory_space<vmem>> -> memref<160xf32, #tpu.memory_space<vmem>>
      tpu.enqueue_dma source(%dma_start3A_46 : memref<160xf32, #tpu.memory_space<vmem>>) target(%dma_start3A_43 : memref<160xf32, #tpu.memory_space<hbm>>) target_semaphore(%run_scoped3A_39 : memref<!tpu.dma_semaphore, #tpu.memory_space<semaphore_mem>>)
      %dma_wait3A = arith.constant 0 : i32
      %dma_wait3A_47 = tpu.memref_slice %arg7[%run_scoped3A, %dma_wait3A] : memref<4x160xf32, #tpu.memory_space<vmem>> -> memref<1x160xf32, #tpu.memory_space<vmem>>
      %dma_wait3A_48 = tpu.memref_squeeze %dma_wait3A_47 : memref<1x160xf32, #tpu.memory_space<vmem>> -> memref<160xf32, #tpu.memory_space<vmem>>
      %dma_wait3A_49 = tpu.memref_slice %arg4[%add3A_10] : memref<40960xf32, #tpu.memory_space<hbm>> -> memref<160xf32, #tpu.memory_space<hbm>>
      %dma_wait3A_50 = tpu.memref_slice %arg4[%add3A_10] : memref<40960xf32, #tpu.memory_space<hbm>> -> memref<160xf32, #tpu.memory_space<hbm>>
      %dma_wait3A_51 = arith.constant 0 : i32
      %dma_wait3A_52 = tpu.memref_slice %arg7[%run_scoped3A, %dma_wait3A_51] : memref<4x160xf32, #tpu.memory_space<vmem>> -> memref<1x160xf32, #tpu.memory_space<vmem>>
      %dma_wait3A_53 = tpu.memref_squeeze %dma_wait3A_52 : memref<1x160xf32, #tpu.memory_space<vmem>> -> memref<160xf32, #tpu.memory_space<vmem>>
      tpu.wait_dma2 semaphore(%run_scoped3A_39 : memref<!tpu.dma_semaphore, #tpu.memory_space<semaphore_mem>>) src(%dma_wait3A_53 : memref<160xf32, #tpu.memory_space<vmem>>) dst(%dma_wait3A_50 : memref<160xf32, #tpu.memory_space<hbm>>)
      tpu.yield
    }) : () -> ()
    %add3A_11 = arith.constant 5120 : i32
    %add3A_12 = arith.addi %add3A_11, %mul3A_2 : i32
    %run_scoped3A_13 = arith.constant 1 : i32
    "tpu.region"() ({
      %run_scoped3A_39 = tpu.sem_alloc : memref<!tpu.dma_semaphore, #tpu.memory_space<semaphore_mem>>
      %dma_start3A = arith.constant 0 : i32
      %dma_start3A_40 = tpu.memref_slice %arg7[%run_scoped3A_13, %dma_start3A] : memref<4x160xf32, #tpu.memory_space<vmem>> -> memref<1x160xf32, #tpu.memory_space<vmem>>
      %dma_start3A_41 = tpu.memref_squeeze %dma_start3A_40 : memref<1x160xf32, #tpu.memory_space<vmem>> -> memref<160xf32, #tpu.memory_space<vmem>>
      %dma_start3A_42 = tpu.memref_slice %arg4[%add3A_12] : memref<40960xf32, #tpu.memory_space<hbm>> -> memref<160xf32, #tpu.memory_space<hbm>>
      %dma_start3A_43 = tpu.memref_slice %arg4[%add3A_12] : memref<40960xf32, #tpu.memory_space<hbm>> -> memref<160xf32, #tpu.memory_space<hbm>>
      %dma_start3A_44 = arith.constant 0 : i32
      %dma_start3A_45 = tpu.memref_slice %arg7[%run_scoped3A_13, %dma_start3A_44] : memref<4x160xf32, #tpu.memory_space<vmem>> -> memref<1x160xf32, #tpu.memory_space<vmem>>
      %dma_start3A_46 = tpu.memref_squeeze %dma_start3A_45 : memref<1x160xf32, #tpu.memory_space<vmem>> -> memref<160xf32, #tpu.memory_space<vmem>>
      tpu.enqueue_dma source(%dma_start3A_46 : memref<160xf32, #tpu.memory_space<vmem>>) target(%dma_start3A_43 : memref<160xf32, #tpu.memory_space<hbm>>) target_semaphore(%run_scoped3A_39 : memref<!tpu.dma_semaphore, #tpu.memory_space<semaphore_mem>>)
      %dma_wait3A = arith.constant 0 : i32
      %dma_wait3A_47 = tpu.memref_slice %arg7[%run_scoped3A_13, %dma_wait3A] : memref<4x160xf32, #tpu.memory_space<vmem>> -> memref<1x160xf32, #tpu.memory_space<vmem>>
      %dma_wait3A_48 = tpu.memref_squeeze %dma_wait3A_47 : memref<1x160xf32, #tpu.memory_space<vmem>> -> memref<160xf32, #tpu.memory_space<vmem>>
      %dma_wait3A_49 = tpu.memref_slice %arg4[%add3A_12] : memref<40960xf32, #tpu.memory_space<hbm>> -> memref<160xf32, #tpu.memory_space<hbm>>
      %dma_wait3A_50 = tpu.memref_slice %arg4[%add3A_12] : memref<40960xf32, #tpu.memory_space<hbm>> -> memref<160xf32, #tpu.memory_space<hbm>>
      %dma_wait3A_51 = arith.constant 0 : i32
      %dma_wait3A_52 = tpu.memref_slice %arg7[%run_scoped3A_13, %dma_wait3A_51] : memref<4x160xf32, #tpu.memory_space<vmem>> -> memref<1x160xf32, #tpu.memory_space<vmem>>
      %dma_wait3A_53 = tpu.memref_squeeze %dma_wait3A_52 : memref<1x160xf32, #tpu.memory_space<vmem>> -> memref<160xf32, #tpu.memory_space<vmem>>
      tpu.wait_dma2 semaphore(%run_scoped3A_39 : memref<!tpu.dma_semaphore, #tpu.memory_space<semaphore_mem>>) src(%dma_wait3A_53 : memref<160xf32, #tpu.memory_space<vmem>>) dst(%dma_wait3A_50 : memref<160xf32, #tpu.memory_space<hbm>>)
      tpu.yield
    }) : () -> ()
    %add3A_14 = arith.constant 10240 : i32
    %add3A_15 = arith.addi %add3A_14, %mul3A_2 : i32
    %run_scoped3A_16 = arith.constant 2 : i32
    "tpu.region"() ({
      %run_scoped3A_39 = tpu.sem_alloc : memref<!tpu.dma_semaphore, #tpu.memory_space<semaphore_mem>>
      %dma_start3A = arith.constant 0 : i32
      %dma_start3A_40 = tpu.memref_slice %arg7[%run_scoped3A_16, %dma_start3A] : memref<4x160xf32, #tpu.memory_space<vmem>> -> memref<1x160xf32, #tpu.memory_space<vmem>>
      %dma_start3A_41 = tpu.memref_squeeze %dma_start3A_40 : memref<1x160xf32, #tpu.memory_space<vmem>> -> memref<160xf32, #tpu.memory_space<vmem>>
      %dma_start3A_42 = tpu.memref_slice %arg4[%add3A_15] : memref<40960xf32, #tpu.memory_space<hbm>> -> memref<160xf32, #tpu.memory_space<hbm>>
      %dma_start3A_43 = tpu.memref_slice %arg4[%add3A_15] : memref<40960xf32, #tpu.memory_space<hbm>> -> memref<160xf32, #tpu.memory_space<hbm>>
      %dma_start3A_44 = arith.constant 0 : i32
      %dma_start3A_45 = tpu.memref_slice %arg7[%run_scoped3A_16, %dma_start3A_44] : memref<4x160xf32, #tpu.memory_space<vmem>> -> memref<1x160xf32, #tpu.memory_space<vmem>>
      %dma_start3A_46 = tpu.memref_squeeze %dma_start3A_45 : memref<1x160xf32, #tpu.memory_space<vmem>> -> memref<160xf32, #tpu.memory_space<vmem>>
      tpu.enqueue_dma source(%dma_start3A_46 : memref<160xf32, #tpu.memory_space<vmem>>) target(%dma_start3A_43 : memref<160xf32, #tpu.memory_space<hbm>>) target_semaphore(%run_scoped3A_39 : memref<!tpu.dma_semaphore, #tpu.memory_space<semaphore_mem>>)
      %dma_wait3A = arith.constant 0 : i32
      %dma_wait3A_47 = tpu.memref_slice %arg7[%run_scoped3A_16, %dma_wait3A] : memref<4x160xf32, #tpu.memory_space<vmem>> -> memref<1x160xf32, #tpu.memory_space<vmem>>
      %dma_wait3A_48 = tpu.memref_squeeze %dma_wait3A_47 : memref<1x160xf32, #tpu.memory_space<vmem>> -> memref<160xf32, #tpu.memory_space<vmem>>
      %dma_wait3A_49 = tpu.memref_slice %arg4[%add3A_15] : memref<40960xf32, #tpu.memory_space<hbm>> -> memref<160xf32, #tpu.memory_space<hbm>>
      %dma_wait3A_50 = tpu.memref_slice %arg4[%add3A_15] : memref<40960xf32, #tpu.memory_space<hbm>> -> memref<160xf32, #tpu.memory_space<hbm>>
      %dma_wait3A_51 = arith.constant 0 : i32
      %dma_wait3A_52 = tpu.memref_slice %arg7[%run_scoped3A_16, %dma_wait3A_51] : memref<4x160xf32, #tpu.memory_space<vmem>> -> memref<1x160xf32, #tpu.memory_space<vmem>>
      %dma_wait3A_53 = tpu.memref_squeeze %dma_wait3A_52 : memref<1x160xf32, #tpu.memory_space<vmem>> -> memref<160xf32, #tpu.memory_space<vmem>>
      tpu.wait_dma2 semaphore(%run_scoped3A_39 : memref<!tpu.dma_semaphore, #tpu.memory_space<semaphore_mem>>) src(%dma_wait3A_53 : memref<160xf32, #tpu.memory_space<vmem>>) dst(%dma_wait3A_50 : memref<160xf32, #tpu.memory_space<hbm>>)
      tpu.yield
    }) : () -> ()
    %add3A_17 = arith.constant 15360 : i32
    %add3A_18 = arith.addi %add3A_17, %mul3A_2 : i32
    %run_scoped3A_19 = arith.constant 3 : i32
    "tpu.region"() ({
      %run_scoped3A_39 = tpu.sem_alloc : memref<!tpu.dma_semaphore, #tpu.memory_space<semaphore_mem>>
      %dma_start3A = arith.constant 0 : i32
      %dma_start3A_40 = tpu.memref_slice %arg7[%run_scoped3A_19, %dma_start3A] : memref<4x160xf32, #tpu.memory_space<vmem>> -> memref<1x160xf32, #tpu.memory_space<vmem>>
      %dma_start3A_41 = tpu.memref_squeeze %dma_start3A_40 : memref<1x160xf32, #tpu.memory_space<vmem>> -> memref<160xf32, #tpu.memory_space<vmem>>
      %dma_start3A_42 = tpu.memref_slice %arg4[%add3A_18] : memref<40960xf32, #tpu.memory_space<hbm>> -> memref<160xf32, #tpu.memory_space<hbm>>
      %dma_start3A_43 = tpu.memref_slice %arg4[%add3A_18] : memref<40960xf32, #tpu.memory_space<hbm>> -> memref<160xf32, #tpu.memory_space<hbm>>
      %dma_start3A_44 = arith.constant 0 : i32
      %dma_start3A_45 = tpu.memref_slice %arg7[%run_scoped3A_19, %dma_start3A_44] : memref<4x160xf32, #tpu.memory_space<vmem>> -> memref<1x160xf32, #tpu.memory_space<vmem>>
      %dma_start3A_46 = tpu.memref_squeeze %dma_start3A_45 : memref<1x160xf32, #tpu.memory_space<vmem>> -> memref<160xf32, #tpu.memory_space<vmem>>
      tpu.enqueue_dma source(%dma_start3A_46 : memref<160xf32, #tpu.memory_space<vmem>>) target(%dma_start3A_43 : memref<160xf32, #tpu.memory_space<hbm>>) target_semaphore(%run_scoped3A_39 : memref<!tpu.dma_semaphore, #tpu.memory_space<semaphore_mem>>)
      %dma_wait3A = arith.constant 0 : i32
      %dma_wait3A_47 = tpu.memref_slice %arg7[%run_scoped3A_19, %dma_wait3A] : memref<4x160xf32, #tpu.memory_space<vmem>> -> memref<1x160xf32, #tpu.memory_space<vmem>>
      %dma_wait3A_48 = tpu.memref_squeeze %dma_wait3A_47 : memref<1x160xf32, #tpu.memory_space<vmem>> -> memref<160xf32, #tpu.memory_space<vmem>>
      %dma_wait3A_49 = tpu.memref_slice %arg4[%add3A_18] : memref<40960xf32, #tpu.memory_space<hbm>> -> memref<160xf32, #tpu.memory_space<hbm>>
      %dma_wait3A_50 = tpu.memref_slice %arg4[%add3A_18] : memref<40960xf32, #tpu.memory_space<hbm>> -> memref<160xf32, #tpu.memory_space<hbm>>
      %dma_wait3A_51 = arith.constant 0 : i32
      %dma_wait3A_52 = tpu.memref_slice %arg7[%run_scoped3A_19, %dma_wait3A_51] : memref<4x160xf32, #tpu.memory_space<vmem>> -> memref<1x160xf32, #tpu.memory_space<vmem>>
      %dma_wait3A_53 = tpu.memref_squeeze %dma_wait3A_52 : memref<1x160xf32, #tpu.memory_space<vmem>> -> memref<160xf32, #tpu.memory_space<vmem>>
      tpu.wait_dma2 semaphore(%run_scoped3A_39 : memref<!tpu.dma_semaphore, #tpu.memory_space<semaphore_mem>>) src(%dma_wait3A_53 : memref<160xf32, #tpu.memory_space<vmem>>) dst(%dma_wait3A_50 : memref<160xf32, #tpu.memory_space<hbm>>)
      tpu.yield
    }) : () -> ()
    "tpu.region"() ({
      %run_scoped3A_39 = tpu.sem_alloc : memref<!tpu.dma_semaphore, #tpu.memory_space<semaphore_mem>>
      %dma_start3A = arith.constant 5120 : i32
      %dma_start3A_40 = tpu.memref_slice %arg2[%dma_start3A] : memref<10240xi32, #tpu.memory_space<hbm>> -> memref<5120xi32, #tpu.memory_space<hbm>>
      %dma_start3A_41 = arith.constant 5120 : i32
      %dma_start3A_42 = tpu.memref_slice %arg2[%dma_start3A_41] : memref<10240xi32, #tpu.memory_space<hbm>> -> memref<5120xi32, #tpu.memory_space<hbm>>
      tpu.enqueue_dma source(%dma_start3A_42 : memref<5120xi32, #tpu.memory_space<hbm>>) target(%arg5 : memref<5120xi32, #tpu.memory_space<vmem>>) target_semaphore(%run_scoped3A_39 : memref<!tpu.dma_semaphore, #tpu.memory_space<semaphore_mem>>)
      %dma_wait3A = arith.constant 5120 : i32
      %dma_wait3A_43 = tpu.memref_slice %arg2[%dma_wait3A] : memref<10240xi32, #tpu.memory_space<hbm>> -> memref<5120xi32, #tpu.memory_space<hbm>>
      %dma_wait3A_44 = arith.constant 5120 : i32
      %dma_wait3A_45 = tpu.memref_slice %arg2[%dma_wait3A_44] : memref<10240xi32, #tpu.memory_space<hbm>> -> memref<5120xi32, #tpu.memory_space<hbm>>
      tpu.wait_dma2 semaphore(%run_scoped3A_39 : memref<!tpu.dma_semaphore, #tpu.memory_space<semaphore_mem>>) src(%dma_wait3A_45 : memref<5120xi32, #tpu.memory_space<hbm>>) dst(%arg5 : memref<5120xi32, #tpu.memory_space<vmem>>)
      tpu.yield
    }) : () -> ()
    "tpu.region"() ({
      %run_scoped3A_39 = tpu.sem_alloc : memref<!tpu.dma_semaphore, #tpu.memory_space<semaphore_mem>>
      %dma_start3A = arith.constant 20480 : i32
      %dma_start3A_40 = tpu.memref_slice %arg3[%dma_start3A] : memref<40960xf32, #tpu.memory_space<hbm>> -> memref<20480xf32, #tpu.memory_space<hbm>>
      %dma_start3A_41 = arith.constant 20480 : i32
      %dma_start3A_42 = tpu.memref_slice %arg3[%dma_start3A_41] : memref<40960xf32, #tpu.memory_space<hbm>> -> memref<20480xf32, #tpu.memory_space<hbm>>
      tpu.enqueue_dma source(%dma_start3A_42 : memref<20480xf32, #tpu.memory_space<hbm>>) target(%arg6 : memref<20480xf32, #tpu.memory_space<vmem>>) target_semaphore(%run_scoped3A_39 : memref<!tpu.dma_semaphore, #tpu.memory_space<semaphore_mem>>)
      %dma_wait3A = arith.constant 20480 : i32
      %dma_wait3A_43 = tpu.memref_slice %arg3[%dma_wait3A] : memref<40960xf32, #tpu.memory_space<hbm>> -> memref<20480xf32, #tpu.memory_space<hbm>>
      %dma_wait3A_44 = arith.constant 20480 : i32
      %dma_wait3A_45 = tpu.memref_slice %arg3[%dma_wait3A_44] : memref<40960xf32, #tpu.memory_space<hbm>> -> memref<20480xf32, #tpu.memory_space<hbm>>
      tpu.wait_dma2 semaphore(%run_scoped3A_39 : memref<!tpu.dma_semaphore, #tpu.memory_space<semaphore_mem>>) src(%dma_wait3A_45 : memref<20480xf32, #tpu.memory_space<hbm>>) dst(%arg6 : memref<20480xf32, #tpu.memory_space<vmem>>)
      tpu.yield
    }) : () -> ()
    %scan3A_20 = arith.constant 0 : i32
    %scan3A_21 = arith.constant 0 : i32
    %scan3A_22 = arith.constant 320 : i32
    %scan3A_23 = arith.addi %scan3A_21, %scan3A_22 : i32
    %scan3A_24 = arith.constant 1 : i32
    %scan3A_25 = scf.for %scan3A_39 = %scan3A_21 to %scan3A_23 step %scan3A_24 iter_args(%scan3A_40 = %scan3A_20) -> (i32)  : i32 {
      %mul3A_41 = arith.constant 16 : i32
      %mul3A_42 = arith.muli %scan3A_39, %mul3A_41 : i32
      %get3A = arith.index_cast %mul3A_42 : i32 to index
      %get3A_43 = tpu.vector_load %arg5[%get3A] {strides = array<i32>} : memref<5120xi32, #tpu.memory_space<vmem>>, vector<16xi32>,
      %ge3A = vector.broadcast %mul3A_2 : i32 to vector<16xi32>
      %ge3A_44 = arith.cmpi sge, %get3A_43, %ge3A : vector<16xi32>
      %add3A_45 = arith.constant 160 : i32
      %add3A_46 = arith.addi %mul3A_2, %add3A_45 : i32
      %lt3A = vector.broadcast %add3A_46 : i32 to vector<16xi32>
      %lt3A_47 = arith.cmpi slt, %get3A_43, %lt3A : vector<16xi32>
      %and3A = arith.andi %ge3A_44, %lt3A_47 : vector<16xi1>
      %sub3A = vector.broadcast %mul3A_2 : i32 to vector<16xi32>
      %sub3A_48 = arith.subi %get3A_43, %sub3A : vector<16xi32>
      %mul3A_49 = arith.constant 16 : i32
      %mul3A_50 = arith.muli %scan3A_39, %mul3A_49 : i32
      %add3A_51 = arith.constant 0 : i32
      %add3A_52 = arith.addi %add3A_51, %mul3A_50 : i32
      %get3A_53 = arith.index_cast %add3A_52 : i32 to index
      %get3A_54 = tpu.vector_load %arg6[%get3A_53] {strides = array<i32>} : memref<20480xf32, #tpu.memory_space<vmem>>, vector<16xf32>,
      %broadcast_in_dim3A = arith.constant 0 : i32
      %broadcast_in_dim3A_55 = vector.broadcast %broadcast_in_dim3A : i32 to vector<16xi32>
      tpu.vector_store_idx %arg7[%broadcast_in_dim3A_55, %sub3A_48], %get3A_54 masked %and3A : memref<4x160xf32, #tpu.memory_space<vmem>>[vector<16xi32>, vector<16xi32>], vector<16xf32>, vector<16xi1>
      %mul3A_56 = arith.constant 16 : i32
      %mul3A_57 = arith.muli %scan3A_39, %mul3A_56 : i32
      %add3A_58 = arith.constant 5120 : i32
      %add3A_59 = arith.addi %add3A_58, %mul3A_57 : i32
      %get3A_60 = arith.index_cast %add3A_59 : i32 to index
      %get3A_61 = tpu.vector_load %arg6[%get3A_60] {strides = array<i32>} : memref<20480xf32, #tpu.memory_space<vmem>>, vector<16xf32>,
      %broadcast_in_dim3A_62 = arith.constant 1 : i32
      %broadcast_in_dim3A_63 = vector.broadcast %broadcast_in_dim3A_62 : i32 to vector<16xi32>
      tpu.vector_store_idx %arg7[%broadcast_in_dim3A_63, %sub3A_48], %get3A_61 masked %and3A : memref<4x160xf32, #tpu.memory_space<vmem>>[vector<16xi32>, vector<16xi32>], vector<16xf32>, vector<16xi1>
      %mul3A_64 = arith.constant 16 : i32
      %mul3A_65 = arith.muli %scan3A_39, %mul3A_64 : i32
      %add3A_66 = arith.constant 10240 : i32
      %add3A_67 = arith.addi %add3A_66, %mul3A_65 : i32
      %get3A_68 = arith.index_cast %add3A_67 : i32 to index
      %get3A_69 = tpu.vector_load %arg6[%get3A_68] {strides = array<i32>} : memref<20480xf32, #tpu.memory_space<vmem>>, vector<16xf32>,
      %broadcast_in_dim3A_70 = arith.constant 2 : i32
      %broadcast_in_dim3A_71 = vector.broadcast %broadcast_in_dim3A_70 : i32 to vector<16xi32>
      tpu.vector_store_idx %arg7[%broadcast_in_dim3A_71, %sub3A_48], %get3A_69 masked %and3A : memref<4x160xf32, #tpu.memory_space<vmem>>[vector<16xi32>, vector<16xi32>], vector<16xf32>, vector<16xi1>
      %mul3A_72 = arith.constant 16 : i32
      %mul3A_73 = arith.muli %scan3A_39, %mul3A_72 : i32
      %add3A_74 = arith.constant 15360 : i32
      %add3A_75 = arith.addi %add3A_74, %mul3A_73 : i32
      %get3A_76 = arith.index_cast %add3A_75 : i32 to index
      %get3A_77 = tpu.vector_load %arg6[%get3A_76] {strides = array<i32>} : memref<20480xf32, #tpu.memory_space<vmem>>, vector<16xf32>,
      %broadcast_in_dim3A_78 = arith.constant 3 : i32
      %broadcast_in_dim3A_79 = vector.broadcast %broadcast_in_dim3A_78 : i32 to vector<16xi32>
      tpu.vector_store_idx %arg7[%broadcast_in_dim3A_79, %sub3A_48], %get3A_77 masked %and3A : memref<4x160xf32, #tpu.memory_space<vmem>>[vector<16xi32>, vector<16xi32>], vector<16xf32>, vector<16xi1>
      %scan3A_80 = arith.constant 0 : i32
      scf.yield %scan3A_80 : i32
    }
    %scan3A_26 = arith.constant 320 : i32
    %add3A_27 = arith.constant 20480 : i32
    %add3A_28 = arith.addi %add3A_27, %mul3A_2 : i32
    %run_scoped3A_29 = arith.constant 0 : i32
    "tpu.region"() ({
      %run_scoped3A_39 = tpu.sem_alloc : memref<!tpu.dma_semaphore, #tpu.memory_space<semaphore_mem>>
      %dma_start3A = arith.constant 0 : i32
      %dma_start3A_40 = tpu.memref_slice %arg7[%run_scoped3A_29, %dma_start3A] : memref<4x160xf32, #tpu.memory_space<vmem>> -> memref<1x160xf32, #tpu.memory_space<vmem>>
      %dma_start3A_41 = tpu.memref_squeeze %dma_start3A_40 : memref<1x160xf32, #tpu.memory_space<vmem>> -> memref<160xf32, #tpu.memory_space<vmem>>
      %dma_start3A_42 = tpu.memref_slice %arg4[%add3A_28] : memref<40960xf32, #tpu.memory_space<hbm>> -> memref<160xf32, #tpu.memory_space<hbm>>
      %dma_start3A_43 = tpu.memref_slice %arg4[%add3A_28] : memref<40960xf32, #tpu.memory_space<hbm>> -> memref<160xf32, #tpu.memory_space<hbm>>
      %dma_start3A_44 = arith.constant 0 : i32
      %dma_start3A_45 = tpu.memref_slice %arg7[%run_scoped3A_29, %dma_start3A_44] : memref<4x160xf32, #tpu.memory_space<vmem>> -> memref<1x160xf32, #tpu.memory_space<vmem>>
      %dma_start3A_46 = tpu.memref_squeeze %dma_start3A_45 : memref<1x160xf32, #tpu.memory_space<vmem>> -> memref<160xf32, #tpu.memory_space<vmem>>
      tpu.enqueue_dma source(%dma_start3A_46 : memref<160xf32, #tpu.memory_space<vmem>>) target(%dma_start3A_43 : memref<160xf32, #tpu.memory_space<hbm>>) target_semaphore(%run_scoped3A_39 : memref<!tpu.dma_semaphore, #tpu.memory_space<semaphore_mem>>)
      %dma_wait3A = arith.constant 0 : i32
      %dma_wait3A_47 = tpu.memref_slice %arg7[%run_scoped3A_29, %dma_wait3A] : memref<4x160xf32, #tpu.memory_space<vmem>> -> memref<1x160xf32, #tpu.memory_space<vmem>>
      %dma_wait3A_48 = tpu.memref_squeeze %dma_wait3A_47 : memref<1x160xf32, #tpu.memory_space<vmem>> -> memref<160xf32, #tpu.memory_space<vmem>>
      %dma_wait3A_49 = tpu.memref_slice %arg4[%add3A_28] : memref<40960xf32, #tpu.memory_space<hbm>> -> memref<160xf32, #tpu.memory_space<hbm>>
      %dma_wait3A_50 = tpu.memref_slice %arg4[%add3A_28] : memref<40960xf32, #tpu.memory_space<hbm>> -> memref<160xf32, #tpu.memory_space<hbm>>
      %dma_wait3A_51 = arith.constant 0 : i32
      %dma_wait3A_52 = tpu.memref_slice %arg7[%run_scoped3A_29, %dma_wait3A_51] : memref<4x160xf32, #tpu.memory_space<vmem>> -> memref<1x160xf32, #tpu.memory_space<vmem>>
      %dma_wait3A_53 = tpu.memref_squeeze %dma_wait3A_52 : memref<1x160xf32, #tpu.memory_space<vmem>> -> memref<160xf32, #tpu.memory_space<vmem>>
      tpu.wait_dma2 semaphore(%run_scoped3A_39 : memref<!tpu.dma_semaphore, #tpu.memory_space<semaphore_mem>>) src(%dma_wait3A_53 : memref<160xf32, #tpu.memory_space<vmem>>) dst(%dma_wait3A_50 : memref<160xf32, #tpu.memory_space<hbm>>)
      tpu.yield
    }) : () -> ()
    %add3A_30 = arith.constant 25600 : i32
    %add3A_31 = arith.addi %add3A_30, %mul3A_2 : i32
    %run_scoped3A_32 = arith.constant 1 : i32
    "tpu.region"() ({
      %run_scoped3A_39 = tpu.sem_alloc : memref<!tpu.dma_semaphore, #tpu.memory_space<semaphore_mem>>
      %dma_start3A = arith.constant 0 : i32
      %dma_start3A_40 = tpu.memref_slice %arg7[%run_scoped3A_32, %dma_start3A] : memref<4x160xf32, #tpu.memory_space<vmem>> -> memref<1x160xf32, #tpu.memory_space<vmem>>
      %dma_start3A_41 = tpu.memref_squeeze %dma_start3A_40 : memref<1x160xf32, #tpu.memory_space<vmem>> -> memref<160xf32, #tpu.memory_space<vmem>>
      %dma_start3A_42 = tpu.memref_slice %arg4[%add3A_31] : memref<40960xf32, #tpu.memory_space<hbm>> -> memref<160xf32, #tpu.memory_space<hbm>>
      %dma_start3A_43 = tpu.memref_slice %arg4[%add3A_31] : memref<40960xf32, #tpu.memory_space<hbm>> -> memref<160xf32, #tpu.memory_space<hbm>>
      %dma_start3A_44 = arith.constant 0 : i32
      %dma_start3A_45 = tpu.memref_slice %arg7[%run_scoped3A_32, %dma_start3A_44] : memref<4x160xf32, #tpu.memory_space<vmem>> -> memref<1x160xf32, #tpu.memory_space<vmem>>
      %dma_start3A_46 = tpu.memref_squeeze %dma_start3A_45 : memref<1x160xf32, #tpu.memory_space<vmem>> -> memref<160xf32, #tpu.memory_space<vmem>>
      tpu.enqueue_dma source(%dma_start3A_46 : memref<160xf32, #tpu.memory_space<vmem>>) target(%dma_start3A_43 : memref<160xf32, #tpu.memory_space<hbm>>) target_semaphore(%run_scoped3A_39 : memref<!tpu.dma_semaphore, #tpu.memory_space<semaphore_mem>>)
      %dma_wait3A = arith.constant 0 : i32
      %dma_wait3A_47 = tpu.memref_slice %arg7[%run_scoped3A_32, %dma_wait3A] : memref<4x160xf32, #tpu.memory_space<vmem>> -> memref<1x160xf32, #tpu.memory_space<vmem>>
      %dma_wait3A_48 = tpu.memref_squeeze %dma_wait3A_47 : memref<1x160xf32, #tpu.memory_space<vmem>> -> memref<160xf32, #tpu.memory_space<vmem>>
      %dma_wait3A_49 = tpu.memref_slice %arg4[%add3A_31] : memref<40960xf32, #tpu.memory_space<hbm>> -> memref<160xf32, #tpu.memory_space<hbm>>
      %dma_wait3A_50 = tpu.memref_slice %arg4[%add3A_31] : memref<40960xf32, #tpu.memory_space<hbm>> -> memref<160xf32, #tpu.memory_space<hbm>>
      %dma_wait3A_51 = arith.constant 0 : i32
      %dma_wait3A_52 = tpu.memref_slice %arg7[%run_scoped3A_32, %dma_wait3A_51] : memref<4x160xf32, #tpu.memory_space<vmem>> -> memref<1x160xf32, #tpu.memory_space<vmem>>
      %dma_wait3A_53 = tpu.memref_squeeze %dma_wait3A_52 : memref<1x160xf32, #tpu.memory_space<vmem>> -> memref<160xf32, #tpu.memory_space<vmem>>
      tpu.wait_dma2 semaphore(%run_scoped3A_39 : memref<!tpu.dma_semaphore, #tpu.memory_space<semaphore_mem>>) src(%dma_wait3A_53 : memref<160xf32, #tpu.memory_space<vmem>>) dst(%dma_wait3A_50 : memref<160xf32, #tpu.memory_space<hbm>>)
      tpu.yield
    }) : () -> ()
    %add3A_33 = arith.constant 30720 : i32
    %add3A_34 = arith.addi %add3A_33, %mul3A_2 : i32
    %run_scoped3A_35 = arith.constant 2 : i32
    "tpu.region"() ({
      %run_scoped3A_39 = tpu.sem_alloc : memref<!tpu.dma_semaphore, #tpu.memory_space<semaphore_mem>>
      %dma_start3A = arith.constant 0 : i32
      %dma_start3A_40 = tpu.memref_slice %arg7[%run_scoped3A_35, %dma_start3A] : memref<4x160xf32, #tpu.memory_space<vmem>> -> memref<1x160xf32, #tpu.memory_space<vmem>>
      %dma_start3A_41 = tpu.memref_squeeze %dma_start3A_40 : memref<1x160xf32, #tpu.memory_space<vmem>> -> memref<160xf32, #tpu.memory_space<vmem>>
      %dma_start3A_42 = tpu.memref_slice %arg4[%add3A_34] : memref<40960xf32, #tpu.memory_space<hbm>> -> memref<160xf32, #tpu.memory_space<hbm>>
      %dma_start3A_43 = tpu.memref_slice %arg4[%add3A_34] : memref<40960xf32, #tpu.memory_space<hbm>> -> memref<160xf32, #tpu.memory_space<hbm>>
      %dma_start3A_44 = arith.constant 0 : i32
      %dma_start3A_45 = tpu.memref_slice %arg7[%run_scoped3A_35, %dma_start3A_44] : memref<4x160xf32, #tpu.memory_space<vmem>> -> memref<1x160xf32, #tpu.memory_space<vmem>>
      %dma_start3A_46 = tpu.memref_squeeze %dma_start3A_45 : memref<1x160xf32, #tpu.memory_space<vmem>> -> memref<160xf32, #tpu.memory_space<vmem>>
      tpu.enqueue_dma source(%dma_start3A_46 : memref<160xf32, #tpu.memory_space<vmem>>) target(%dma_start3A_43 : memref<160xf32, #tpu.memory_space<hbm>>) target_semaphore(%run_scoped3A_39 : memref<!tpu.dma_semaphore, #tpu.memory_space<semaphore_mem>>)
      %dma_wait3A = arith.constant 0 : i32
      %dma_wait3A_47 = tpu.memref_slice %arg7[%run_scoped3A_35, %dma_wait3A] : memref<4x160xf32, #tpu.memory_space<vmem>> -> memref<1x160xf32, #tpu.memory_space<vmem>>
      %dma_wait3A_48 = tpu.memref_squeeze %dma_wait3A_47 : memref<1x160xf32, #tpu.memory_space<vmem>> -> memref<160xf32, #tpu.memory_space<vmem>>
      %dma_wait3A_49 = tpu.memref_slice %arg4[%add3A_34] : memref<40960xf32, #tpu.memory_space<hbm>> -> memref<160xf32, #tpu.memory_space<hbm>>
      %dma_wait3A_50 = tpu.memref_slice %arg4[%add3A_34] : memref<40960xf32, #tpu.memory_space<hbm>> -> memref<160xf32, #tpu.memory_space<hbm>>
      %dma_wait3A_51 = arith.constant 0 : i32
      %dma_wait3A_52 = tpu.memref_slice %arg7[%run_scoped3A_35, %dma_wait3A_51] : memref<4x160xf32, #tpu.memory_space<vmem>> -> memref<1x160xf32, #tpu.memory_space<vmem>>
      %dma_wait3A_53 = tpu.memref_squeeze %dma_wait3A_52 : memref<1x160xf32, #tpu.memory_space<vmem>> -> memref<160xf32, #tpu.memory_space<vmem>>
      tpu.wait_dma2 semaphore(%run_scoped3A_39 : memref<!tpu.dma_semaphore, #tpu.memory_space<semaphore_mem>>) src(%dma_wait3A_53 : memref<160xf32, #tpu.memory_space<vmem>>) dst(%dma_wait3A_50 : memref<160xf32, #tpu.memory_space<hbm>>)
      tpu.yield
    }) : () -> ()
    %add3A_36 = arith.constant 35840 : i32
    %add3A_37 = arith.addi %add3A_36, %mul3A_2 : i32
    %run_scoped3A_38 = arith.constant 3 : i32
    "tpu.region"() ({
      %run_scoped3A_39 = tpu.sem_alloc : memref<!tpu.dma_semaphore, #tpu.memory_space<semaphore_mem>>
      %dma_start3A = arith.constant 0 : i32
      %dma_start3A_40 = tpu.memref_slice %arg7[%run_scoped3A_38, %dma_start3A] : memref<4x160xf32, #tpu.memory_space<vmem>> -> memref<1x160xf32, #tpu.memory_space<vmem>>
      %dma_start3A_41 = tpu.memref_squeeze %dma_start3A_40 : memref<1x160xf32, #tpu.memory_space<vmem>> -> memref<160xf32, #tpu.memory_space<vmem>>
      %dma_start3A_42 = tpu.memref_slice %arg4[%add3A_37] : memref<40960xf32, #tpu.memory_space<hbm>> -> memref<160xf32, #tpu.memory_space<hbm>>
      %dma_start3A_43 = tpu.memref_slice %arg4[%add3A_37] : memref<40960xf32, #tpu.memory_space<hbm>> -> memref<160xf32, #tpu.memory_space<hbm>>
      %dma_start3A_44 = arith.constant 0 : i32
      %dma_start3A_45 = tpu.memref_slice %arg7[%run_scoped3A_38, %dma_start3A_44] : memref<4x160xf32, #tpu.memory_space<vmem>> -> memref<1x160xf32, #tpu.memory_space<vmem>>
      %dma_start3A_46 = tpu.memref_squeeze %dma_start3A_45 : memref<1x160xf32, #tpu.memory_space<vmem>> -> memref<160xf32, #tpu.memory_space<vmem>>
      tpu.enqueue_dma source(%dma_start3A_46 : memref<160xf32, #tpu.memory_space<vmem>>) target(%dma_start3A_43 : memref<160xf32, #tpu.memory_space<hbm>>) target_semaphore(%run_scoped3A_39 : memref<!tpu.dma_semaphore, #tpu.memory_space<semaphore_mem>>)
      %dma_wait3A = arith.constant 0 : i32
      %dma_wait3A_47 = tpu.memref_slice %arg7[%run_scoped3A_38, %dma_wait3A] : memref<4x160xf32, #tpu.memory_space<vmem>> -> memref<1x160xf32, #tpu.memory_space<vmem>>
      %dma_wait3A_48 = tpu.memref_squeeze %dma_wait3A_47 : memref<1x160xf32, #tpu.memory_space<vmem>> -> memref<160xf32, #tpu.memory_space<vmem>>
      %dma_wait3A_49 = tpu.memref_slice %arg4[%add3A_37] : memref<40960xf32, #tpu.memory_space<hbm>> -> memref<160xf32, #tpu.memory_space<hbm>>
      %dma_wait3A_50 = tpu.memref_slice %arg4[%add3A_37] : memref<40960xf32, #tpu.memory_space<hbm>> -> memref<160xf32, #tpu.memory_space<hbm>>
      %dma_wait3A_51 = arith.constant 0 : i32
      %dma_wait3A_52 = tpu.memref_slice %arg7[%run_scoped3A_38, %dma_wait3A_51] : memref<4x160xf32, #tpu.memory_space<vmem>> -> memref<1x160xf32, #tpu.memory_space<vmem>>
      %dma_wait3A_53 = tpu.memref_squeeze %dma_wait3A_52 : memref<1x160xf32, #tpu.memory_space<vmem>> -> memref<160xf32, #tpu.memory_space<vmem>>
      tpu.wait_dma2 semaphore(%run_scoped3A_39 : memref<!tpu.dma_semaphore, #tpu.memory_space<semaphore_mem>>) src(%dma_wait3A_53 : memref<160xf32, #tpu.memory_space<vmem>>) dst(%dma_wait3A_50 : memref<160xf32, #tpu.memory_space<hbm>>)
      tpu.yield
    }) : () -> ()
    return
  }
}

#map = affine_map<(d0, d1) -> (0)>
module attributes {stable_mosaic.version = 14 : i64} {
  func.func @body(%arg0: i32, %arg1: i32, %arg2: memref<10240xi32, #tpu.memory_space<hbm>>, %arg3: memref<40960xf32, #tpu.memory_space<hbm>>, %arg4: memref<16384xf32, #tpu.memory_space<hbm>>, %arg5: memref<5120xi32, #tpu.memory_space<vmem>>, %arg6: memref<20480xf32, #tpu.memory_space<vmem>>, %arg7: memref<16x16xf32, #tpu.memory_space<vmem>>) attributes {dimension_semantics = [#tpu.dimension_semantics<core_parallel>, #tpu.dimension_semantics<subcore_parallel>], iteration_bounds = array<i64: 2, 16>, scalar_prefetch = 0 : i64, scratch_operands = 3 : i64, tpu.core_type = #tpu.core_type<sc_vector_subcore>, window_params = [{transform_indices = #map}, {transform_indices = #map}, {transform_indices = #map}]} {
    %mul3A = arith.constant 2 : i32
    %mul3A_0 = arith.muli %arg1, %mul3A : i32
    %add3A = arith.addi %mul3A_0, %arg0 : i32
    %mul3A_1 = arith.constant 64 : i32
    %mul3A_2 = arith.muli %add3A, %mul3A_1 : i32
    "tpu.region"() ({
      %run_scoped3A_429 = tpu.sem_alloc : memref<!tpu.dma_semaphore, #tpu.memory_space<semaphore_mem>>
      %dma_start3A = arith.constant 0 : i32
      %dma_start3A_430 = tpu.memref_slice %arg2[%dma_start3A] : memref<10240xi32, #tpu.memory_space<hbm>> -> memref<5120xi32, #tpu.memory_space<hbm>>
      %dma_start3A_431 = arith.constant 0 : i32
      %dma_start3A_432 = tpu.memref_slice %arg2[%dma_start3A_431] : memref<10240xi32, #tpu.memory_space<hbm>> -> memref<5120xi32, #tpu.memory_space<hbm>>
      tpu.enqueue_dma source(%dma_start3A_432 : memref<5120xi32, #tpu.memory_space<hbm>>) target(%arg5 : memref<5120xi32, #tpu.memory_space<vmem>>) target_semaphore(%run_scoped3A_429 : memref<!tpu.dma_semaphore, #tpu.memory_space<semaphore_mem>>)
      %dma_wait3A = arith.constant 0 : i32
      %dma_wait3A_433 = tpu.memref_slice %arg2[%dma_wait3A] : memref<10240xi32, #tpu.memory_space<hbm>> -> memref<5120xi32, #tpu.memory_space<hbm>>
      %dma_wait3A_434 = arith.constant 0 : i32
      %dma_wait3A_435 = tpu.memref_slice %arg2[%dma_wait3A_434] : memref<10240xi32, #tpu.memory_space<hbm>> -> memref<5120xi32, #tpu.memory_space<hbm>>
      tpu.wait_dma2 semaphore(%run_scoped3A_429 : memref<!tpu.dma_semaphore, #tpu.memory_space<semaphore_mem>>) src(%dma_wait3A_435 : memref<5120xi32, #tpu.memory_space<hbm>>) dst(%arg5 : memref<5120xi32, #tpu.memory_space<vmem>>)
      tpu.yield
    }) : () -> ()
    "tpu.region"() ({
      %run_scoped3A_429 = tpu.sem_alloc : memref<!tpu.dma_semaphore, #tpu.memory_space<semaphore_mem>>
      %dma_start3A = arith.constant 0 : i32
      %dma_start3A_430 = tpu.memref_slice %arg3[%dma_start3A] : memref<40960xf32, #tpu.memory_space<hbm>> -> memref<20480xf32, #tpu.memory_space<hbm>>
      %dma_start3A_431 = arith.constant 0 : i32
      %dma_start3A_432 = tpu.memref_slice %arg3[%dma_start3A_431] : memref<40960xf32, #tpu.memory_space<hbm>> -> memref<20480xf32, #tpu.memory_space<hbm>>
      tpu.enqueue_dma source(%dma_start3A_432 : memref<20480xf32, #tpu.memory_space<hbm>>) target(%arg6 : memref<20480xf32, #tpu.memory_space<vmem>>) target_semaphore(%run_scoped3A_429 : memref<!tpu.dma_semaphore, #tpu.memory_space<semaphore_mem>>)
      %dma_wait3A = arith.constant 0 : i32
      %dma_wait3A_433 = tpu.memref_slice %arg3[%dma_wait3A] : memref<40960xf32, #tpu.memory_space<hbm>> -> memref<20480xf32, #tpu.memory_space<hbm>>
      %dma_wait3A_434 = arith.constant 0 : i32
      %dma_wait3A_435 = tpu.memref_slice %arg3[%dma_wait3A_434] : memref<40960xf32, #tpu.memory_space<hbm>> -> memref<20480xf32, #tpu.memory_space<hbm>>
      tpu.wait_dma2 semaphore(%run_scoped3A_429 : memref<!tpu.dma_semaphore, #tpu.memory_space<semaphore_mem>>) src(%dma_wait3A_435 : memref<20480xf32, #tpu.memory_space<hbm>>) dst(%arg6 : memref<20480xf32, #tpu.memory_space<vmem>>)
      tpu.yield
    }) : () -> ()
    %broadcast_in_dim3A = arith.constant 0.000000e+00 : f32
    %broadcast_in_dim3A_3 = vector.broadcast %broadcast_in_dim3A : f32 to vector<16xf32>
    %swap3A = arith.constant 0 : i32
    %swap3A_4 = arith.index_cast %swap3A : i32 to index
    %swap3A_5 = arith.constant 0 : index
    %swap3A_6 = tpu.vector_load %arg7[%swap3A_4, %swap3A_5] {strides = array<i32>} : memref<16x16xf32, #tpu.memory_space<vmem>>, vector<16xf32>,
    tpu.vector_store %arg7[%swap3A_4, %swap3A_5], %broadcast_in_dim3A_3 {strides = array<i32>} : memref<16x16xf32, #tpu.memory_space<vmem>>, vector<16xf32>,
    %broadcast_in_dim3A_7 = arith.constant 0.000000e+00 : f32
    %broadcast_in_dim3A_8 = vector.broadcast %broadcast_in_dim3A_7 : f32 to vector<16xf32>
    %swap3A_9 = arith.constant 1 : i32
    %swap3A_10 = arith.index_cast %swap3A_9 : i32 to index
    %swap3A_11 = arith.constant 0 : index
    %swap3A_12 = tpu.vector_load %arg7[%swap3A_10, %swap3A_11] {strides = array<i32>} : memref<16x16xf32, #tpu.memory_space<vmem>>, vector<16xf32>,
    tpu.vector_store %arg7[%swap3A_10, %swap3A_11], %broadcast_in_dim3A_8 {strides = array<i32>} : memref<16x16xf32, #tpu.memory_space<vmem>>, vector<16xf32>,
    %broadcast_in_dim3A_13 = arith.constant 0.000000e+00 : f32
    %broadcast_in_dim3A_14 = vector.broadcast %broadcast_in_dim3A_13 : f32 to vector<16xf32>
    %swap3A_15 = arith.constant 2 : i32
    %swap3A_16 = arith.index_cast %swap3A_15 : i32 to index
    %swap3A_17 = arith.constant 0 : index
    %swap3A_18 = tpu.vector_load %arg7[%swap3A_16, %swap3A_17] {strides = array<i32>} : memref<16x16xf32, #tpu.memory_space<vmem>>, vector<16xf32>,
    tpu.vector_store %arg7[%swap3A_16, %swap3A_17], %broadcast_in_dim3A_14 {strides = array<i32>} : memref<16x16xf32, #tpu.memory_space<vmem>>, vector<16xf32>,
    %broadcast_in_dim3A_19 = arith.constant 0.000000e+00 : f32
    %broadcast_in_dim3A_20 = vector.broadcast %broadcast_in_dim3A_19 : f32 to vector<16xf32>
    %swap3A_21 = arith.constant 3 : i32
    %swap3A_22 = arith.index_cast %swap3A_21 : i32 to index
    %swap3A_23 = arith.constant 0 : index
    %swap3A_24 = tpu.vector_load %arg7[%swap3A_22, %swap3A_23] {strides = array<i32>} : memref<16x16xf32, #tpu.memory_space<vmem>>, vector<16xf32>,
    tpu.vector_store %arg7[%swap3A_22, %swap3A_23], %broadcast_in_dim3A_20 {strides = array<i32>} : memref<16x16xf32, #tpu.memory_space<vmem>>, vector<16xf32>,
    %broadcast_in_dim3A_25 = arith.constant 0.000000e+00 : f32
    %broadcast_in_dim3A_26 = vector.broadcast %broadcast_in_dim3A_25 : f32 to vector<16xf32>
    %swap3A_27 = arith.constant 4 : i32
    %swap3A_28 = arith.index_cast %swap3A_27 : i32 to index
    %swap3A_29 = arith.constant 0 : index
    %swap3A_30 = tpu.vector_load %arg7[%swap3A_28, %swap3A_29] {strides = array<i32>} : memref<16x16xf32, #tpu.memory_space<vmem>>, vector<16xf32>,
    tpu.vector_store %arg7[%swap3A_28, %swap3A_29], %broadcast_in_dim3A_26 {strides = array<i32>} : memref<16x16xf32, #tpu.memory_space<vmem>>, vector<16xf32>,
    %broadcast_in_dim3A_31 = arith.constant 0.000000e+00 : f32
    %broadcast_in_dim3A_32 = vector.broadcast %broadcast_in_dim3A_31 : f32 to vector<16xf32>
    %swap3A_33 = arith.constant 5 : i32
    %swap3A_34 = arith.index_cast %swap3A_33 : i32 to index
    %swap3A_35 = arith.constant 0 : index
    %swap3A_36 = tpu.vector_load %arg7[%swap3A_34, %swap3A_35] {strides = array<i32>} : memref<16x16xf32, #tpu.memory_space<vmem>>, vector<16xf32>,
    tpu.vector_store %arg7[%swap3A_34, %swap3A_35], %broadcast_in_dim3A_32 {strides = array<i32>} : memref<16x16xf32, #tpu.memory_space<vmem>>, vector<16xf32>,
    %broadcast_in_dim3A_37 = arith.constant 0.000000e+00 : f32
    %broadcast_in_dim3A_38 = vector.broadcast %broadcast_in_dim3A_37 : f32 to vector<16xf32>
    %swap3A_39 = arith.constant 6 : i32
    %swap3A_40 = arith.index_cast %swap3A_39 : i32 to index
    %swap3A_41 = arith.constant 0 : index
    %swap3A_42 = tpu.vector_load %arg7[%swap3A_40, %swap3A_41] {strides = array<i32>} : memref<16x16xf32, #tpu.memory_space<vmem>>, vector<16xf32>,
    tpu.vector_store %arg7[%swap3A_40, %swap3A_41], %broadcast_in_dim3A_38 {strides = array<i32>} : memref<16x16xf32, #tpu.memory_space<vmem>>, vector<16xf32>,
    %broadcast_in_dim3A_43 = arith.constant 0.000000e+00 : f32
    %broadcast_in_dim3A_44 = vector.broadcast %broadcast_in_dim3A_43 : f32 to vector<16xf32>
    %swap3A_45 = arith.constant 7 : i32
    %swap3A_46 = arith.index_cast %swap3A_45 : i32 to index
    %swap3A_47 = arith.constant 0 : index
    %swap3A_48 = tpu.vector_load %arg7[%swap3A_46, %swap3A_47] {strides = array<i32>} : memref<16x16xf32, #tpu.memory_space<vmem>>, vector<16xf32>,
    tpu.vector_store %arg7[%swap3A_46, %swap3A_47], %broadcast_in_dim3A_44 {strides = array<i32>} : memref<16x16xf32, #tpu.memory_space<vmem>>, vector<16xf32>,
    %broadcast_in_dim3A_49 = arith.constant 0.000000e+00 : f32
    %broadcast_in_dim3A_50 = vector.broadcast %broadcast_in_dim3A_49 : f32 to vector<16xf32>
    %swap3A_51 = arith.constant 8 : i32
    %swap3A_52 = arith.index_cast %swap3A_51 : i32 to index
    %swap3A_53 = arith.constant 0 : index
    %swap3A_54 = tpu.vector_load %arg7[%swap3A_52, %swap3A_53] {strides = array<i32>} : memref<16x16xf32, #tpu.memory_space<vmem>>, vector<16xf32>,
    tpu.vector_store %arg7[%swap3A_52, %swap3A_53], %broadcast_in_dim3A_50 {strides = array<i32>} : memref<16x16xf32, #tpu.memory_space<vmem>>, vector<16xf32>,
    %broadcast_in_dim3A_55 = arith.constant 0.000000e+00 : f32
    %broadcast_in_dim3A_56 = vector.broadcast %broadcast_in_dim3A_55 : f32 to vector<16xf32>
    %swap3A_57 = arith.constant 9 : i32
    %swap3A_58 = arith.index_cast %swap3A_57 : i32 to index
    %swap3A_59 = arith.constant 0 : index
    %swap3A_60 = tpu.vector_load %arg7[%swap3A_58, %swap3A_59] {strides = array<i32>} : memref<16x16xf32, #tpu.memory_space<vmem>>, vector<16xf32>,
    tpu.vector_store %arg7[%swap3A_58, %swap3A_59], %broadcast_in_dim3A_56 {strides = array<i32>} : memref<16x16xf32, #tpu.memory_space<vmem>>, vector<16xf32>,
    %broadcast_in_dim3A_61 = arith.constant 0.000000e+00 : f32
    %broadcast_in_dim3A_62 = vector.broadcast %broadcast_in_dim3A_61 : f32 to vector<16xf32>
    %swap3A_63 = arith.constant 10 : i32
    %swap3A_64 = arith.index_cast %swap3A_63 : i32 to index
    %swap3A_65 = arith.constant 0 : index
    %swap3A_66 = tpu.vector_load %arg7[%swap3A_64, %swap3A_65] {strides = array<i32>} : memref<16x16xf32, #tpu.memory_space<vmem>>, vector<16xf32>,
    tpu.vector_store %arg7[%swap3A_64, %swap3A_65], %broadcast_in_dim3A_62 {strides = array<i32>} : memref<16x16xf32, #tpu.memory_space<vmem>>, vector<16xf32>,
    %broadcast_in_dim3A_67 = arith.constant 0.000000e+00 : f32
    %broadcast_in_dim3A_68 = vector.broadcast %broadcast_in_dim3A_67 : f32 to vector<16xf32>
    %swap3A_69 = arith.constant 11 : i32
    %swap3A_70 = arith.index_cast %swap3A_69 : i32 to index
    %swap3A_71 = arith.constant 0 : index
    %swap3A_72 = tpu.vector_load %arg7[%swap3A_70, %swap3A_71] {strides = array<i32>} : memref<16x16xf32, #tpu.memory_space<vmem>>, vector<16xf32>,
    tpu.vector_store %arg7[%swap3A_70, %swap3A_71], %broadcast_in_dim3A_68 {strides = array<i32>} : memref<16x16xf32, #tpu.memory_space<vmem>>, vector<16xf32>,
    %broadcast_in_dim3A_73 = arith.constant 0.000000e+00 : f32
    %broadcast_in_dim3A_74 = vector.broadcast %broadcast_in_dim3A_73 : f32 to vector<16xf32>
    %swap3A_75 = arith.constant 12 : i32
    %swap3A_76 = arith.index_cast %swap3A_75 : i32 to index
    %swap3A_77 = arith.constant 0 : index
    %swap3A_78 = tpu.vector_load %arg7[%swap3A_76, %swap3A_77] {strides = array<i32>} : memref<16x16xf32, #tpu.memory_space<vmem>>, vector<16xf32>,
    tpu.vector_store %arg7[%swap3A_76, %swap3A_77], %broadcast_in_dim3A_74 {strides = array<i32>} : memref<16x16xf32, #tpu.memory_space<vmem>>, vector<16xf32>,
    %broadcast_in_dim3A_79 = arith.constant 0.000000e+00 : f32
    %broadcast_in_dim3A_80 = vector.broadcast %broadcast_in_dim3A_79 : f32 to vector<16xf32>
    %swap3A_81 = arith.constant 13 : i32
    %swap3A_82 = arith.index_cast %swap3A_81 : i32 to index
    %swap3A_83 = arith.constant 0 : index
    %swap3A_84 = tpu.vector_load %arg7[%swap3A_82, %swap3A_83] {strides = array<i32>} : memref<16x16xf32, #tpu.memory_space<vmem>>, vector<16xf32>,
    tpu.vector_store %arg7[%swap3A_82, %swap3A_83], %broadcast_in_dim3A_80 {strides = array<i32>} : memref<16x16xf32, #tpu.memory_space<vmem>>, vector<16xf32>,
    %broadcast_in_dim3A_85 = arith.constant 0.000000e+00 : f32
    %broadcast_in_dim3A_86 = vector.broadcast %broadcast_in_dim3A_85 : f32 to vector<16xf32>
    %swap3A_87 = arith.constant 14 : i32
    %swap3A_88 = arith.index_cast %swap3A_87 : i32 to index
    %swap3A_89 = arith.constant 0 : index
    %swap3A_90 = tpu.vector_load %arg7[%swap3A_88, %swap3A_89] {strides = array<i32>} : memref<16x16xf32, #tpu.memory_space<vmem>>, vector<16xf32>,
    tpu.vector_store %arg7[%swap3A_88, %swap3A_89], %broadcast_in_dim3A_86 {strides = array<i32>} : memref<16x16xf32, #tpu.memory_space<vmem>>, vector<16xf32>,
    %broadcast_in_dim3A_91 = arith.constant 0.000000e+00 : f32
    %broadcast_in_dim3A_92 = vector.broadcast %broadcast_in_dim3A_91 : f32 to vector<16xf32>
    %swap3A_93 = arith.constant 15 : i32
    %swap3A_94 = arith.index_cast %swap3A_93 : i32 to index
    %swap3A_95 = arith.constant 0 : index
    %swap3A_96 = tpu.vector_load %arg7[%swap3A_94, %swap3A_95] {strides = array<i32>} : memref<16x16xf32, #tpu.memory_space<vmem>>, vector<16xf32>,
    tpu.vector_store %arg7[%swap3A_94, %swap3A_95], %broadcast_in_dim3A_92 {strides = array<i32>} : memref<16x16xf32, #tpu.memory_space<vmem>>, vector<16xf32>,
    %scan3A = arith.constant 0 : i32
    %scan3A_97 = arith.constant 0 : i32
    %scan3A_98 = arith.constant 320 : i32
    %scan3A_99 = arith.addi %scan3A_97, %scan3A_98 : i32
    %scan3A_100 = arith.constant 1 : i32
    %scan3A_101 = scf.for %scan3A_429 = %scan3A_97 to %scan3A_99 step %scan3A_100 iter_args(%scan3A_430 = %scan3A) -> (i32)  : i32 {
      %mul3A_431 = arith.constant 16 : i32
      %mul3A_432 = arith.muli %scan3A_429, %mul3A_431 : i32
      %get3A = arith.index_cast %mul3A_432 : i32 to index
      %get3A_433 = tpu.vector_load %arg5[%get3A] {strides = array<i32>} : memref<5120xi32, #tpu.memory_space<vmem>>, vector<16xi32>,
      %ge3A = vector.broadcast %mul3A_2 : i32 to vector<16xi32>
      %ge3A_434 = arith.cmpi sge, %get3A_433, %ge3A : vector<16xi32>
      %add3A_435 = arith.constant 64 : i32
      %add3A_436 = arith.addi %mul3A_2, %add3A_435 : i32
      %lt3A = vector.broadcast %add3A_436 : i32 to vector<16xi32>
      %lt3A_437 = arith.cmpi slt, %get3A_433, %lt3A : vector<16xi32>
      %and3A = arith.andi %ge3A_434, %lt3A_437 : vector<16xi1>
      %sub3A = vector.broadcast %mul3A_2 : i32 to vector<16xi32>
      %sub3A_438 = arith.subi %get3A_433, %sub3A : vector<16xi32>
      %mul3A_439 = arith.constant 16 : i32
      %mul3A_440 = arith.muli %scan3A_429, %mul3A_439 : i32
      %add3A_441 = arith.constant 0 : i32
      %add3A_442 = arith.addi %add3A_441, %mul3A_440 : i32
      %get3A_443 = arith.index_cast %add3A_442 : i32 to index
      %get3A_444 = tpu.vector_load %arg6[%get3A_443] {strides = array<i32>} : memref<20480xf32, #tpu.memory_space<vmem>>, vector<16xf32>,
      %mul3A_445 = arith.constant 4 : i32
      %mul3A_446 = vector.broadcast %mul3A_445 : i32 to vector<16xi32>
      %mul3A_447 = arith.muli %sub3A_438, %mul3A_446 : vector<16xi32>
      %add3A_448 = arith.constant 0 : i32
      %add3A_449 = vector.broadcast %add3A_448 : i32 to vector<16xi32>
      %add3A_450 = arith.addi %mul3A_447, %add3A_449 : vector<16xi32>
      %shift_right_logical3A = arith.constant 4 : i32
      %shift_right_logical3A_451 = vector.broadcast %shift_right_logical3A : i32 to vector<16xi32>
      %shift_right_logical3A_452 = arith.shrui %add3A_450, %shift_right_logical3A_451 : vector<16xi32>
      %and3A_453 = arith.constant 15 : i32
      %and3A_454 = vector.broadcast %and3A_453 : i32 to vector<16xi32>
      %and3A_455 = arith.andi %add3A_450, %and3A_454 : vector<16xi32>
      tpu.vector_store_idx %arg7[%shift_right_logical3A_452, %and3A_455], %get3A_444 masked %and3A : memref<16x16xf32, #tpu.memory_space<vmem>>[vector<16xi32>, vector<16xi32>], vector<16xf32>, vector<16xi1>
      %mul3A_456 = arith.constant 16 : i32
      %mul3A_457 = arith.muli %scan3A_429, %mul3A_456 : i32
      %add3A_458 = arith.constant 5120 : i32
      %add3A_459 = arith.addi %add3A_458, %mul3A_457 : i32
      %get3A_460 = arith.index_cast %add3A_459 : i32 to index
      %get3A_461 = tpu.vector_load %arg6[%get3A_460] {strides = array<i32>} : memref<20480xf32, #tpu.memory_space<vmem>>, vector<16xf32>,
      %mul3A_462 = arith.constant 4 : i32
      %mul3A_463 = vector.broadcast %mul3A_462 : i32 to vector<16xi32>
      %mul3A_464 = arith.muli %sub3A_438, %mul3A_463 : vector<16xi32>
      %add3A_465 = arith.constant 1 : i32
      %add3A_466 = vector.broadcast %add3A_465 : i32 to vector<16xi32>
      %add3A_467 = arith.addi %mul3A_464, %add3A_466 : vector<16xi32>
      %shift_right_logical3A_468 = arith.constant 4 : i32
      %shift_right_logical3A_469 = vector.broadcast %shift_right_logical3A_468 : i32 to vector<16xi32>
      %shift_right_logical3A_470 = arith.shrui %add3A_467, %shift_right_logical3A_469 : vector<16xi32>
      %and3A_471 = arith.constant 15 : i32
      %and3A_472 = vector.broadcast %and3A_471 : i32 to vector<16xi32>
      %and3A_473 = arith.andi %add3A_467, %and3A_472 : vector<16xi32>
      tpu.vector_store_idx %arg7[%shift_right_logical3A_470, %and3A_473], %get3A_461 masked %and3A : memref<16x16xf32, #tpu.memory_space<vmem>>[vector<16xi32>, vector<16xi32>], vector<16xf32>, vector<16xi1>
      %mul3A_474 = arith.constant 16 : i32
      %mul3A_475 = arith.muli %scan3A_429, %mul3A_474 : i32
      %add3A_476 = arith.constant 10240 : i32
      %add3A_477 = arith.addi %add3A_476, %mul3A_475 : i32
      %get3A_478 = arith.index_cast %add3A_477 : i32 to index
      %get3A_479 = tpu.vector_load %arg6[%get3A_478] {strides = array<i32>} : memref<20480xf32, #tpu.memory_space<vmem>>, vector<16xf32>,
      %mul3A_480 = arith.constant 4 : i32
      %mul3A_481 = vector.broadcast %mul3A_480 : i32 to vector<16xi32>
      %mul3A_482 = arith.muli %sub3A_438, %mul3A_481 : vector<16xi32>
      %add3A_483 = arith.constant 2 : i32
      %add3A_484 = vector.broadcast %add3A_483 : i32 to vector<16xi32>
      %add3A_485 = arith.addi %mul3A_482, %add3A_484 : vector<16xi32>
      %shift_right_logical3A_486 = arith.constant 4 : i32
      %shift_right_logical3A_487 = vector.broadcast %shift_right_logical3A_486 : i32 to vector<16xi32>
      %shift_right_logical3A_488 = arith.shrui %add3A_485, %shift_right_logical3A_487 : vector<16xi32>
      %and3A_489 = arith.constant 15 : i32
      %and3A_490 = vector.broadcast %and3A_489 : i32 to vector<16xi32>
      %and3A_491 = arith.andi %add3A_485, %and3A_490 : vector<16xi32>
      tpu.vector_store_idx %arg7[%shift_right_logical3A_488, %and3A_491], %get3A_479 masked %and3A : memref<16x16xf32, #tpu.memory_space<vmem>>[vector<16xi32>, vector<16xi32>], vector<16xf32>, vector<16xi1>
      %mul3A_492 = arith.constant 16 : i32
      %mul3A_493 = arith.muli %scan3A_429, %mul3A_492 : i32
      %add3A_494 = arith.constant 15360 : i32
      %add3A_495 = arith.addi %add3A_494, %mul3A_493 : i32
      %get3A_496 = arith.index_cast %add3A_495 : i32 to index
      %get3A_497 = tpu.vector_load %arg6[%get3A_496] {strides = array<i32>} : memref<20480xf32, #tpu.memory_space<vmem>>, vector<16xf32>,
      %mul3A_498 = arith.constant 4 : i32
      %mul3A_499 = vector.broadcast %mul3A_498 : i32 to vector<16xi32>
      %mul3A_500 = arith.muli %sub3A_438, %mul3A_499 : vector<16xi32>
      %add3A_501 = arith.constant 3 : i32
      %add3A_502 = vector.broadcast %add3A_501 : i32 to vector<16xi32>
      %add3A_503 = arith.addi %mul3A_500, %add3A_502 : vector<16xi32>
      %shift_right_logical3A_504 = arith.constant 4 : i32
      %shift_right_logical3A_505 = vector.broadcast %shift_right_logical3A_504 : i32 to vector<16xi32>
      %shift_right_logical3A_506 = arith.shrui %add3A_503, %shift_right_logical3A_505 : vector<16xi32>
      %and3A_507 = arith.constant 15 : i32
      %and3A_508 = vector.broadcast %and3A_507 : i32 to vector<16xi32>
      %and3A_509 = arith.andi %add3A_503, %and3A_508 : vector<16xi32>
      tpu.vector_store_idx %arg7[%shift_right_logical3A_506, %and3A_509], %get3A_497 masked %and3A : memref<16x16xf32, #tpu.memory_space<vmem>>[vector<16xi32>, vector<16xi32>], vector<16xf32>, vector<16xi1>
      %scan3A_510 = arith.constant 0 : i32
      scf.yield %scan3A_510 : i32
    }
    %scan3A_102 = arith.constant 320 : i32
    %mul3A_103 = arith.constant 4 : i32
    %mul3A_104 = arith.muli %mul3A_2, %mul3A_103 : i32
    %add3A_105 = arith.constant 0 : i32
    %add3A_106 = arith.addi %add3A_105, %mul3A_104 : i32
    %add3A_107 = arith.constant 0 : i32
    %add3A_108 = arith.addi %add3A_106, %add3A_107 : i32
    %run_scoped3A = arith.constant 0 : i32
    "tpu.region"() ({
      %run_scoped3A_429 = tpu.sem_alloc : memref<!tpu.dma_semaphore, #tpu.memory_space<semaphore_mem>>
      %dma_start3A = arith.constant 0 : i32
      %dma_start3A_430 = tpu.memref_slice %arg7[%run_scoped3A, %dma_start3A] : memref<16x16xf32, #tpu.memory_space<vmem>> -> memref<1x16xf32, #tpu.memory_space<vmem>>
      %dma_start3A_431 = tpu.memref_squeeze %dma_start3A_430 : memref<1x16xf32, #tpu.memory_space<vmem>> -> memref<16xf32, #tpu.memory_space<vmem>>
      %dma_start3A_432 = tpu.memref_slice %arg4[%add3A_108] : memref<16384xf32, #tpu.memory_space<hbm>> -> memref<16xf32, #tpu.memory_space<hbm>>
      %dma_start3A_433 = tpu.memref_slice %arg4[%add3A_108] : memref<16384xf32, #tpu.memory_space<hbm>> -> memref<16xf32, #tpu.memory_space<hbm>>
      %dma_start3A_434 = arith.constant 0 : i32
      %dma_start3A_435 = tpu.memref_slice %arg7[%run_scoped3A, %dma_start3A_434] : memref<16x16xf32, #tpu.memory_space<vmem>> -> memref<1x16xf32, #tpu.memory_space<vmem>>
      %dma_start3A_436 = tpu.memref_squeeze %dma_start3A_435 : memref<1x16xf32, #tpu.memory_space<vmem>> -> memref<16xf32, #tpu.memory_space<vmem>>
      tpu.enqueue_dma source(%dma_start3A_436 : memref<16xf32, #tpu.memory_space<vmem>>) target(%dma_start3A_433 : memref<16xf32, #tpu.memory_space<hbm>>) target_semaphore(%run_scoped3A_429 : memref<!tpu.dma_semaphore, #tpu.memory_space<semaphore_mem>>)
      %dma_wait3A = arith.constant 0 : i32
      %dma_wait3A_437 = tpu.memref_slice %arg7[%run_scoped3A, %dma_wait3A] : memref<16x16xf32, #tpu.memory_space<vmem>> -> memref<1x16xf32, #tpu.memory_space<vmem>>
      %dma_wait3A_438 = tpu.memref_squeeze %dma_wait3A_437 : memref<1x16xf32, #tpu.memory_space<vmem>> -> memref<16xf32, #tpu.memory_space<vmem>>
      %dma_wait3A_439 = tpu.memref_slice %arg4[%add3A_108] : memref<16384xf32, #tpu.memory_space<hbm>> -> memref<16xf32, #tpu.memory_space<hbm>>
      %dma_wait3A_440 = tpu.memref_slice %arg4[%add3A_108] : memref<16384xf32, #tpu.memory_space<hbm>> -> memref<16xf32, #tpu.memory_space<hbm>>
      %dma_wait3A_441 = arith.constant 0 : i32
      %dma_wait3A_442 = tpu.memref_slice %arg7[%run_scoped3A, %dma_wait3A_441] : memref<16x16xf32, #tpu.memory_space<vmem>> -> memref<1x16xf32, #tpu.memory_space<vmem>>
      %dma_wait3A_443 = tpu.memref_squeeze %dma_wait3A_442 : memref<1x16xf32, #tpu.memory_space<vmem>> -> memref<16xf32, #tpu.memory_space<vmem>>
      tpu.wait_dma2 semaphore(%run_scoped3A_429 : memref<!tpu.dma_semaphore, #tpu.memory_space<semaphore_mem>>) src(%dma_wait3A_443 : memref<16xf32, #tpu.memory_space<vmem>>) dst(%dma_wait3A_440 : memref<16xf32, #tpu.memory_space<hbm>>)
      tpu.yield
    }) : () -> ()
    %mul3A_109 = arith.constant 4 : i32
    %mul3A_110 = arith.muli %mul3A_2, %mul3A_109 : i32
    %add3A_111 = arith.constant 0 : i32
    %add3A_112 = arith.addi %add3A_111, %mul3A_110 : i32
    %add3A_113 = arith.constant 16 : i32
    %add3A_114 = arith.addi %add3A_112, %add3A_113 : i32
    %run_scoped3A_115 = arith.constant 1 : i32
    "tpu.region"() ({
      %run_scoped3A_429 = tpu.sem_alloc : memref<!tpu.dma_semaphore, #tpu.memory_space<semaphore_mem>>
      %dma_start3A = arith.constant 0 : i32
      %dma_start3A_430 = tpu.memref_slice %arg7[%run_scoped3A_115, %dma_start3A] : memref<16x16xf32, #tpu.memory_space<vmem>> -> memref<1x16xf32, #tpu.memory_space<vmem>>
      %dma_start3A_431 = tpu.memref_squeeze %dma_start3A_430 : memref<1x16xf32, #tpu.memory_space<vmem>> -> memref<16xf32, #tpu.memory_space<vmem>>
      %dma_start3A_432 = tpu.memref_slice %arg4[%add3A_114] : memref<16384xf32, #tpu.memory_space<hbm>> -> memref<16xf32, #tpu.memory_space<hbm>>
      %dma_start3A_433 = tpu.memref_slice %arg4[%add3A_114] : memref<16384xf32, #tpu.memory_space<hbm>> -> memref<16xf32, #tpu.memory_space<hbm>>
      %dma_start3A_434 = arith.constant 0 : i32
      %dma_start3A_435 = tpu.memref_slice %arg7[%run_scoped3A_115, %dma_start3A_434] : memref<16x16xf32, #tpu.memory_space<vmem>> -> memref<1x16xf32, #tpu.memory_space<vmem>>
      %dma_start3A_436 = tpu.memref_squeeze %dma_start3A_435 : memref<1x16xf32, #tpu.memory_space<vmem>> -> memref<16xf32, #tpu.memory_space<vmem>>
      tpu.enqueue_dma source(%dma_start3A_436 : memref<16xf32, #tpu.memory_space<vmem>>) target(%dma_start3A_433 : memref<16xf32, #tpu.memory_space<hbm>>) target_semaphore(%run_scoped3A_429 : memref<!tpu.dma_semaphore, #tpu.memory_space<semaphore_mem>>)
      %dma_wait3A = arith.constant 0 : i32
      %dma_wait3A_437 = tpu.memref_slice %arg7[%run_scoped3A_115, %dma_wait3A] : memref<16x16xf32, #tpu.memory_space<vmem>> -> memref<1x16xf32, #tpu.memory_space<vmem>>
      %dma_wait3A_438 = tpu.memref_squeeze %dma_wait3A_437 : memref<1x16xf32, #tpu.memory_space<vmem>> -> memref<16xf32, #tpu.memory_space<vmem>>
      %dma_wait3A_439 = tpu.memref_slice %arg4[%add3A_114] : memref<16384xf32, #tpu.memory_space<hbm>> -> memref<16xf32, #tpu.memory_space<hbm>>
      %dma_wait3A_440 = tpu.memref_slice %arg4[%add3A_114] : memref<16384xf32, #tpu.memory_space<hbm>> -> memref<16xf32, #tpu.memory_space<hbm>>
      %dma_wait3A_441 = arith.constant 0 : i32
      %dma_wait3A_442 = tpu.memref_slice %arg7[%run_scoped3A_115, %dma_wait3A_441] : memref<16x16xf32, #tpu.memory_space<vmem>> -> memref<1x16xf32, #tpu.memory_space<vmem>>
      %dma_wait3A_443 = tpu.memref_squeeze %dma_wait3A_442 : memref<1x16xf32, #tpu.memory_space<vmem>> -> memref<16xf32, #tpu.memory_space<vmem>>
      tpu.wait_dma2 semaphore(%run_scoped3A_429 : memref<!tpu.dma_semaphore, #tpu.memory_space<semaphore_mem>>) src(%dma_wait3A_443 : memref<16xf32, #tpu.memory_space<vmem>>) dst(%dma_wait3A_440 : memref<16xf32, #tpu.memory_space<hbm>>)
      tpu.yield
    }) : () -> ()
    %mul3A_116 = arith.constant 4 : i32
    %mul3A_117 = arith.muli %mul3A_2, %mul3A_116 : i32
    %add3A_118 = arith.constant 0 : i32
    %add3A_119 = arith.addi %add3A_118, %mul3A_117 : i32
    %add3A_120 = arith.constant 32 : i32
    %add3A_121 = arith.addi %add3A_119, %add3A_120 : i32
    %run_scoped3A_122 = arith.constant 2 : i32
    "tpu.region"() ({
      %run_scoped3A_429 = tpu.sem_alloc : memref<!tpu.dma_semaphore, #tpu.memory_space<semaphore_mem>>
      %dma_start3A = arith.constant 0 : i32
      %dma_start3A_430 = tpu.memref_slice %arg7[%run_scoped3A_122, %dma_start3A] : memref<16x16xf32, #tpu.memory_space<vmem>> -> memref<1x16xf32, #tpu.memory_space<vmem>>
      %dma_start3A_431 = tpu.memref_squeeze %dma_start3A_430 : memref<1x16xf32, #tpu.memory_space<vmem>> -> memref<16xf32, #tpu.memory_space<vmem>>
      %dma_start3A_432 = tpu.memref_slice %arg4[%add3A_121] : memref<16384xf32, #tpu.memory_space<hbm>> -> memref<16xf32, #tpu.memory_space<hbm>>
      %dma_start3A_433 = tpu.memref_slice %arg4[%add3A_121] : memref<16384xf32, #tpu.memory_space<hbm>> -> memref<16xf32, #tpu.memory_space<hbm>>
      %dma_start3A_434 = arith.constant 0 : i32
      %dma_start3A_435 = tpu.memref_slice %arg7[%run_scoped3A_122, %dma_start3A_434] : memref<16x16xf32, #tpu.memory_space<vmem>> -> memref<1x16xf32, #tpu.memory_space<vmem>>
      %dma_start3A_436 = tpu.memref_squeeze %dma_start3A_435 : memref<1x16xf32, #tpu.memory_space<vmem>> -> memref<16xf32, #tpu.memory_space<vmem>>
      tpu.enqueue_dma source(%dma_start3A_436 : memref<16xf32, #tpu.memory_space<vmem>>) target(%dma_start3A_433 : memref<16xf32, #tpu.memory_space<hbm>>) target_semaphore(%run_scoped3A_429 : memref<!tpu.dma_semaphore, #tpu.memory_space<semaphore_mem>>)
      %dma_wait3A = arith.constant 0 : i32
      %dma_wait3A_437 = tpu.memref_slice %arg7[%run_scoped3A_122, %dma_wait3A] : memref<16x16xf32, #tpu.memory_space<vmem>> -> memref<1x16xf32, #tpu.memory_space<vmem>>
      %dma_wait3A_438 = tpu.memref_squeeze %dma_wait3A_437 : memref<1x16xf32, #tpu.memory_space<vmem>> -> memref<16xf32, #tpu.memory_space<vmem>>
      %dma_wait3A_439 = tpu.memref_slice %arg4[%add3A_121] : memref<16384xf32, #tpu.memory_space<hbm>> -> memref<16xf32, #tpu.memory_space<hbm>>
      %dma_wait3A_440 = tpu.memref_slice %arg4[%add3A_121] : memref<16384xf32, #tpu.memory_space<hbm>> -> memref<16xf32, #tpu.memory_space<hbm>>
      %dma_wait3A_441 = arith.constant 0 : i32
      %dma_wait3A_442 = tpu.memref_slice %arg7[%run_scoped3A_122, %dma_wait3A_441] : memref<16x16xf32, #tpu.memory_space<vmem>> -> memref<1x16xf32, #tpu.memory_space<vmem>>
      %dma_wait3A_443 = tpu.memref_squeeze %dma_wait3A_442 : memref<1x16xf32, #tpu.memory_space<vmem>> -> memref<16xf32, #tpu.memory_space<vmem>>
      tpu.wait_dma2 semaphore(%run_scoped3A_429 : memref<!tpu.dma_semaphore, #tpu.memory_space<semaphore_mem>>) src(%dma_wait3A_443 : memref<16xf32, #tpu.memory_space<vmem>>) dst(%dma_wait3A_440 : memref<16xf32, #tpu.memory_space<hbm>>)
      tpu.yield
    }) : () -> ()
    %mul3A_123 = arith.constant 4 : i32
    %mul3A_124 = arith.muli %mul3A_2, %mul3A_123 : i32
    %add3A_125 = arith.constant 0 : i32
    %add3A_126 = arith.addi %add3A_125, %mul3A_124 : i32
    %add3A_127 = arith.constant 48 : i32
    %add3A_128 = arith.addi %add3A_126, %add3A_127 : i32
    %run_scoped3A_129 = arith.constant 3 : i32
    "tpu.region"() ({
      %run_scoped3A_429 = tpu.sem_alloc : memref<!tpu.dma_semaphore, #tpu.memory_space<semaphore_mem>>
      %dma_start3A = arith.constant 0 : i32
      %dma_start3A_430 = tpu.memref_slice %arg7[%run_scoped3A_129, %dma_start3A] : memref<16x16xf32, #tpu.memory_space<vmem>> -> memref<1x16xf32, #tpu.memory_space<vmem>>
      %dma_start3A_431 = tpu.memref_squeeze %dma_start3A_430 : memref<1x16xf32, #tpu.memory_space<vmem>> -> memref<16xf32, #tpu.memory_space<vmem>>
      %dma_start3A_432 = tpu.memref_slice %arg4[%add3A_128] : memref<16384xf32, #tpu.memory_space<hbm>> -> memref<16xf32, #tpu.memory_space<hbm>>
      %dma_start3A_433 = tpu.memref_slice %arg4[%add3A_128] : memref<16384xf32, #tpu.memory_space<hbm>> -> memref<16xf32, #tpu.memory_space<hbm>>
      %dma_start3A_434 = arith.constant 0 : i32
      %dma_start3A_435 = tpu.memref_slice %arg7[%run_scoped3A_129, %dma_start3A_434] : memref<16x16xf32, #tpu.memory_space<vmem>> -> memref<1x16xf32, #tpu.memory_space<vmem>>
      %dma_start3A_436 = tpu.memref_squeeze %dma_start3A_435 : memref<1x16xf32, #tpu.memory_space<vmem>> -> memref<16xf32, #tpu.memory_space<vmem>>
      tpu.enqueue_dma source(%dma_start3A_436 : memref<16xf32, #tpu.memory_space<vmem>>) target(%dma_start3A_433 : memref<16xf32, #tpu.memory_space<hbm>>) target_semaphore(%run_scoped3A_429 : memref<!tpu.dma_semaphore, #tpu.memory_space<semaphore_mem>>)
      %dma_wait3A = arith.constant 0 : i32
      %dma_wait3A_437 = tpu.memref_slice %arg7[%run_scoped3A_129, %dma_wait3A] : memref<16x16xf32, #tpu.memory_space<vmem>> -> memref<1x16xf32, #tpu.memory_space<vmem>>
      %dma_wait3A_438 = tpu.memref_squeeze %dma_wait3A_437 : memref<1x16xf32, #tpu.memory_space<vmem>> -> memref<16xf32, #tpu.memory_space<vmem>>
      %dma_wait3A_439 = tpu.memref_slice %arg4[%add3A_128] : memref<16384xf32, #tpu.memory_space<hbm>> -> memref<16xf32, #tpu.memory_space<hbm>>
      %dma_wait3A_440 = tpu.memref_slice %arg4[%add3A_128] : memref<16384xf32, #tpu.memory_space<hbm>> -> memref<16xf32, #tpu.memory_space<hbm>>
      %dma_wait3A_441 = arith.constant 0 : i32
      %dma_wait3A_442 = tpu.memref_slice %arg7[%run_scoped3A_129, %dma_wait3A_441] : memref<16x16xf32, #tpu.memory_space<vmem>> -> memref<1x16xf32, #tpu.memory_space<vmem>>
      %dma_wait3A_443 = tpu.memref_squeeze %dma_wait3A_442 : memref<1x16xf32, #tpu.memory_space<vmem>> -> memref<16xf32, #tpu.memory_space<vmem>>
      tpu.wait_dma2 semaphore(%run_scoped3A_429 : memref<!tpu.dma_semaphore, #tpu.memory_space<semaphore_mem>>) src(%dma_wait3A_443 : memref<16xf32, #tpu.memory_space<vmem>>) dst(%dma_wait3A_440 : memref<16xf32, #tpu.memory_space<hbm>>)
      tpu.yield
    }) : () -> ()
    %mul3A_130 = arith.constant 4 : i32
    %mul3A_131 = arith.muli %mul3A_2, %mul3A_130 : i32
    %add3A_132 = arith.constant 0 : i32
    %add3A_133 = arith.addi %add3A_132, %mul3A_131 : i32
    %add3A_134 = arith.constant 64 : i32
    %add3A_135 = arith.addi %add3A_133, %add3A_134 : i32
    %run_scoped3A_136 = arith.constant 4 : i32
    "tpu.region"() ({
      %run_scoped3A_429 = tpu.sem_alloc : memref<!tpu.dma_semaphore, #tpu.memory_space<semaphore_mem>>
      %dma_start3A = arith.constant 0 : i32
      %dma_start3A_430 = tpu.memref_slice %arg7[%run_scoped3A_136, %dma_start3A] : memref<16x16xf32, #tpu.memory_space<vmem>> -> memref<1x16xf32, #tpu.memory_space<vmem>>
      %dma_start3A_431 = tpu.memref_squeeze %dma_start3A_430 : memref<1x16xf32, #tpu.memory_space<vmem>> -> memref<16xf32, #tpu.memory_space<vmem>>
      %dma_start3A_432 = tpu.memref_slice %arg4[%add3A_135] : memref<16384xf32, #tpu.memory_space<hbm>> -> memref<16xf32, #tpu.memory_space<hbm>>
      %dma_start3A_433 = tpu.memref_slice %arg4[%add3A_135] : memref<16384xf32, #tpu.memory_space<hbm>> -> memref<16xf32, #tpu.memory_space<hbm>>
      %dma_start3A_434 = arith.constant 0 : i32
      %dma_start3A_435 = tpu.memref_slice %arg7[%run_scoped3A_136, %dma_start3A_434] : memref<16x16xf32, #tpu.memory_space<vmem>> -> memref<1x16xf32, #tpu.memory_space<vmem>>
      %dma_start3A_436 = tpu.memref_squeeze %dma_start3A_435 : memref<1x16xf32, #tpu.memory_space<vmem>> -> memref<16xf32, #tpu.memory_space<vmem>>
      tpu.enqueue_dma source(%dma_start3A_436 : memref<16xf32, #tpu.memory_space<vmem>>) target(%dma_start3A_433 : memref<16xf32, #tpu.memory_space<hbm>>) target_semaphore(%run_scoped3A_429 : memref<!tpu.dma_semaphore, #tpu.memory_space<semaphore_mem>>)
      %dma_wait3A = arith.constant 0 : i32
      %dma_wait3A_437 = tpu.memref_slice %arg7[%run_scoped3A_136, %dma_wait3A] : memref<16x16xf32, #tpu.memory_space<vmem>> -> memref<1x16xf32, #tpu.memory_space<vmem>>
      %dma_wait3A_438 = tpu.memref_squeeze %dma_wait3A_437 : memref<1x16xf32, #tpu.memory_space<vmem>> -> memref<16xf32, #tpu.memory_space<vmem>>
      %dma_wait3A_439 = tpu.memref_slice %arg4[%add3A_135] : memref<16384xf32, #tpu.memory_space<hbm>> -> memref<16xf32, #tpu.memory_space<hbm>>
      %dma_wait3A_440 = tpu.memref_slice %arg4[%add3A_135] : memref<16384xf32, #tpu.memory_space<hbm>> -> memref<16xf32, #tpu.memory_space<hbm>>
      %dma_wait3A_441 = arith.constant 0 : i32
      %dma_wait3A_442 = tpu.memref_slice %arg7[%run_scoped3A_136, %dma_wait3A_441] : memref<16x16xf32, #tpu.memory_space<vmem>> -> memref<1x16xf32, #tpu.memory_space<vmem>>
      %dma_wait3A_443 = tpu.memref_squeeze %dma_wait3A_442 : memref<1x16xf32, #tpu.memory_space<vmem>> -> memref<16xf32, #tpu.memory_space<vmem>>
      tpu.wait_dma2 semaphore(%run_scoped3A_429 : memref<!tpu.dma_semaphore, #tpu.memory_space<semaphore_mem>>) src(%dma_wait3A_443 : memref<16xf32, #tpu.memory_space<vmem>>) dst(%dma_wait3A_440 : memref<16xf32, #tpu.memory_space<hbm>>)
      tpu.yield
    }) : () -> ()
    %mul3A_137 = arith.constant 4 : i32
    %mul3A_138 = arith.muli %mul3A_2, %mul3A_137 : i32
    %add3A_139 = arith.constant 0 : i32
    %add3A_140 = arith.addi %add3A_139, %mul3A_138 : i32
    %add3A_141 = arith.constant 80 : i32
    %add3A_142 = arith.addi %add3A_140, %add3A_141 : i32
    %run_scoped3A_143 = arith.constant 5 : i32
    "tpu.region"() ({
      %run_scoped3A_429 = tpu.sem_alloc : memref<!tpu.dma_semaphore, #tpu.memory_space<semaphore_mem>>
      %dma_start3A = arith.constant 0 : i32
      %dma_start3A_430 = tpu.memref_slice %arg7[%run_scoped3A_143, %dma_start3A] : memref<16x16xf32, #tpu.memory_space<vmem>> -> memref<1x16xf32, #tpu.memory_space<vmem>>
      %dma_start3A_431 = tpu.memref_squeeze %dma_start3A_430 : memref<1x16xf32, #tpu.memory_space<vmem>> -> memref<16xf32, #tpu.memory_space<vmem>>
      %dma_start3A_432 = tpu.memref_slice %arg4[%add3A_142] : memref<16384xf32, #tpu.memory_space<hbm>> -> memref<16xf32, #tpu.memory_space<hbm>>
      %dma_start3A_433 = tpu.memref_slice %arg4[%add3A_142] : memref<16384xf32, #tpu.memory_space<hbm>> -> memref<16xf32, #tpu.memory_space<hbm>>
      %dma_start3A_434 = arith.constant 0 : i32
      %dma_start3A_435 = tpu.memref_slice %arg7[%run_scoped3A_143, %dma_start3A_434] : memref<16x16xf32, #tpu.memory_space<vmem>> -> memref<1x16xf32, #tpu.memory_space<vmem>>
      %dma_start3A_436 = tpu.memref_squeeze %dma_start3A_435 : memref<1x16xf32, #tpu.memory_space<vmem>> -> memref<16xf32, #tpu.memory_space<vmem>>
      tpu.enqueue_dma source(%dma_start3A_436 : memref<16xf32, #tpu.memory_space<vmem>>) target(%dma_start3A_433 : memref<16xf32, #tpu.memory_space<hbm>>) target_semaphore(%run_scoped3A_429 : memref<!tpu.dma_semaphore, #tpu.memory_space<semaphore_mem>>)
      %dma_wait3A = arith.constant 0 : i32
      %dma_wait3A_437 = tpu.memref_slice %arg7[%run_scoped3A_143, %dma_wait3A] : memref<16x16xf32, #tpu.memory_space<vmem>> -> memref<1x16xf32, #tpu.memory_space<vmem>>
      %dma_wait3A_438 = tpu.memref_squeeze %dma_wait3A_437 : memref<1x16xf32, #tpu.memory_space<vmem>> -> memref<16xf32, #tpu.memory_space<vmem>>
      %dma_wait3A_439 = tpu.memref_slice %arg4[%add3A_142] : memref<16384xf32, #tpu.memory_space<hbm>> -> memref<16xf32, #tpu.memory_space<hbm>>
      %dma_wait3A_440 = tpu.memref_slice %arg4[%add3A_142] : memref<16384xf32, #tpu.memory_space<hbm>> -> memref<16xf32, #tpu.memory_space<hbm>>
      %dma_wait3A_441 = arith.constant 0 : i32
      %dma_wait3A_442 = tpu.memref_slice %arg7[%run_scoped3A_143, %dma_wait3A_441] : memref<16x16xf32, #tpu.memory_space<vmem>> -> memref<1x16xf32, #tpu.memory_space<vmem>>
      %dma_wait3A_443 = tpu.memref_squeeze %dma_wait3A_442 : memref<1x16xf32, #tpu.memory_space<vmem>> -> memref<16xf32, #tpu.memory_space<vmem>>
      tpu.wait_dma2 semaphore(%run_scoped3A_429 : memref<!tpu.dma_semaphore, #tpu.memory_space<semaphore_mem>>) src(%dma_wait3A_443 : memref<16xf32, #tpu.memory_space<vmem>>) dst(%dma_wait3A_440 : memref<16xf32, #tpu.memory_space<hbm>>)
      tpu.yield
    }) : () -> ()
    %mul3A_144 = arith.constant 4 : i32
    %mul3A_145 = arith.muli %mul3A_2, %mul3A_144 : i32
    %add3A_146 = arith.constant 0 : i32
    %add3A_147 = arith.addi %add3A_146, %mul3A_145 : i32
    %add3A_148 = arith.constant 96 : i32
    %add3A_149 = arith.addi %add3A_147, %add3A_148 : i32
    %run_scoped3A_150 = arith.constant 6 : i32
    "tpu.region"() ({
      %run_scoped3A_429 = tpu.sem_alloc : memref<!tpu.dma_semaphore, #tpu.memory_space<semaphore_mem>>
      %dma_start3A = arith.constant 0 : i32
      %dma_start3A_430 = tpu.memref_slice %arg7[%run_scoped3A_150, %dma_start3A] : memref<16x16xf32, #tpu.memory_space<vmem>> -> memref<1x16xf32, #tpu.memory_space<vmem>>
      %dma_start3A_431 = tpu.memref_squeeze %dma_start3A_430 : memref<1x16xf32, #tpu.memory_space<vmem>> -> memref<16xf32, #tpu.memory_space<vmem>>
      %dma_start3A_432 = tpu.memref_slice %arg4[%add3A_149] : memref<16384xf32, #tpu.memory_space<hbm>> -> memref<16xf32, #tpu.memory_space<hbm>>
      %dma_start3A_433 = tpu.memref_slice %arg4[%add3A_149] : memref<16384xf32, #tpu.memory_space<hbm>> -> memref<16xf32, #tpu.memory_space<hbm>>
      %dma_start3A_434 = arith.constant 0 : i32
      %dma_start3A_435 = tpu.memref_slice %arg7[%run_scoped3A_150, %dma_start3A_434] : memref<16x16xf32, #tpu.memory_space<vmem>> -> memref<1x16xf32, #tpu.memory_space<vmem>>
      %dma_start3A_436 = tpu.memref_squeeze %dma_start3A_435 : memref<1x16xf32, #tpu.memory_space<vmem>> -> memref<16xf32, #tpu.memory_space<vmem>>
      tpu.enqueue_dma source(%dma_start3A_436 : memref<16xf32, #tpu.memory_space<vmem>>) target(%dma_start3A_433 : memref<16xf32, #tpu.memory_space<hbm>>) target_semaphore(%run_scoped3A_429 : memref<!tpu.dma_semaphore, #tpu.memory_space<semaphore_mem>>)
      %dma_wait3A = arith.constant 0 : i32
      %dma_wait3A_437 = tpu.memref_slice %arg7[%run_scoped3A_150, %dma_wait3A] : memref<16x16xf32, #tpu.memory_space<vmem>> -> memref<1x16xf32, #tpu.memory_space<vmem>>
      %dma_wait3A_438 = tpu.memref_squeeze %dma_wait3A_437 : memref<1x16xf32, #tpu.memory_space<vmem>> -> memref<16xf32, #tpu.memory_space<vmem>>
      %dma_wait3A_439 = tpu.memref_slice %arg4[%add3A_149] : memref<16384xf32, #tpu.memory_space<hbm>> -> memref<16xf32, #tpu.memory_space<hbm>>
      %dma_wait3A_440 = tpu.memref_slice %arg4[%add3A_149] : memref<16384xf32, #tpu.memory_space<hbm>> -> memref<16xf32, #tpu.memory_space<hbm>>
      %dma_wait3A_441 = arith.constant 0 : i32
      %dma_wait3A_442 = tpu.memref_slice %arg7[%run_scoped3A_150, %dma_wait3A_441] : memref<16x16xf32, #tpu.memory_space<vmem>> -> memref<1x16xf32, #tpu.memory_space<vmem>>
      %dma_wait3A_443 = tpu.memref_squeeze %dma_wait3A_442 : memref<1x16xf32, #tpu.memory_space<vmem>> -> memref<16xf32, #tpu.memory_space<vmem>>
      tpu.wait_dma2 semaphore(%run_scoped3A_429 : memref<!tpu.dma_semaphore, #tpu.memory_space<semaphore_mem>>) src(%dma_wait3A_443 : memref<16xf32, #tpu.memory_space<vmem>>) dst(%dma_wait3A_440 : memref<16xf32, #tpu.memory_space<hbm>>)
      tpu.yield
    }) : () -> ()
    %mul3A_151 = arith.constant 4 : i32
    %mul3A_152 = arith.muli %mul3A_2, %mul3A_151 : i32
    %add3A_153 = arith.constant 0 : i32
    %add3A_154 = arith.addi %add3A_153, %mul3A_152 : i32
    %add3A_155 = arith.constant 112 : i32
    %add3A_156 = arith.addi %add3A_154, %add3A_155 : i32
    %run_scoped3A_157 = arith.constant 7 : i32
    "tpu.region"() ({
      %run_scoped3A_429 = tpu.sem_alloc : memref<!tpu.dma_semaphore, #tpu.memory_space<semaphore_mem>>
      %dma_start3A = arith.constant 0 : i32
      %dma_start3A_430 = tpu.memref_slice %arg7[%run_scoped3A_157, %dma_start3A] : memref<16x16xf32, #tpu.memory_space<vmem>> -> memref<1x16xf32, #tpu.memory_space<vmem>>
      %dma_start3A_431 = tpu.memref_squeeze %dma_start3A_430 : memref<1x16xf32, #tpu.memory_space<vmem>> -> memref<16xf32, #tpu.memory_space<vmem>>
      %dma_start3A_432 = tpu.memref_slice %arg4[%add3A_156] : memref<16384xf32, #tpu.memory_space<hbm>> -> memref<16xf32, #tpu.memory_space<hbm>>
      %dma_start3A_433 = tpu.memref_slice %arg4[%add3A_156] : memref<16384xf32, #tpu.memory_space<hbm>> -> memref<16xf32, #tpu.memory_space<hbm>>
      %dma_start3A_434 = arith.constant 0 : i32
      %dma_start3A_435 = tpu.memref_slice %arg7[%run_scoped3A_157, %dma_start3A_434] : memref<16x16xf32, #tpu.memory_space<vmem>> -> memref<1x16xf32, #tpu.memory_space<vmem>>
      %dma_start3A_436 = tpu.memref_squeeze %dma_start3A_435 : memref<1x16xf32, #tpu.memory_space<vmem>> -> memref<16xf32, #tpu.memory_space<vmem>>
      tpu.enqueue_dma source(%dma_start3A_436 : memref<16xf32, #tpu.memory_space<vmem>>) target(%dma_start3A_433 : memref<16xf32, #tpu.memory_space<hbm>>) target_semaphore(%run_scoped3A_429 : memref<!tpu.dma_semaphore, #tpu.memory_space<semaphore_mem>>)
      %dma_wait3A = arith.constant 0 : i32
      %dma_wait3A_437 = tpu.memref_slice %arg7[%run_scoped3A_157, %dma_wait3A] : memref<16x16xf32, #tpu.memory_space<vmem>> -> memref<1x16xf32, #tpu.memory_space<vmem>>
      %dma_wait3A_438 = tpu.memref_squeeze %dma_wait3A_437 : memref<1x16xf32, #tpu.memory_space<vmem>> -> memref<16xf32, #tpu.memory_space<vmem>>
      %dma_wait3A_439 = tpu.memref_slice %arg4[%add3A_156] : memref<16384xf32, #tpu.memory_space<hbm>> -> memref<16xf32, #tpu.memory_space<hbm>>
      %dma_wait3A_440 = tpu.memref_slice %arg4[%add3A_156] : memref<16384xf32, #tpu.memory_space<hbm>> -> memref<16xf32, #tpu.memory_space<hbm>>
      %dma_wait3A_441 = arith.constant 0 : i32
      %dma_wait3A_442 = tpu.memref_slice %arg7[%run_scoped3A_157, %dma_wait3A_441] : memref<16x16xf32, #tpu.memory_space<vmem>> -> memref<1x16xf32, #tpu.memory_space<vmem>>
      %dma_wait3A_443 = tpu.memref_squeeze %dma_wait3A_442 : memref<1x16xf32, #tpu.memory_space<vmem>> -> memref<16xf32, #tpu.memory_space<vmem>>
      tpu.wait_dma2 semaphore(%run_scoped3A_429 : memref<!tpu.dma_semaphore, #tpu.memory_space<semaphore_mem>>) src(%dma_wait3A_443 : memref<16xf32, #tpu.memory_space<vmem>>) dst(%dma_wait3A_440 : memref<16xf32, #tpu.memory_space<hbm>>)
      tpu.yield
    }) : () -> ()
    %mul3A_158 = arith.constant 4 : i32
    %mul3A_159 = arith.muli %mul3A_2, %mul3A_158 : i32
    %add3A_160 = arith.constant 0 : i32
    %add3A_161 = arith.addi %add3A_160, %mul3A_159 : i32
    %add3A_162 = arith.constant 128 : i32
    %add3A_163 = arith.addi %add3A_161, %add3A_162 : i32
    %run_scoped3A_164 = arith.constant 8 : i32
    "tpu.region"() ({
      %run_scoped3A_429 = tpu.sem_alloc : memref<!tpu.dma_semaphore, #tpu.memory_space<semaphore_mem>>
      %dma_start3A = arith.constant 0 : i32
      %dma_start3A_430 = tpu.memref_slice %arg7[%run_scoped3A_164, %dma_start3A] : memref<16x16xf32, #tpu.memory_space<vmem>> -> memref<1x16xf32, #tpu.memory_space<vmem>>
      %dma_start3A_431 = tpu.memref_squeeze %dma_start3A_430 : memref<1x16xf32, #tpu.memory_space<vmem>> -> memref<16xf32, #tpu.memory_space<vmem>>
      %dma_start3A_432 = tpu.memref_slice %arg4[%add3A_163] : memref<16384xf32, #tpu.memory_space<hbm>> -> memref<16xf32, #tpu.memory_space<hbm>>
      %dma_start3A_433 = tpu.memref_slice %arg4[%add3A_163] : memref<16384xf32, #tpu.memory_space<hbm>> -> memref<16xf32, #tpu.memory_space<hbm>>
      %dma_start3A_434 = arith.constant 0 : i32
      %dma_start3A_435 = tpu.memref_slice %arg7[%run_scoped3A_164, %dma_start3A_434] : memref<16x16xf32, #tpu.memory_space<vmem>> -> memref<1x16xf32, #tpu.memory_space<vmem>>
      %dma_start3A_436 = tpu.memref_squeeze %dma_start3A_435 : memref<1x16xf32, #tpu.memory_space<vmem>> -> memref<16xf32, #tpu.memory_space<vmem>>
      tpu.enqueue_dma source(%dma_start3A_436 : memref<16xf32, #tpu.memory_space<vmem>>) target(%dma_start3A_433 : memref<16xf32, #tpu.memory_space<hbm>>) target_semaphore(%run_scoped3A_429 : memref<!tpu.dma_semaphore, #tpu.memory_space<semaphore_mem>>)
      %dma_wait3A = arith.constant 0 : i32
      %dma_wait3A_437 = tpu.memref_slice %arg7[%run_scoped3A_164, %dma_wait3A] : memref<16x16xf32, #tpu.memory_space<vmem>> -> memref<1x16xf32, #tpu.memory_space<vmem>>
      %dma_wait3A_438 = tpu.memref_squeeze %dma_wait3A_437 : memref<1x16xf32, #tpu.memory_space<vmem>> -> memref<16xf32, #tpu.memory_space<vmem>>
      %dma_wait3A_439 = tpu.memref_slice %arg4[%add3A_163] : memref<16384xf32, #tpu.memory_space<hbm>> -> memref<16xf32, #tpu.memory_space<hbm>>
      %dma_wait3A_440 = tpu.memref_slice %arg4[%add3A_163] : memref<16384xf32, #tpu.memory_space<hbm>> -> memref<16xf32, #tpu.memory_space<hbm>>
      %dma_wait3A_441 = arith.constant 0 : i32
      %dma_wait3A_442 = tpu.memref_slice %arg7[%run_scoped3A_164, %dma_wait3A_441] : memref<16x16xf32, #tpu.memory_space<vmem>> -> memref<1x16xf32, #tpu.memory_space<vmem>>
      %dma_wait3A_443 = tpu.memref_squeeze %dma_wait3A_442 : memref<1x16xf32, #tpu.memory_space<vmem>> -> memref<16xf32, #tpu.memory_space<vmem>>
      tpu.wait_dma2 semaphore(%run_scoped3A_429 : memref<!tpu.dma_semaphore, #tpu.memory_space<semaphore_mem>>) src(%dma_wait3A_443 : memref<16xf32, #tpu.memory_space<vmem>>) dst(%dma_wait3A_440 : memref<16xf32, #tpu.memory_space<hbm>>)
      tpu.yield
    }) : () -> ()
    %mul3A_165 = arith.constant 4 : i32
    %mul3A_166 = arith.muli %mul3A_2, %mul3A_165 : i32
    %add3A_167 = arith.constant 0 : i32
    %add3A_168 = arith.addi %add3A_167, %mul3A_166 : i32
    %add3A_169 = arith.constant 144 : i32
    %add3A_170 = arith.addi %add3A_168, %add3A_169 : i32
    %run_scoped3A_171 = arith.constant 9 : i32
    "tpu.region"() ({
      %run_scoped3A_429 = tpu.sem_alloc : memref<!tpu.dma_semaphore, #tpu.memory_space<semaphore_mem>>
      %dma_start3A = arith.constant 0 : i32
      %dma_start3A_430 = tpu.memref_slice %arg7[%run_scoped3A_171, %dma_start3A] : memref<16x16xf32, #tpu.memory_space<vmem>> -> memref<1x16xf32, #tpu.memory_space<vmem>>
      %dma_start3A_431 = tpu.memref_squeeze %dma_start3A_430 : memref<1x16xf32, #tpu.memory_space<vmem>> -> memref<16xf32, #tpu.memory_space<vmem>>
      %dma_start3A_432 = tpu.memref_slice %arg4[%add3A_170] : memref<16384xf32, #tpu.memory_space<hbm>> -> memref<16xf32, #tpu.memory_space<hbm>>
      %dma_start3A_433 = tpu.memref_slice %arg4[%add3A_170] : memref<16384xf32, #tpu.memory_space<hbm>> -> memref<16xf32, #tpu.memory_space<hbm>>
      %dma_start3A_434 = arith.constant 0 : i32
      %dma_start3A_435 = tpu.memref_slice %arg7[%run_scoped3A_171, %dma_start3A_434] : memref<16x16xf32, #tpu.memory_space<vmem>> -> memref<1x16xf32, #tpu.memory_space<vmem>>
      %dma_start3A_436 = tpu.memref_squeeze %dma_start3A_435 : memref<1x16xf32, #tpu.memory_space<vmem>> -> memref<16xf32, #tpu.memory_space<vmem>>
      tpu.enqueue_dma source(%dma_start3A_436 : memref<16xf32, #tpu.memory_space<vmem>>) target(%dma_start3A_433 : memref<16xf32, #tpu.memory_space<hbm>>) target_semaphore(%run_scoped3A_429 : memref<!tpu.dma_semaphore, #tpu.memory_space<semaphore_mem>>)
      %dma_wait3A = arith.constant 0 : i32
      %dma_wait3A_437 = tpu.memref_slice %arg7[%run_scoped3A_171, %dma_wait3A] : memref<16x16xf32, #tpu.memory_space<vmem>> -> memref<1x16xf32, #tpu.memory_space<vmem>>
      %dma_wait3A_438 = tpu.memref_squeeze %dma_wait3A_437 : memref<1x16xf32, #tpu.memory_space<vmem>> -> memref<16xf32, #tpu.memory_space<vmem>>
      %dma_wait3A_439 = tpu.memref_slice %arg4[%add3A_170] : memref<16384xf32, #tpu.memory_space<hbm>> -> memref<16xf32, #tpu.memory_space<hbm>>
      %dma_wait3A_440 = tpu.memref_slice %arg4[%add3A_170] : memref<16384xf32, #tpu.memory_space<hbm>> -> memref<16xf32, #tpu.memory_space<hbm>>
      %dma_wait3A_441 = arith.constant 0 : i32
      %dma_wait3A_442 = tpu.memref_slice %arg7[%run_scoped3A_171, %dma_wait3A_441] : memref<16x16xf32, #tpu.memory_space<vmem>> -> memref<1x16xf32, #tpu.memory_space<vmem>>
      %dma_wait3A_443 = tpu.memref_squeeze %dma_wait3A_442 : memref<1x16xf32, #tpu.memory_space<vmem>> -> memref<16xf32, #tpu.memory_space<vmem>>
      tpu.wait_dma2 semaphore(%run_scoped3A_429 : memref<!tpu.dma_semaphore, #tpu.memory_space<semaphore_mem>>) src(%dma_wait3A_443 : memref<16xf32, #tpu.memory_space<vmem>>) dst(%dma_wait3A_440 : memref<16xf32, #tpu.memory_space<hbm>>)
      tpu.yield
    }) : () -> ()
    %mul3A_172 = arith.constant 4 : i32
    %mul3A_173 = arith.muli %mul3A_2, %mul3A_172 : i32
    %add3A_174 = arith.constant 0 : i32
    %add3A_175 = arith.addi %add3A_174, %mul3A_173 : i32
    %add3A_176 = arith.constant 160 : i32
    %add3A_177 = arith.addi %add3A_175, %add3A_176 : i32
    %run_scoped3A_178 = arith.constant 10 : i32
    "tpu.region"() ({
      %run_scoped3A_429 = tpu.sem_alloc : memref<!tpu.dma_semaphore, #tpu.memory_space<semaphore_mem>>
      %dma_start3A = arith.constant 0 : i32
      %dma_start3A_430 = tpu.memref_slice %arg7[%run_scoped3A_178, %dma_start3A] : memref<16x16xf32, #tpu.memory_space<vmem>> -> memref<1x16xf32, #tpu.memory_space<vmem>>
      %dma_start3A_431 = tpu.memref_squeeze %dma_start3A_430 : memref<1x16xf32, #tpu.memory_space<vmem>> -> memref<16xf32, #tpu.memory_space<vmem>>
      %dma_start3A_432 = tpu.memref_slice %arg4[%add3A_177] : memref<16384xf32, #tpu.memory_space<hbm>> -> memref<16xf32, #tpu.memory_space<hbm>>
      %dma_start3A_433 = tpu.memref_slice %arg4[%add3A_177] : memref<16384xf32, #tpu.memory_space<hbm>> -> memref<16xf32, #tpu.memory_space<hbm>>
      %dma_start3A_434 = arith.constant 0 : i32
      %dma_start3A_435 = tpu.memref_slice %arg7[%run_scoped3A_178, %dma_start3A_434] : memref<16x16xf32, #tpu.memory_space<vmem>> -> memref<1x16xf32, #tpu.memory_space<vmem>>
      %dma_start3A_436 = tpu.memref_squeeze %dma_start3A_435 : memref<1x16xf32, #tpu.memory_space<vmem>> -> memref<16xf32, #tpu.memory_space<vmem>>
      tpu.enqueue_dma source(%dma_start3A_436 : memref<16xf32, #tpu.memory_space<vmem>>) target(%dma_start3A_433 : memref<16xf32, #tpu.memory_space<hbm>>) target_semaphore(%run_scoped3A_429 : memref<!tpu.dma_semaphore, #tpu.memory_space<semaphore_mem>>)
      %dma_wait3A = arith.constant 0 : i32
      %dma_wait3A_437 = tpu.memref_slice %arg7[%run_scoped3A_178, %dma_wait3A] : memref<16x16xf32, #tpu.memory_space<vmem>> -> memref<1x16xf32, #tpu.memory_space<vmem>>
      %dma_wait3A_438 = tpu.memref_squeeze %dma_wait3A_437 : memref<1x16xf32, #tpu.memory_space<vmem>> -> memref<16xf32, #tpu.memory_space<vmem>>
      %dma_wait3A_439 = tpu.memref_slice %arg4[%add3A_177] : memref<16384xf32, #tpu.memory_space<hbm>> -> memref<16xf32, #tpu.memory_space<hbm>>
      %dma_wait3A_440 = tpu.memref_slice %arg4[%add3A_177] : memref<16384xf32, #tpu.memory_space<hbm>> -> memref<16xf32, #tpu.memory_space<hbm>>
      %dma_wait3A_441 = arith.constant 0 : i32
      %dma_wait3A_442 = tpu.memref_slice %arg7[%run_scoped3A_178, %dma_wait3A_441] : memref<16x16xf32, #tpu.memory_space<vmem>> -> memref<1x16xf32, #tpu.memory_space<vmem>>
      %dma_wait3A_443 = tpu.memref_squeeze %dma_wait3A_442 : memref<1x16xf32, #tpu.memory_space<vmem>> -> memref<16xf32, #tpu.memory_space<vmem>>
      tpu.wait_dma2 semaphore(%run_scoped3A_429 : memref<!tpu.dma_semaphore, #tpu.memory_space<semaphore_mem>>) src(%dma_wait3A_443 : memref<16xf32, #tpu.memory_space<vmem>>) dst(%dma_wait3A_440 : memref<16xf32, #tpu.memory_space<hbm>>)
      tpu.yield
    }) : () -> ()
    %mul3A_179 = arith.constant 4 : i32
    %mul3A_180 = arith.muli %mul3A_2, %mul3A_179 : i32
    %add3A_181 = arith.constant 0 : i32
    %add3A_182 = arith.addi %add3A_181, %mul3A_180 : i32
    %add3A_183 = arith.constant 176 : i32
    %add3A_184 = arith.addi %add3A_182, %add3A_183 : i32
    %run_scoped3A_185 = arith.constant 11 : i32
    "tpu.region"() ({
      %run_scoped3A_429 = tpu.sem_alloc : memref<!tpu.dma_semaphore, #tpu.memory_space<semaphore_mem>>
      %dma_start3A = arith.constant 0 : i32
      %dma_start3A_430 = tpu.memref_slice %arg7[%run_scoped3A_185, %dma_start3A] : memref<16x16xf32, #tpu.memory_space<vmem>> -> memref<1x16xf32, #tpu.memory_space<vmem>>
      %dma_start3A_431 = tpu.memref_squeeze %dma_start3A_430 : memref<1x16xf32, #tpu.memory_space<vmem>> -> memref<16xf32, #tpu.memory_space<vmem>>
      %dma_start3A_432 = tpu.memref_slice %arg4[%add3A_184] : memref<16384xf32, #tpu.memory_space<hbm>> -> memref<16xf32, #tpu.memory_space<hbm>>
      %dma_start3A_433 = tpu.memref_slice %arg4[%add3A_184] : memref<16384xf32, #tpu.memory_space<hbm>> -> memref<16xf32, #tpu.memory_space<hbm>>
      %dma_start3A_434 = arith.constant 0 : i32
      %dma_start3A_435 = tpu.memref_slice %arg7[%run_scoped3A_185, %dma_start3A_434] : memref<16x16xf32, #tpu.memory_space<vmem>> -> memref<1x16xf32, #tpu.memory_space<vmem>>
      %dma_start3A_436 = tpu.memref_squeeze %dma_start3A_435 : memref<1x16xf32, #tpu.memory_space<vmem>> -> memref<16xf32, #tpu.memory_space<vmem>>
      tpu.enqueue_dma source(%dma_start3A_436 : memref<16xf32, #tpu.memory_space<vmem>>) target(%dma_start3A_433 : memref<16xf32, #tpu.memory_space<hbm>>) target_semaphore(%run_scoped3A_429 : memref<!tpu.dma_semaphore, #tpu.memory_space<semaphore_mem>>)
      %dma_wait3A = arith.constant 0 : i32
      %dma_wait3A_437 = tpu.memref_slice %arg7[%run_scoped3A_185, %dma_wait3A] : memref<16x16xf32, #tpu.memory_space<vmem>> -> memref<1x16xf32, #tpu.memory_space<vmem>>
      %dma_wait3A_438 = tpu.memref_squeeze %dma_wait3A_437 : memref<1x16xf32, #tpu.memory_space<vmem>> -> memref<16xf32, #tpu.memory_space<vmem>>
      %dma_wait3A_439 = tpu.memref_slice %arg4[%add3A_184] : memref<16384xf32, #tpu.memory_space<hbm>> -> memref<16xf32, #tpu.memory_space<hbm>>
      %dma_wait3A_440 = tpu.memref_slice %arg4[%add3A_184] : memref<16384xf32, #tpu.memory_space<hbm>> -> memref<16xf32, #tpu.memory_space<hbm>>
      %dma_wait3A_441 = arith.constant 0 : i32
      %dma_wait3A_442 = tpu.memref_slice %arg7[%run_scoped3A_185, %dma_wait3A_441] : memref<16x16xf32, #tpu.memory_space<vmem>> -> memref<1x16xf32, #tpu.memory_space<vmem>>
      %dma_wait3A_443 = tpu.memref_squeeze %dma_wait3A_442 : memref<1x16xf32, #tpu.memory_space<vmem>> -> memref<16xf32, #tpu.memory_space<vmem>>
      tpu.wait_dma2 semaphore(%run_scoped3A_429 : memref<!tpu.dma_semaphore, #tpu.memory_space<semaphore_mem>>) src(%dma_wait3A_443 : memref<16xf32, #tpu.memory_space<vmem>>) dst(%dma_wait3A_440 : memref<16xf32, #tpu.memory_space<hbm>>)
      tpu.yield
    }) : () -> ()
    %mul3A_186 = arith.constant 4 : i32
    %mul3A_187 = arith.muli %mul3A_2, %mul3A_186 : i32
    %add3A_188 = arith.constant 0 : i32
    %add3A_189 = arith.addi %add3A_188, %mul3A_187 : i32
    %add3A_190 = arith.constant 192 : i32
    %add3A_191 = arith.addi %add3A_189, %add3A_190 : i32
    %run_scoped3A_192 = arith.constant 12 : i32
    "tpu.region"() ({
      %run_scoped3A_429 = tpu.sem_alloc : memref<!tpu.dma_semaphore, #tpu.memory_space<semaphore_mem>>
      %dma_start3A = arith.constant 0 : i32
      %dma_start3A_430 = tpu.memref_slice %arg7[%run_scoped3A_192, %dma_start3A] : memref<16x16xf32, #tpu.memory_space<vmem>> -> memref<1x16xf32, #tpu.memory_space<vmem>>
      %dma_start3A_431 = tpu.memref_squeeze %dma_start3A_430 : memref<1x16xf32, #tpu.memory_space<vmem>> -> memref<16xf32, #tpu.memory_space<vmem>>
      %dma_start3A_432 = tpu.memref_slice %arg4[%add3A_191] : memref<16384xf32, #tpu.memory_space<hbm>> -> memref<16xf32, #tpu.memory_space<hbm>>
      %dma_start3A_433 = tpu.memref_slice %arg4[%add3A_191] : memref<16384xf32, #tpu.memory_space<hbm>> -> memref<16xf32, #tpu.memory_space<hbm>>
      %dma_start3A_434 = arith.constant 0 : i32
      %dma_start3A_435 = tpu.memref_slice %arg7[%run_scoped3A_192, %dma_start3A_434] : memref<16x16xf32, #tpu.memory_space<vmem>> -> memref<1x16xf32, #tpu.memory_space<vmem>>
      %dma_start3A_436 = tpu.memref_squeeze %dma_start3A_435 : memref<1x16xf32, #tpu.memory_space<vmem>> -> memref<16xf32, #tpu.memory_space<vmem>>
      tpu.enqueue_dma source(%dma_start3A_436 : memref<16xf32, #tpu.memory_space<vmem>>) target(%dma_start3A_433 : memref<16xf32, #tpu.memory_space<hbm>>) target_semaphore(%run_scoped3A_429 : memref<!tpu.dma_semaphore, #tpu.memory_space<semaphore_mem>>)
      %dma_wait3A = arith.constant 0 : i32
      %dma_wait3A_437 = tpu.memref_slice %arg7[%run_scoped3A_192, %dma_wait3A] : memref<16x16xf32, #tpu.memory_space<vmem>> -> memref<1x16xf32, #tpu.memory_space<vmem>>
      %dma_wait3A_438 = tpu.memref_squeeze %dma_wait3A_437 : memref<1x16xf32, #tpu.memory_space<vmem>> -> memref<16xf32, #tpu.memory_space<vmem>>
      %dma_wait3A_439 = tpu.memref_slice %arg4[%add3A_191] : memref<16384xf32, #tpu.memory_space<hbm>> -> memref<16xf32, #tpu.memory_space<hbm>>
      %dma_wait3A_440 = tpu.memref_slice %arg4[%add3A_191] : memref<16384xf32, #tpu.memory_space<hbm>> -> memref<16xf32, #tpu.memory_space<hbm>>
      %dma_wait3A_441 = arith.constant 0 : i32
      %dma_wait3A_442 = tpu.memref_slice %arg7[%run_scoped3A_192, %dma_wait3A_441] : memref<16x16xf32, #tpu.memory_space<vmem>> -> memref<1x16xf32, #tpu.memory_space<vmem>>
      %dma_wait3A_443 = tpu.memref_squeeze %dma_wait3A_442 : memref<1x16xf32, #tpu.memory_space<vmem>> -> memref<16xf32, #tpu.memory_space<vmem>>
      tpu.wait_dma2 semaphore(%run_scoped3A_429 : memref<!tpu.dma_semaphore, #tpu.memory_space<semaphore_mem>>) src(%dma_wait3A_443 : memref<16xf32, #tpu.memory_space<vmem>>) dst(%dma_wait3A_440 : memref<16xf32, #tpu.memory_space<hbm>>)
      tpu.yield
    }) : () -> ()
    %mul3A_193 = arith.constant 4 : i32
    %mul3A_194 = arith.muli %mul3A_2, %mul3A_193 : i32
    %add3A_195 = arith.constant 0 : i32
    %add3A_196 = arith.addi %add3A_195, %mul3A_194 : i32
    %add3A_197 = arith.constant 208 : i32
    %add3A_198 = arith.addi %add3A_196, %add3A_197 : i32
    %run_scoped3A_199 = arith.constant 13 : i32
    "tpu.region"() ({
      %run_scoped3A_429 = tpu.sem_alloc : memref<!tpu.dma_semaphore, #tpu.memory_space<semaphore_mem>>
      %dma_start3A = arith.constant 0 : i32
      %dma_start3A_430 = tpu.memref_slice %arg7[%run_scoped3A_199, %dma_start3A] : memref<16x16xf32, #tpu.memory_space<vmem>> -> memref<1x16xf32, #tpu.memory_space<vmem>>
      %dma_start3A_431 = tpu.memref_squeeze %dma_start3A_430 : memref<1x16xf32, #tpu.memory_space<vmem>> -> memref<16xf32, #tpu.memory_space<vmem>>
      %dma_start3A_432 = tpu.memref_slice %arg4[%add3A_198] : memref<16384xf32, #tpu.memory_space<hbm>> -> memref<16xf32, #tpu.memory_space<hbm>>
      %dma_start3A_433 = tpu.memref_slice %arg4[%add3A_198] : memref<16384xf32, #tpu.memory_space<hbm>> -> memref<16xf32, #tpu.memory_space<hbm>>
      %dma_start3A_434 = arith.constant 0 : i32
      %dma_start3A_435 = tpu.memref_slice %arg7[%run_scoped3A_199, %dma_start3A_434] : memref<16x16xf32, #tpu.memory_space<vmem>> -> memref<1x16xf32, #tpu.memory_space<vmem>>
      %dma_start3A_436 = tpu.memref_squeeze %dma_start3A_435 : memref<1x16xf32, #tpu.memory_space<vmem>> -> memref<16xf32, #tpu.memory_space<vmem>>
      tpu.enqueue_dma source(%dma_start3A_436 : memref<16xf32, #tpu.memory_space<vmem>>) target(%dma_start3A_433 : memref<16xf32, #tpu.memory_space<hbm>>) target_semaphore(%run_scoped3A_429 : memref<!tpu.dma_semaphore, #tpu.memory_space<semaphore_mem>>)
      %dma_wait3A = arith.constant 0 : i32
      %dma_wait3A_437 = tpu.memref_slice %arg7[%run_scoped3A_199, %dma_wait3A] : memref<16x16xf32, #tpu.memory_space<vmem>> -> memref<1x16xf32, #tpu.memory_space<vmem>>
      %dma_wait3A_438 = tpu.memref_squeeze %dma_wait3A_437 : memref<1x16xf32, #tpu.memory_space<vmem>> -> memref<16xf32, #tpu.memory_space<vmem>>
      %dma_wait3A_439 = tpu.memref_slice %arg4[%add3A_198] : memref<16384xf32, #tpu.memory_space<hbm>> -> memref<16xf32, #tpu.memory_space<hbm>>
      %dma_wait3A_440 = tpu.memref_slice %arg4[%add3A_198] : memref<16384xf32, #tpu.memory_space<hbm>> -> memref<16xf32, #tpu.memory_space<hbm>>
      %dma_wait3A_441 = arith.constant 0 : i32
      %dma_wait3A_442 = tpu.memref_slice %arg7[%run_scoped3A_199, %dma_wait3A_441] : memref<16x16xf32, #tpu.memory_space<vmem>> -> memref<1x16xf32, #tpu.memory_space<vmem>>
      %dma_wait3A_443 = tpu.memref_squeeze %dma_wait3A_442 : memref<1x16xf32, #tpu.memory_space<vmem>> -> memref<16xf32, #tpu.memory_space<vmem>>
      tpu.wait_dma2 semaphore(%run_scoped3A_429 : memref<!tpu.dma_semaphore, #tpu.memory_space<semaphore_mem>>) src(%dma_wait3A_443 : memref<16xf32, #tpu.memory_space<vmem>>) dst(%dma_wait3A_440 : memref<16xf32, #tpu.memory_space<hbm>>)
      tpu.yield
    }) : () -> ()
    %mul3A_200 = arith.constant 4 : i32
    %mul3A_201 = arith.muli %mul3A_2, %mul3A_200 : i32
    %add3A_202 = arith.constant 0 : i32
    %add3A_203 = arith.addi %add3A_202, %mul3A_201 : i32
    %add3A_204 = arith.constant 224 : i32
    %add3A_205 = arith.addi %add3A_203, %add3A_204 : i32
    %run_scoped3A_206 = arith.constant 14 : i32
    "tpu.region"() ({
      %run_scoped3A_429 = tpu.sem_alloc : memref<!tpu.dma_semaphore, #tpu.memory_space<semaphore_mem>>
      %dma_start3A = arith.constant 0 : i32
      %dma_start3A_430 = tpu.memref_slice %arg7[%run_scoped3A_206, %dma_start3A] : memref<16x16xf32, #tpu.memory_space<vmem>> -> memref<1x16xf32, #tpu.memory_space<vmem>>
      %dma_start3A_431 = tpu.memref_squeeze %dma_start3A_430 : memref<1x16xf32, #tpu.memory_space<vmem>> -> memref<16xf32, #tpu.memory_space<vmem>>
      %dma_start3A_432 = tpu.memref_slice %arg4[%add3A_205] : memref<16384xf32, #tpu.memory_space<hbm>> -> memref<16xf32, #tpu.memory_space<hbm>>
      %dma_start3A_433 = tpu.memref_slice %arg4[%add3A_205] : memref<16384xf32, #tpu.memory_space<hbm>> -> memref<16xf32, #tpu.memory_space<hbm>>
      %dma_start3A_434 = arith.constant 0 : i32
      %dma_start3A_435 = tpu.memref_slice %arg7[%run_scoped3A_206, %dma_start3A_434] : memref<16x16xf32, #tpu.memory_space<vmem>> -> memref<1x16xf32, #tpu.memory_space<vmem>>
      %dma_start3A_436 = tpu.memref_squeeze %dma_start3A_435 : memref<1x16xf32, #tpu.memory_space<vmem>> -> memref<16xf32, #tpu.memory_space<vmem>>
      tpu.enqueue_dma source(%dma_start3A_436 : memref<16xf32, #tpu.memory_space<vmem>>) target(%dma_start3A_433 : memref<16xf32, #tpu.memory_space<hbm>>) target_semaphore(%run_scoped3A_429 : memref<!tpu.dma_semaphore, #tpu.memory_space<semaphore_mem>>)
      %dma_wait3A = arith.constant 0 : i32
      %dma_wait3A_437 = tpu.memref_slice %arg7[%run_scoped3A_206, %dma_wait3A] : memref<16x16xf32, #tpu.memory_space<vmem>> -> memref<1x16xf32, #tpu.memory_space<vmem>>
      %dma_wait3A_438 = tpu.memref_squeeze %dma_wait3A_437 : memref<1x16xf32, #tpu.memory_space<vmem>> -> memref<16xf32, #tpu.memory_space<vmem>>
      %dma_wait3A_439 = tpu.memref_slice %arg4[%add3A_205] : memref<16384xf32, #tpu.memory_space<hbm>> -> memref<16xf32, #tpu.memory_space<hbm>>
      %dma_wait3A_440 = tpu.memref_slice %arg4[%add3A_205] : memref<16384xf32, #tpu.memory_space<hbm>> -> memref<16xf32, #tpu.memory_space<hbm>>
      %dma_wait3A_441 = arith.constant 0 : i32
      %dma_wait3A_442 = tpu.memref_slice %arg7[%run_scoped3A_206, %dma_wait3A_441] : memref<16x16xf32, #tpu.memory_space<vmem>> -> memref<1x16xf32, #tpu.memory_space<vmem>>
      %dma_wait3A_443 = tpu.memref_squeeze %dma_wait3A_442 : memref<1x16xf32, #tpu.memory_space<vmem>> -> memref<16xf32, #tpu.memory_space<vmem>>
      tpu.wait_dma2 semaphore(%run_scoped3A_429 : memref<!tpu.dma_semaphore, #tpu.memory_space<semaphore_mem>>) src(%dma_wait3A_443 : memref<16xf32, #tpu.memory_space<vmem>>) dst(%dma_wait3A_440 : memref<16xf32, #tpu.memory_space<hbm>>)
      tpu.yield
    }) : () -> ()
    %mul3A_207 = arith.constant 4 : i32
    %mul3A_208 = arith.muli %mul3A_2, %mul3A_207 : i32
    %add3A_209 = arith.constant 0 : i32
    %add3A_210 = arith.addi %add3A_209, %mul3A_208 : i32
    %add3A_211 = arith.constant 240 : i32
    %add3A_212 = arith.addi %add3A_210, %add3A_211 : i32
    %run_scoped3A_213 = arith.constant 15 : i32
    "tpu.region"() ({
      %run_scoped3A_429 = tpu.sem_alloc : memref<!tpu.dma_semaphore, #tpu.memory_space<semaphore_mem>>
      %dma_start3A = arith.constant 0 : i32
      %dma_start3A_430 = tpu.memref_slice %arg7[%run_scoped3A_213, %dma_start3A] : memref<16x16xf32, #tpu.memory_space<vmem>> -> memref<1x16xf32, #tpu.memory_space<vmem>>
      %dma_start3A_431 = tpu.memref_squeeze %dma_start3A_430 : memref<1x16xf32, #tpu.memory_space<vmem>> -> memref<16xf32, #tpu.memory_space<vmem>>
      %dma_start3A_432 = tpu.memref_slice %arg4[%add3A_212] : memref<16384xf32, #tpu.memory_space<hbm>> -> memref<16xf32, #tpu.memory_space<hbm>>
      %dma_start3A_433 = tpu.memref_slice %arg4[%add3A_212] : memref<16384xf32, #tpu.memory_space<hbm>> -> memref<16xf32, #tpu.memory_space<hbm>>
      %dma_start3A_434 = arith.constant 0 : i32
      %dma_start3A_435 = tpu.memref_slice %arg7[%run_scoped3A_213, %dma_start3A_434] : memref<16x16xf32, #tpu.memory_space<vmem>> -> memref<1x16xf32, #tpu.memory_space<vmem>>
      %dma_start3A_436 = tpu.memref_squeeze %dma_start3A_435 : memref<1x16xf32, #tpu.memory_space<vmem>> -> memref<16xf32, #tpu.memory_space<vmem>>
      tpu.enqueue_dma source(%dma_start3A_436 : memref<16xf32, #tpu.memory_space<vmem>>) target(%dma_start3A_433 : memref<16xf32, #tpu.memory_space<hbm>>) target_semaphore(%run_scoped3A_429 : memref<!tpu.dma_semaphore, #tpu.memory_space<semaphore_mem>>)
      %dma_wait3A = arith.constant 0 : i32
      %dma_wait3A_437 = tpu.memref_slice %arg7[%run_scoped3A_213, %dma_wait3A] : memref<16x16xf32, #tpu.memory_space<vmem>> -> memref<1x16xf32, #tpu.memory_space<vmem>>
      %dma_wait3A_438 = tpu.memref_squeeze %dma_wait3A_437 : memref<1x16xf32, #tpu.memory_space<vmem>> -> memref<16xf32, #tpu.memory_space<vmem>>
      %dma_wait3A_439 = tpu.memref_slice %arg4[%add3A_212] : memref<16384xf32, #tpu.memory_space<hbm>> -> memref<16xf32, #tpu.memory_space<hbm>>
      %dma_wait3A_440 = tpu.memref_slice %arg4[%add3A_212] : memref<16384xf32, #tpu.memory_space<hbm>> -> memref<16xf32, #tpu.memory_space<hbm>>
      %dma_wait3A_441 = arith.constant 0 : i32
      %dma_wait3A_442 = tpu.memref_slice %arg7[%run_scoped3A_213, %dma_wait3A_441] : memref<16x16xf32, #tpu.memory_space<vmem>> -> memref<1x16xf32, #tpu.memory_space<vmem>>
      %dma_wait3A_443 = tpu.memref_squeeze %dma_wait3A_442 : memref<1x16xf32, #tpu.memory_space<vmem>> -> memref<16xf32, #tpu.memory_space<vmem>>
      tpu.wait_dma2 semaphore(%run_scoped3A_429 : memref<!tpu.dma_semaphore, #tpu.memory_space<semaphore_mem>>) src(%dma_wait3A_443 : memref<16xf32, #tpu.memory_space<vmem>>) dst(%dma_wait3A_440 : memref<16xf32, #tpu.memory_space<hbm>>)
      tpu.yield
    }) : () -> ()
    "tpu.region"() ({
      %run_scoped3A_429 = tpu.sem_alloc : memref<!tpu.dma_semaphore, #tpu.memory_space<semaphore_mem>>
      %dma_start3A = arith.constant 5120 : i32
      %dma_start3A_430 = tpu.memref_slice %arg2[%dma_start3A] : memref<10240xi32, #tpu.memory_space<hbm>> -> memref<5120xi32, #tpu.memory_space<hbm>>
      %dma_start3A_431 = arith.constant 5120 : i32
      %dma_start3A_432 = tpu.memref_slice %arg2[%dma_start3A_431] : memref<10240xi32, #tpu.memory_space<hbm>> -> memref<5120xi32, #tpu.memory_space<hbm>>
      tpu.enqueue_dma source(%dma_start3A_432 : memref<5120xi32, #tpu.memory_space<hbm>>) target(%arg5 : memref<5120xi32, #tpu.memory_space<vmem>>) target_semaphore(%run_scoped3A_429 : memref<!tpu.dma_semaphore, #tpu.memory_space<semaphore_mem>>)
      %dma_wait3A = arith.constant 5120 : i32
      %dma_wait3A_433 = tpu.memref_slice %arg2[%dma_wait3A] : memref<10240xi32, #tpu.memory_space<hbm>> -> memref<5120xi32, #tpu.memory_space<hbm>>
      %dma_wait3A_434 = arith.constant 5120 : i32
      %dma_wait3A_435 = tpu.memref_slice %arg2[%dma_wait3A_434] : memref<10240xi32, #tpu.memory_space<hbm>> -> memref<5120xi32, #tpu.memory_space<hbm>>
      tpu.wait_dma2 semaphore(%run_scoped3A_429 : memref<!tpu.dma_semaphore, #tpu.memory_space<semaphore_mem>>) src(%dma_wait3A_435 : memref<5120xi32, #tpu.memory_space<hbm>>) dst(%arg5 : memref<5120xi32, #tpu.memory_space<vmem>>)
      tpu.yield
    }) : () -> ()
    "tpu.region"() ({
      %run_scoped3A_429 = tpu.sem_alloc : memref<!tpu.dma_semaphore, #tpu.memory_space<semaphore_mem>>
      %dma_start3A = arith.constant 20480 : i32
      %dma_start3A_430 = tpu.memref_slice %arg3[%dma_start3A] : memref<40960xf32, #tpu.memory_space<hbm>> -> memref<20480xf32, #tpu.memory_space<hbm>>
      %dma_start3A_431 = arith.constant 20480 : i32
      %dma_start3A_432 = tpu.memref_slice %arg3[%dma_start3A_431] : memref<40960xf32, #tpu.memory_space<hbm>> -> memref<20480xf32, #tpu.memory_space<hbm>>
      tpu.enqueue_dma source(%dma_start3A_432 : memref<20480xf32, #tpu.memory_space<hbm>>) target(%arg6 : memref<20480xf32, #tpu.memory_space<vmem>>) target_semaphore(%run_scoped3A_429 : memref<!tpu.dma_semaphore, #tpu.memory_space<semaphore_mem>>)
      %dma_wait3A = arith.constant 20480 : i32
      %dma_wait3A_433 = tpu.memref_slice %arg3[%dma_wait3A] : memref<40960xf32, #tpu.memory_space<hbm>> -> memref<20480xf32, #tpu.memory_space<hbm>>
      %dma_wait3A_434 = arith.constant 20480 : i32
      %dma_wait3A_435 = tpu.memref_slice %arg3[%dma_wait3A_434] : memref<40960xf32, #tpu.memory_space<hbm>> -> memref<20480xf32, #tpu.memory_space<hbm>>
      tpu.wait_dma2 semaphore(%run_scoped3A_429 : memref<!tpu.dma_semaphore, #tpu.memory_space<semaphore_mem>>) src(%dma_wait3A_435 : memref<20480xf32, #tpu.memory_space<hbm>>) dst(%arg6 : memref<20480xf32, #tpu.memory_space<vmem>>)
      tpu.yield
    }) : () -> ()
    %broadcast_in_dim3A_214 = arith.constant 0.000000e+00 : f32
    %broadcast_in_dim3A_215 = vector.broadcast %broadcast_in_dim3A_214 : f32 to vector<16xf32>
    %swap3A_216 = arith.constant 0 : i32
    %swap3A_217 = arith.index_cast %swap3A_216 : i32 to index
    %swap3A_218 = arith.constant 0 : index
    %swap3A_219 = tpu.vector_load %arg7[%swap3A_217, %swap3A_218] {strides = array<i32>} : memref<16x16xf32, #tpu.memory_space<vmem>>, vector<16xf32>,
    tpu.vector_store %arg7[%swap3A_217, %swap3A_218], %broadcast_in_dim3A_215 {strides = array<i32>} : memref<16x16xf32, #tpu.memory_space<vmem>>, vector<16xf32>,
    %broadcast_in_dim3A_220 = arith.constant 0.000000e+00 : f32
    %broadcast_in_dim3A_221 = vector.broadcast %broadcast_in_dim3A_220 : f32 to vector<16xf32>
    %swap3A_222 = arith.constant 1 : i32
    %swap3A_223 = arith.index_cast %swap3A_222 : i32 to index
    %swap3A_224 = arith.constant 0 : index
    %swap3A_225 = tpu.vector_load %arg7[%swap3A_223, %swap3A_224] {strides = array<i32>} : memref<16x16xf32, #tpu.memory_space<vmem>>, vector<16xf32>,
    tpu.vector_store %arg7[%swap3A_223, %swap3A_224], %broadcast_in_dim3A_221 {strides = array<i32>} : memref<16x16xf32, #tpu.memory_space<vmem>>, vector<16xf32>,
    %broadcast_in_dim3A_226 = arith.constant 0.000000e+00 : f32
    %broadcast_in_dim3A_227 = vector.broadcast %broadcast_in_dim3A_226 : f32 to vector<16xf32>
    %swap3A_228 = arith.constant 2 : i32
    %swap3A_229 = arith.index_cast %swap3A_228 : i32 to index
    %swap3A_230 = arith.constant 0 : index
    %swap3A_231 = tpu.vector_load %arg7[%swap3A_229, %swap3A_230] {strides = array<i32>} : memref<16x16xf32, #tpu.memory_space<vmem>>, vector<16xf32>,
    tpu.vector_store %arg7[%swap3A_229, %swap3A_230], %broadcast_in_dim3A_227 {strides = array<i32>} : memref<16x16xf32, #tpu.memory_space<vmem>>, vector<16xf32>,
    %broadcast_in_dim3A_232 = arith.constant 0.000000e+00 : f32
    %broadcast_in_dim3A_233 = vector.broadcast %broadcast_in_dim3A_232 : f32 to vector<16xf32>
    %swap3A_234 = arith.constant 3 : i32
    %swap3A_235 = arith.index_cast %swap3A_234 : i32 to index
    %swap3A_236 = arith.constant 0 : index
    %swap3A_237 = tpu.vector_load %arg7[%swap3A_235, %swap3A_236] {strides = array<i32>} : memref<16x16xf32, #tpu.memory_space<vmem>>, vector<16xf32>,
    tpu.vector_store %arg7[%swap3A_235, %swap3A_236], %broadcast_in_dim3A_233 {strides = array<i32>} : memref<16x16xf32, #tpu.memory_space<vmem>>, vector<16xf32>,
    %broadcast_in_dim3A_238 = arith.constant 0.000000e+00 : f32
    %broadcast_in_dim3A_239 = vector.broadcast %broadcast_in_dim3A_238 : f32 to vector<16xf32>
    %swap3A_240 = arith.constant 4 : i32
    %swap3A_241 = arith.index_cast %swap3A_240 : i32 to index
    %swap3A_242 = arith.constant 0 : index
    %swap3A_243 = tpu.vector_load %arg7[%swap3A_241, %swap3A_242] {strides = array<i32>} : memref<16x16xf32, #tpu.memory_space<vmem>>, vector<16xf32>,
    tpu.vector_store %arg7[%swap3A_241, %swap3A_242], %broadcast_in_dim3A_239 {strides = array<i32>} : memref<16x16xf32, #tpu.memory_space<vmem>>, vector<16xf32>,
    %broadcast_in_dim3A_244 = arith.constant 0.000000e+00 : f32
    %broadcast_in_dim3A_245 = vector.broadcast %broadcast_in_dim3A_244 : f32 to vector<16xf32>
    %swap3A_246 = arith.constant 5 : i32
    %swap3A_247 = arith.index_cast %swap3A_246 : i32 to index
    %swap3A_248 = arith.constant 0 : index
    %swap3A_249 = tpu.vector_load %arg7[%swap3A_247, %swap3A_248] {strides = array<i32>} : memref<16x16xf32, #tpu.memory_space<vmem>>, vector<16xf32>,
    tpu.vector_store %arg7[%swap3A_247, %swap3A_248], %broadcast_in_dim3A_245 {strides = array<i32>} : memref<16x16xf32, #tpu.memory_space<vmem>>, vector<16xf32>,
    %broadcast_in_dim3A_250 = arith.constant 0.000000e+00 : f32
    %broadcast_in_dim3A_251 = vector.broadcast %broadcast_in_dim3A_250 : f32 to vector<16xf32>
    %swap3A_252 = arith.constant 6 : i32
    %swap3A_253 = arith.index_cast %swap3A_252 : i32 to index
    %swap3A_254 = arith.constant 0 : index
    %swap3A_255 = tpu.vector_load %arg7[%swap3A_253, %swap3A_254] {strides = array<i32>} : memref<16x16xf32, #tpu.memory_space<vmem>>, vector<16xf32>,
    tpu.vector_store %arg7[%swap3A_253, %swap3A_254], %broadcast_in_dim3A_251 {strides = array<i32>} : memref<16x16xf32, #tpu.memory_space<vmem>>, vector<16xf32>,
    %broadcast_in_dim3A_256 = arith.constant 0.000000e+00 : f32
    %broadcast_in_dim3A_257 = vector.broadcast %broadcast_in_dim3A_256 : f32 to vector<16xf32>
    %swap3A_258 = arith.constant 7 : i32
    %swap3A_259 = arith.index_cast %swap3A_258 : i32 to index
    %swap3A_260 = arith.constant 0 : index
    %swap3A_261 = tpu.vector_load %arg7[%swap3A_259, %swap3A_260] {strides = array<i32>} : memref<16x16xf32, #tpu.memory_space<vmem>>, vector<16xf32>,
    tpu.vector_store %arg7[%swap3A_259, %swap3A_260], %broadcast_in_dim3A_257 {strides = array<i32>} : memref<16x16xf32, #tpu.memory_space<vmem>>, vector<16xf32>,
    %broadcast_in_dim3A_262 = arith.constant 0.000000e+00 : f32
    %broadcast_in_dim3A_263 = vector.broadcast %broadcast_in_dim3A_262 : f32 to vector<16xf32>
    %swap3A_264 = arith.constant 8 : i32
    %swap3A_265 = arith.index_cast %swap3A_264 : i32 to index
    %swap3A_266 = arith.constant 0 : index
    %swap3A_267 = tpu.vector_load %arg7[%swap3A_265, %swap3A_266] {strides = array<i32>} : memref<16x16xf32, #tpu.memory_space<vmem>>, vector<16xf32>,
    tpu.vector_store %arg7[%swap3A_265, %swap3A_266], %broadcast_in_dim3A_263 {strides = array<i32>} : memref<16x16xf32, #tpu.memory_space<vmem>>, vector<16xf32>,
    %broadcast_in_dim3A_268 = arith.constant 0.000000e+00 : f32
    %broadcast_in_dim3A_269 = vector.broadcast %broadcast_in_dim3A_268 : f32 to vector<16xf32>
    %swap3A_270 = arith.constant 9 : i32
    %swap3A_271 = arith.index_cast %swap3A_270 : i32 to index
    %swap3A_272 = arith.constant 0 : index
    %swap3A_273 = tpu.vector_load %arg7[%swap3A_271, %swap3A_272] {strides = array<i32>} : memref<16x16xf32, #tpu.memory_space<vmem>>, vector<16xf32>,
    tpu.vector_store %arg7[%swap3A_271, %swap3A_272], %broadcast_in_dim3A_269 {strides = array<i32>} : memref<16x16xf32, #tpu.memory_space<vmem>>, vector<16xf32>,
    %broadcast_in_dim3A_274 = arith.constant 0.000000e+00 : f32
    %broadcast_in_dim3A_275 = vector.broadcast %broadcast_in_dim3A_274 : f32 to vector<16xf32>
    %swap3A_276 = arith.constant 10 : i32
    %swap3A_277 = arith.index_cast %swap3A_276 : i32 to index
    %swap3A_278 = arith.constant 0 : index
    %swap3A_279 = tpu.vector_load %arg7[%swap3A_277, %swap3A_278] {strides = array<i32>} : memref<16x16xf32, #tpu.memory_space<vmem>>, vector<16xf32>,
    tpu.vector_store %arg7[%swap3A_277, %swap3A_278], %broadcast_in_dim3A_275 {strides = array<i32>} : memref<16x16xf32, #tpu.memory_space<vmem>>, vector<16xf32>,
    %broadcast_in_dim3A_280 = arith.constant 0.000000e+00 : f32
    %broadcast_in_dim3A_281 = vector.broadcast %broadcast_in_dim3A_280 : f32 to vector<16xf32>
    %swap3A_282 = arith.constant 11 : i32
    %swap3A_283 = arith.index_cast %swap3A_282 : i32 to index
    %swap3A_284 = arith.constant 0 : index
    %swap3A_285 = tpu.vector_load %arg7[%swap3A_283, %swap3A_284] {strides = array<i32>} : memref<16x16xf32, #tpu.memory_space<vmem>>, vector<16xf32>,
    tpu.vector_store %arg7[%swap3A_283, %swap3A_284], %broadcast_in_dim3A_281 {strides = array<i32>} : memref<16x16xf32, #tpu.memory_space<vmem>>, vector<16xf32>,
    %broadcast_in_dim3A_286 = arith.constant 0.000000e+00 : f32
    %broadcast_in_dim3A_287 = vector.broadcast %broadcast_in_dim3A_286 : f32 to vector<16xf32>
    %swap3A_288 = arith.constant 12 : i32
    %swap3A_289 = arith.index_cast %swap3A_288 : i32 to index
    %swap3A_290 = arith.constant 0 : index
    %swap3A_291 = tpu.vector_load %arg7[%swap3A_289, %swap3A_290] {strides = array<i32>} : memref<16x16xf32, #tpu.memory_space<vmem>>, vector<16xf32>,
    tpu.vector_store %arg7[%swap3A_289, %swap3A_290], %broadcast_in_dim3A_287 {strides = array<i32>} : memref<16x16xf32, #tpu.memory_space<vmem>>, vector<16xf32>,
    %broadcast_in_dim3A_292 = arith.constant 0.000000e+00 : f32
    %broadcast_in_dim3A_293 = vector.broadcast %broadcast_in_dim3A_292 : f32 to vector<16xf32>
    %swap3A_294 = arith.constant 13 : i32
    %swap3A_295 = arith.index_cast %swap3A_294 : i32 to index
    %swap3A_296 = arith.constant 0 : index
    %swap3A_297 = tpu.vector_load %arg7[%swap3A_295, %swap3A_296] {strides = array<i32>} : memref<16x16xf32, #tpu.memory_space<vmem>>, vector<16xf32>,
    tpu.vector_store %arg7[%swap3A_295, %swap3A_296], %broadcast_in_dim3A_293 {strides = array<i32>} : memref<16x16xf32, #tpu.memory_space<vmem>>, vector<16xf32>,
    %broadcast_in_dim3A_298 = arith.constant 0.000000e+00 : f32
    %broadcast_in_dim3A_299 = vector.broadcast %broadcast_in_dim3A_298 : f32 to vector<16xf32>
    %swap3A_300 = arith.constant 14 : i32
    %swap3A_301 = arith.index_cast %swap3A_300 : i32 to index
    %swap3A_302 = arith.constant 0 : index
    %swap3A_303 = tpu.vector_load %arg7[%swap3A_301, %swap3A_302] {strides = array<i32>} : memref<16x16xf32, #tpu.memory_space<vmem>>, vector<16xf32>,
    tpu.vector_store %arg7[%swap3A_301, %swap3A_302], %broadcast_in_dim3A_299 {strides = array<i32>} : memref<16x16xf32, #tpu.memory_space<vmem>>, vector<16xf32>,
    %broadcast_in_dim3A_304 = arith.constant 0.000000e+00 : f32
    %broadcast_in_dim3A_305 = vector.broadcast %broadcast_in_dim3A_304 : f32 to vector<16xf32>
    %swap3A_306 = arith.constant 15 : i32
    %swap3A_307 = arith.index_cast %swap3A_306 : i32 to index
    %swap3A_308 = arith.constant 0 : index
    %swap3A_309 = tpu.vector_load %arg7[%swap3A_307, %swap3A_308] {strides = array<i32>} : memref<16x16xf32, #tpu.memory_space<vmem>>, vector<16xf32>,
    tpu.vector_store %arg7[%swap3A_307, %swap3A_308], %broadcast_in_dim3A_305 {strides = array<i32>} : memref<16x16xf32, #tpu.memory_space<vmem>>, vector<16xf32>,
    %scan3A_310 = arith.constant 0 : i32
    %scan3A_311 = arith.constant 0 : i32
    %scan3A_312 = arith.constant 320 : i32
    %scan3A_313 = arith.addi %scan3A_311, %scan3A_312 : i32
    %scan3A_314 = arith.constant 1 : i32
    %scan3A_315 = scf.for %scan3A_429 = %scan3A_311 to %scan3A_313 step %scan3A_314 iter_args(%scan3A_430 = %scan3A_310) -> (i32)  : i32 {
      %mul3A_431 = arith.constant 16 : i32
      %mul3A_432 = arith.muli %scan3A_429, %mul3A_431 : i32
      %get3A = arith.index_cast %mul3A_432 : i32 to index
      %get3A_433 = tpu.vector_load %arg5[%get3A] {strides = array<i32>} : memref<5120xi32, #tpu.memory_space<vmem>>, vector<16xi32>,
      %ge3A = vector.broadcast %mul3A_2 : i32 to vector<16xi32>
      %ge3A_434 = arith.cmpi sge, %get3A_433, %ge3A : vector<16xi32>
      %add3A_435 = arith.constant 64 : i32
      %add3A_436 = arith.addi %mul3A_2, %add3A_435 : i32
      %lt3A = vector.broadcast %add3A_436 : i32 to vector<16xi32>
      %lt3A_437 = arith.cmpi slt, %get3A_433, %lt3A : vector<16xi32>
      %and3A = arith.andi %ge3A_434, %lt3A_437 : vector<16xi1>
      %sub3A = vector.broadcast %mul3A_2 : i32 to vector<16xi32>
      %sub3A_438 = arith.subi %get3A_433, %sub3A : vector<16xi32>
      %mul3A_439 = arith.constant 16 : i32
      %mul3A_440 = arith.muli %scan3A_429, %mul3A_439 : i32
      %add3A_441 = arith.constant 0 : i32
      %add3A_442 = arith.addi %add3A_441, %mul3A_440 : i32
      %get3A_443 = arith.index_cast %add3A_442 : i32 to index
      %get3A_444 = tpu.vector_load %arg6[%get3A_443] {strides = array<i32>} : memref<20480xf32, #tpu.memory_space<vmem>>, vector<16xf32>,
      %mul3A_445 = arith.constant 4 : i32
      %mul3A_446 = vector.broadcast %mul3A_445 : i32 to vector<16xi32>
      %mul3A_447 = arith.muli %sub3A_438, %mul3A_446 : vector<16xi32>
      %add3A_448 = arith.constant 0 : i32
      %add3A_449 = vector.broadcast %add3A_448 : i32 to vector<16xi32>
      %add3A_450 = arith.addi %mul3A_447, %add3A_449 : vector<16xi32>
      %shift_right_logical3A = arith.constant 4 : i32
      %shift_right_logical3A_451 = vector.broadcast %shift_right_logical3A : i32 to vector<16xi32>
      %shift_right_logical3A_452 = arith.shrui %add3A_450, %shift_right_logical3A_451 : vector<16xi32>
      %and3A_453 = arith.constant 15 : i32
      %and3A_454 = vector.broadcast %and3A_453 : i32 to vector<16xi32>
      %and3A_455 = arith.andi %add3A_450, %and3A_454 : vector<16xi32>
      tpu.vector_store_idx %arg7[%shift_right_logical3A_452, %and3A_455], %get3A_444 masked %and3A : memref<16x16xf32, #tpu.memory_space<vmem>>[vector<16xi32>, vector<16xi32>], vector<16xf32>, vector<16xi1>
      %mul3A_456 = arith.constant 16 : i32
      %mul3A_457 = arith.muli %scan3A_429, %mul3A_456 : i32
      %add3A_458 = arith.constant 5120 : i32
      %add3A_459 = arith.addi %add3A_458, %mul3A_457 : i32
      %get3A_460 = arith.index_cast %add3A_459 : i32 to index
      %get3A_461 = tpu.vector_load %arg6[%get3A_460] {strides = array<i32>} : memref<20480xf32, #tpu.memory_space<vmem>>, vector<16xf32>,
      %mul3A_462 = arith.constant 4 : i32
      %mul3A_463 = vector.broadcast %mul3A_462 : i32 to vector<16xi32>
      %mul3A_464 = arith.muli %sub3A_438, %mul3A_463 : vector<16xi32>
      %add3A_465 = arith.constant 1 : i32
      %add3A_466 = vector.broadcast %add3A_465 : i32 to vector<16xi32>
      %add3A_467 = arith.addi %mul3A_464, %add3A_466 : vector<16xi32>
      %shift_right_logical3A_468 = arith.constant 4 : i32
      %shift_right_logical3A_469 = vector.broadcast %shift_right_logical3A_468 : i32 to vector<16xi32>
      %shift_right_logical3A_470 = arith.shrui %add3A_467, %shift_right_logical3A_469 : vector<16xi32>
      %and3A_471 = arith.constant 15 : i32
      %and3A_472 = vector.broadcast %and3A_471 : i32 to vector<16xi32>
      %and3A_473 = arith.andi %add3A_467, %and3A_472 : vector<16xi32>
      tpu.vector_store_idx %arg7[%shift_right_logical3A_470, %and3A_473], %get3A_461 masked %and3A : memref<16x16xf32, #tpu.memory_space<vmem>>[vector<16xi32>, vector<16xi32>], vector<16xf32>, vector<16xi1>
      %mul3A_474 = arith.constant 16 : i32
      %mul3A_475 = arith.muli %scan3A_429, %mul3A_474 : i32
      %add3A_476 = arith.constant 10240 : i32
      %add3A_477 = arith.addi %add3A_476, %mul3A_475 : i32
      %get3A_478 = arith.index_cast %add3A_477 : i32 to index
      %get3A_479 = tpu.vector_load %arg6[%get3A_478] {strides = array<i32>} : memref<20480xf32, #tpu.memory_space<vmem>>, vector<16xf32>,
      %mul3A_480 = arith.constant 4 : i32
      %mul3A_481 = vector.broadcast %mul3A_480 : i32 to vector<16xi32>
      %mul3A_482 = arith.muli %sub3A_438, %mul3A_481 : vector<16xi32>
      %add3A_483 = arith.constant 2 : i32
      %add3A_484 = vector.broadcast %add3A_483 : i32 to vector<16xi32>
      %add3A_485 = arith.addi %mul3A_482, %add3A_484 : vector<16xi32>
      %shift_right_logical3A_486 = arith.constant 4 : i32
      %shift_right_logical3A_487 = vector.broadcast %shift_right_logical3A_486 : i32 to vector<16xi32>
      %shift_right_logical3A_488 = arith.shrui %add3A_485, %shift_right_logical3A_487 : vector<16xi32>
      %and3A_489 = arith.constant 15 : i32
      %and3A_490 = vector.broadcast %and3A_489 : i32 to vector<16xi32>
      %and3A_491 = arith.andi %add3A_485, %and3A_490 : vector<16xi32>
      tpu.vector_store_idx %arg7[%shift_right_logical3A_488, %and3A_491], %get3A_479 masked %and3A : memref<16x16xf32, #tpu.memory_space<vmem>>[vector<16xi32>, vector<16xi32>], vector<16xf32>, vector<16xi1>
      %mul3A_492 = arith.constant 16 : i32
      %mul3A_493 = arith.muli %scan3A_429, %mul3A_492 : i32
      %add3A_494 = arith.constant 15360 : i32
      %add3A_495 = arith.addi %add3A_494, %mul3A_493 : i32
      %get3A_496 = arith.index_cast %add3A_495 : i32 to index
      %get3A_497 = tpu.vector_load %arg6[%get3A_496] {strides = array<i32>} : memref<20480xf32, #tpu.memory_space<vmem>>, vector<16xf32>,
      %mul3A_498 = arith.constant 4 : i32
      %mul3A_499 = vector.broadcast %mul3A_498 : i32 to vector<16xi32>
      %mul3A_500 = arith.muli %sub3A_438, %mul3A_499 : vector<16xi32>
      %add3A_501 = arith.constant 3 : i32
      %add3A_502 = vector.broadcast %add3A_501 : i32 to vector<16xi32>
      %add3A_503 = arith.addi %mul3A_500, %add3A_502 : vector<16xi32>
      %shift_right_logical3A_504 = arith.constant 4 : i32
      %shift_right_logical3A_505 = vector.broadcast %shift_right_logical3A_504 : i32 to vector<16xi32>
      %shift_right_logical3A_506 = arith.shrui %add3A_503, %shift_right_logical3A_505 : vector<16xi32>
      %and3A_507 = arith.constant 15 : i32
      %and3A_508 = vector.broadcast %and3A_507 : i32 to vector<16xi32>
      %and3A_509 = arith.andi %add3A_503, %and3A_508 : vector<16xi32>
      tpu.vector_store_idx %arg7[%shift_right_logical3A_506, %and3A_509], %get3A_497 masked %and3A : memref<16x16xf32, #tpu.memory_space<vmem>>[vector<16xi32>, vector<16xi32>], vector<16xf32>, vector<16xi1>
      %scan3A_510 = arith.constant 0 : i32
      scf.yield %scan3A_510 : i32
    }
    %scan3A_316 = arith.constant 320 : i32
    %mul3A_317 = arith.constant 4 : i32
    %mul3A_318 = arith.muli %mul3A_2, %mul3A_317 : i32
    %add3A_319 = arith.constant 8192 : i32
    %add3A_320 = arith.addi %add3A_319, %mul3A_318 : i32
    %add3A_321 = arith.constant 0 : i32
    %add3A_322 = arith.addi %add3A_320, %add3A_321 : i32
    %run_scoped3A_323 = arith.constant 0 : i32
    "tpu.region"() ({
      %run_scoped3A_429 = tpu.sem_alloc : memref<!tpu.dma_semaphore, #tpu.memory_space<semaphore_mem>>
      %dma_start3A = arith.constant 0 : i32
      %dma_start3A_430 = tpu.memref_slice %arg7[%run_scoped3A_323, %dma_start3A] : memref<16x16xf32, #tpu.memory_space<vmem>> -> memref<1x16xf32, #tpu.memory_space<vmem>>
      %dma_start3A_431 = tpu.memref_squeeze %dma_start3A_430 : memref<1x16xf32, #tpu.memory_space<vmem>> -> memref<16xf32, #tpu.memory_space<vmem>>
      %dma_start3A_432 = tpu.memref_slice %arg4[%add3A_322] : memref<16384xf32, #tpu.memory_space<hbm>> -> memref<16xf32, #tpu.memory_space<hbm>>
      %dma_start3A_433 = tpu.memref_slice %arg4[%add3A_322] : memref<16384xf32, #tpu.memory_space<hbm>> -> memref<16xf32, #tpu.memory_space<hbm>>
      %dma_start3A_434 = arith.constant 0 : i32
      %dma_start3A_435 = tpu.memref_slice %arg7[%run_scoped3A_323, %dma_start3A_434] : memref<16x16xf32, #tpu.memory_space<vmem>> -> memref<1x16xf32, #tpu.memory_space<vmem>>
      %dma_start3A_436 = tpu.memref_squeeze %dma_start3A_435 : memref<1x16xf32, #tpu.memory_space<vmem>> -> memref<16xf32, #tpu.memory_space<vmem>>
      tpu.enqueue_dma source(%dma_start3A_436 : memref<16xf32, #tpu.memory_space<vmem>>) target(%dma_start3A_433 : memref<16xf32, #tpu.memory_space<hbm>>) target_semaphore(%run_scoped3A_429 : memref<!tpu.dma_semaphore, #tpu.memory_space<semaphore_mem>>)
      %dma_wait3A = arith.constant 0 : i32
      %dma_wait3A_437 = tpu.memref_slice %arg7[%run_scoped3A_323, %dma_wait3A] : memref<16x16xf32, #tpu.memory_space<vmem>> -> memref<1x16xf32, #tpu.memory_space<vmem>>
      %dma_wait3A_438 = tpu.memref_squeeze %dma_wait3A_437 : memref<1x16xf32, #tpu.memory_space<vmem>> -> memref<16xf32, #tpu.memory_space<vmem>>
      %dma_wait3A_439 = tpu.memref_slice %arg4[%add3A_322] : memref<16384xf32, #tpu.memory_space<hbm>> -> memref<16xf32, #tpu.memory_space<hbm>>
      %dma_wait3A_440 = tpu.memref_slice %arg4[%add3A_322] : memref<16384xf32, #tpu.memory_space<hbm>> -> memref<16xf32, #tpu.memory_space<hbm>>
      %dma_wait3A_441 = arith.constant 0 : i32
      %dma_wait3A_442 = tpu.memref_slice %arg7[%run_scoped3A_323, %dma_wait3A_441] : memref<16x16xf32, #tpu.memory_space<vmem>> -> memref<1x16xf32, #tpu.memory_space<vmem>>
      %dma_wait3A_443 = tpu.memref_squeeze %dma_wait3A_442 : memref<1x16xf32, #tpu.memory_space<vmem>> -> memref<16xf32, #tpu.memory_space<vmem>>
      tpu.wait_dma2 semaphore(%run_scoped3A_429 : memref<!tpu.dma_semaphore, #tpu.memory_space<semaphore_mem>>) src(%dma_wait3A_443 : memref<16xf32, #tpu.memory_space<vmem>>) dst(%dma_wait3A_440 : memref<16xf32, #tpu.memory_space<hbm>>)
      tpu.yield
    }) : () -> ()
    %mul3A_324 = arith.constant 4 : i32
    %mul3A_325 = arith.muli %mul3A_2, %mul3A_324 : i32
    %add3A_326 = arith.constant 8192 : i32
    %add3A_327 = arith.addi %add3A_326, %mul3A_325 : i32
    %add3A_328 = arith.constant 16 : i32
    %add3A_329 = arith.addi %add3A_327, %add3A_328 : i32
    %run_scoped3A_330 = arith.constant 1 : i32
    "tpu.region"() ({
      %run_scoped3A_429 = tpu.sem_alloc : memref<!tpu.dma_semaphore, #tpu.memory_space<semaphore_mem>>
      %dma_start3A = arith.constant 0 : i32
      %dma_start3A_430 = tpu.memref_slice %arg7[%run_scoped3A_330, %dma_start3A] : memref<16x16xf32, #tpu.memory_space<vmem>> -> memref<1x16xf32, #tpu.memory_space<vmem>>
      %dma_start3A_431 = tpu.memref_squeeze %dma_start3A_430 : memref<1x16xf32, #tpu.memory_space<vmem>> -> memref<16xf32, #tpu.memory_space<vmem>>
      %dma_start3A_432 = tpu.memref_slice %arg4[%add3A_329] : memref<16384xf32, #tpu.memory_space<hbm>> -> memref<16xf32, #tpu.memory_space<hbm>>
      %dma_start3A_433 = tpu.memref_slice %arg4[%add3A_329] : memref<16384xf32, #tpu.memory_space<hbm>> -> memref<16xf32, #tpu.memory_space<hbm>>
      %dma_start3A_434 = arith.constant 0 : i32
      %dma_start3A_435 = tpu.memref_slice %arg7[%run_scoped3A_330, %dma_start3A_434] : memref<16x16xf32, #tpu.memory_space<vmem>> -> memref<1x16xf32, #tpu.memory_space<vmem>>
      %dma_start3A_436 = tpu.memref_squeeze %dma_start3A_435 : memref<1x16xf32, #tpu.memory_space<vmem>> -> memref<16xf32, #tpu.memory_space<vmem>>
      tpu.enqueue_dma source(%dma_start3A_436 : memref<16xf32, #tpu.memory_space<vmem>>) target(%dma_start3A_433 : memref<16xf32, #tpu.memory_space<hbm>>) target_semaphore(%run_scoped3A_429 : memref<!tpu.dma_semaphore, #tpu.memory_space<semaphore_mem>>)
      %dma_wait3A = arith.constant 0 : i32
      %dma_wait3A_437 = tpu.memref_slice %arg7[%run_scoped3A_330, %dma_wait3A] : memref<16x16xf32, #tpu.memory_space<vmem>> -> memref<1x16xf32, #tpu.memory_space<vmem>>
      %dma_wait3A_438 = tpu.memref_squeeze %dma_wait3A_437 : memref<1x16xf32, #tpu.memory_space<vmem>> -> memref<16xf32, #tpu.memory_space<vmem>>
      %dma_wait3A_439 = tpu.memref_slice %arg4[%add3A_329] : memref<16384xf32, #tpu.memory_space<hbm>> -> memref<16xf32, #tpu.memory_space<hbm>>
      %dma_wait3A_440 = tpu.memref_slice %arg4[%add3A_329] : memref<16384xf32, #tpu.memory_space<hbm>> -> memref<16xf32, #tpu.memory_space<hbm>>
      %dma_wait3A_441 = arith.constant 0 : i32
      %dma_wait3A_442 = tpu.memref_slice %arg7[%run_scoped3A_330, %dma_wait3A_441] : memref<16x16xf32, #tpu.memory_space<vmem>> -> memref<1x16xf32, #tpu.memory_space<vmem>>
      %dma_wait3A_443 = tpu.memref_squeeze %dma_wait3A_442 : memref<1x16xf32, #tpu.memory_space<vmem>> -> memref<16xf32, #tpu.memory_space<vmem>>
      tpu.wait_dma2 semaphore(%run_scoped3A_429 : memref<!tpu.dma_semaphore, #tpu.memory_space<semaphore_mem>>) src(%dma_wait3A_443 : memref<16xf32, #tpu.memory_space<vmem>>) dst(%dma_wait3A_440 : memref<16xf32, #tpu.memory_space<hbm>>)
      tpu.yield
    }) : () -> ()
    %mul3A_331 = arith.constant 4 : i32
    %mul3A_332 = arith.muli %mul3A_2, %mul3A_331 : i32
    %add3A_333 = arith.constant 8192 : i32
    %add3A_334 = arith.addi %add3A_333, %mul3A_332 : i32
    %add3A_335 = arith.constant 32 : i32
    %add3A_336 = arith.addi %add3A_334, %add3A_335 : i32
    %run_scoped3A_337 = arith.constant 2 : i32
    "tpu.region"() ({
      %run_scoped3A_429 = tpu.sem_alloc : memref<!tpu.dma_semaphore, #tpu.memory_space<semaphore_mem>>
      %dma_start3A = arith.constant 0 : i32
      %dma_start3A_430 = tpu.memref_slice %arg7[%run_scoped3A_337, %dma_start3A] : memref<16x16xf32, #tpu.memory_space<vmem>> -> memref<1x16xf32, #tpu.memory_space<vmem>>
      %dma_start3A_431 = tpu.memref_squeeze %dma_start3A_430 : memref<1x16xf32, #tpu.memory_space<vmem>> -> memref<16xf32, #tpu.memory_space<vmem>>
      %dma_start3A_432 = tpu.memref_slice %arg4[%add3A_336] : memref<16384xf32, #tpu.memory_space<hbm>> -> memref<16xf32, #tpu.memory_space<hbm>>
      %dma_start3A_433 = tpu.memref_slice %arg4[%add3A_336] : memref<16384xf32, #tpu.memory_space<hbm>> -> memref<16xf32, #tpu.memory_space<hbm>>
      %dma_start3A_434 = arith.constant 0 : i32
      %dma_start3A_435 = tpu.memref_slice %arg7[%run_scoped3A_337, %dma_start3A_434] : memref<16x16xf32, #tpu.memory_space<vmem>> -> memref<1x16xf32, #tpu.memory_space<vmem>>
      %dma_start3A_436 = tpu.memref_squeeze %dma_start3A_435 : memref<1x16xf32, #tpu.memory_space<vmem>> -> memref<16xf32, #tpu.memory_space<vmem>>
      tpu.enqueue_dma source(%dma_start3A_436 : memref<16xf32, #tpu.memory_space<vmem>>) target(%dma_start3A_433 : memref<16xf32, #tpu.memory_space<hbm>>) target_semaphore(%run_scoped3A_429 : memref<!tpu.dma_semaphore, #tpu.memory_space<semaphore_mem>>)
      %dma_wait3A = arith.constant 0 : i32
      %dma_wait3A_437 = tpu.memref_slice %arg7[%run_scoped3A_337, %dma_wait3A] : memref<16x16xf32, #tpu.memory_space<vmem>> -> memref<1x16xf32, #tpu.memory_space<vmem>>
      %dma_wait3A_438 = tpu.memref_squeeze %dma_wait3A_437 : memref<1x16xf32, #tpu.memory_space<vmem>> -> memref<16xf32, #tpu.memory_space<vmem>>
      %dma_wait3A_439 = tpu.memref_slice %arg4[%add3A_336] : memref<16384xf32, #tpu.memory_space<hbm>> -> memref<16xf32, #tpu.memory_space<hbm>>
      %dma_wait3A_440 = tpu.memref_slice %arg4[%add3A_336] : memref<16384xf32, #tpu.memory_space<hbm>> -> memref<16xf32, #tpu.memory_space<hbm>>
      %dma_wait3A_441 = arith.constant 0 : i32
      %dma_wait3A_442 = tpu.memref_slice %arg7[%run_scoped3A_337, %dma_wait3A_441] : memref<16x16xf32, #tpu.memory_space<vmem>> -> memref<1x16xf32, #tpu.memory_space<vmem>>
      %dma_wait3A_443 = tpu.memref_squeeze %dma_wait3A_442 : memref<1x16xf32, #tpu.memory_space<vmem>> -> memref<16xf32, #tpu.memory_space<vmem>>
      tpu.wait_dma2 semaphore(%run_scoped3A_429 : memref<!tpu.dma_semaphore, #tpu.memory_space<semaphore_mem>>) src(%dma_wait3A_443 : memref<16xf32, #tpu.memory_space<vmem>>) dst(%dma_wait3A_440 : memref<16xf32, #tpu.memory_space<hbm>>)
      tpu.yield
    }) : () -> ()
    %mul3A_338 = arith.constant 4 : i32
    %mul3A_339 = arith.muli %mul3A_2, %mul3A_338 : i32
    %add3A_340 = arith.constant 8192 : i32
    %add3A_341 = arith.addi %add3A_340, %mul3A_339 : i32
    %add3A_342 = arith.constant 48 : i32
    %add3A_343 = arith.addi %add3A_341, %add3A_342 : i32
    %run_scoped3A_344 = arith.constant 3 : i32
    "tpu.region"() ({
      %run_scoped3A_429 = tpu.sem_alloc : memref<!tpu.dma_semaphore, #tpu.memory_space<semaphore_mem>>
      %dma_start3A = arith.constant 0 : i32
      %dma_start3A_430 = tpu.memref_slice %arg7[%run_scoped3A_344, %dma_start3A] : memref<16x16xf32, #tpu.memory_space<vmem>> -> memref<1x16xf32, #tpu.memory_space<vmem>>
      %dma_start3A_431 = tpu.memref_squeeze %dma_start3A_430 : memref<1x16xf32, #tpu.memory_space<vmem>> -> memref<16xf32, #tpu.memory_space<vmem>>
      %dma_start3A_432 = tpu.memref_slice %arg4[%add3A_343] : memref<16384xf32, #tpu.memory_space<hbm>> -> memref<16xf32, #tpu.memory_space<hbm>>
      %dma_start3A_433 = tpu.memref_slice %arg4[%add3A_343] : memref<16384xf32, #tpu.memory_space<hbm>> -> memref<16xf32, #tpu.memory_space<hbm>>
      %dma_start3A_434 = arith.constant 0 : i32
      %dma_start3A_435 = tpu.memref_slice %arg7[%run_scoped3A_344, %dma_start3A_434] : memref<16x16xf32, #tpu.memory_space<vmem>> -> memref<1x16xf32, #tpu.memory_space<vmem>>
      %dma_start3A_436 = tpu.memref_squeeze %dma_start3A_435 : memref<1x16xf32, #tpu.memory_space<vmem>> -> memref<16xf32, #tpu.memory_space<vmem>>
      tpu.enqueue_dma source(%dma_start3A_436 : memref<16xf32, #tpu.memory_space<vmem>>) target(%dma_start3A_433 : memref<16xf32, #tpu.memory_space<hbm>>) target_semaphore(%run_scoped3A_429 : memref<!tpu.dma_semaphore, #tpu.memory_space<semaphore_mem>>)
      %dma_wait3A = arith.constant 0 : i32
      %dma_wait3A_437 = tpu.memref_slice %arg7[%run_scoped3A_344, %dma_wait3A] : memref<16x16xf32, #tpu.memory_space<vmem>> -> memref<1x16xf32, #tpu.memory_space<vmem>>
      %dma_wait3A_438 = tpu.memref_squeeze %dma_wait3A_437 : memref<1x16xf32, #tpu.memory_space<vmem>> -> memref<16xf32, #tpu.memory_space<vmem>>
      %dma_wait3A_439 = tpu.memref_slice %arg4[%add3A_343] : memref<16384xf32, #tpu.memory_space<hbm>> -> memref<16xf32, #tpu.memory_space<hbm>>
      %dma_wait3A_440 = tpu.memref_slice %arg4[%add3A_343] : memref<16384xf32, #tpu.memory_space<hbm>> -> memref<16xf32, #tpu.memory_space<hbm>>
      %dma_wait3A_441 = arith.constant 0 : i32
      %dma_wait3A_442 = tpu.memref_slice %arg7[%run_scoped3A_344, %dma_wait3A_441] : memref<16x16xf32, #tpu.memory_space<vmem>> -> memref<1x16xf32, #tpu.memory_space<vmem>>
      %dma_wait3A_443 = tpu.memref_squeeze %dma_wait3A_442 : memref<1x16xf32, #tpu.memory_space<vmem>> -> memref<16xf32, #tpu.memory_space<vmem>>
      tpu.wait_dma2 semaphore(%run_scoped3A_429 : memref<!tpu.dma_semaphore, #tpu.memory_space<semaphore_mem>>) src(%dma_wait3A_443 : memref<16xf32, #tpu.memory_space<vmem>>) dst(%dma_wait3A_440 : memref<16xf32, #tpu.memory_space<hbm>>)
      tpu.yield
    }) : () -> ()
    %mul3A_345 = arith.constant 4 : i32
    %mul3A_346 = arith.muli %mul3A_2, %mul3A_345 : i32
    %add3A_347 = arith.constant 8192 : i32
    %add3A_348 = arith.addi %add3A_347, %mul3A_346 : i32
    %add3A_349 = arith.constant 64 : i32
    %add3A_350 = arith.addi %add3A_348, %add3A_349 : i32
    %run_scoped3A_351 = arith.constant 4 : i32
    "tpu.region"() ({
      %run_scoped3A_429 = tpu.sem_alloc : memref<!tpu.dma_semaphore, #tpu.memory_space<semaphore_mem>>
      %dma_start3A = arith.constant 0 : i32
      %dma_start3A_430 = tpu.memref_slice %arg7[%run_scoped3A_351, %dma_start3A] : memref<16x16xf32, #tpu.memory_space<vmem>> -> memref<1x16xf32, #tpu.memory_space<vmem>>
      %dma_start3A_431 = tpu.memref_squeeze %dma_start3A_430 : memref<1x16xf32, #tpu.memory_space<vmem>> -> memref<16xf32, #tpu.memory_space<vmem>>
      %dma_start3A_432 = tpu.memref_slice %arg4[%add3A_350] : memref<16384xf32, #tpu.memory_space<hbm>> -> memref<16xf32, #tpu.memory_space<hbm>>
      %dma_start3A_433 = tpu.memref_slice %arg4[%add3A_350] : memref<16384xf32, #tpu.memory_space<hbm>> -> memref<16xf32, #tpu.memory_space<hbm>>
      %dma_start3A_434 = arith.constant 0 : i32
      %dma_start3A_435 = tpu.memref_slice %arg7[%run_scoped3A_351, %dma_start3A_434] : memref<16x16xf32, #tpu.memory_space<vmem>> -> memref<1x16xf32, #tpu.memory_space<vmem>>
      %dma_start3A_436 = tpu.memref_squeeze %dma_start3A_435 : memref<1x16xf32, #tpu.memory_space<vmem>> -> memref<16xf32, #tpu.memory_space<vmem>>
      tpu.enqueue_dma source(%dma_start3A_436 : memref<16xf32, #tpu.memory_space<vmem>>) target(%dma_start3A_433 : memref<16xf32, #tpu.memory_space<hbm>>) target_semaphore(%run_scoped3A_429 : memref<!tpu.dma_semaphore, #tpu.memory_space<semaphore_mem>>)
      %dma_wait3A = arith.constant 0 : i32
      %dma_wait3A_437 = tpu.memref_slice %arg7[%run_scoped3A_351, %dma_wait3A] : memref<16x16xf32, #tpu.memory_space<vmem>> -> memref<1x16xf32, #tpu.memory_space<vmem>>
      %dma_wait3A_438 = tpu.memref_squeeze %dma_wait3A_437 : memref<1x16xf32, #tpu.memory_space<vmem>> -> memref<16xf32, #tpu.memory_space<vmem>>
      %dma_wait3A_439 = tpu.memref_slice %arg4[%add3A_350] : memref<16384xf32, #tpu.memory_space<hbm>> -> memref<16xf32, #tpu.memory_space<hbm>>
      %dma_wait3A_440 = tpu.memref_slice %arg4[%add3A_350] : memref<16384xf32, #tpu.memory_space<hbm>> -> memref<16xf32, #tpu.memory_space<hbm>>
      %dma_wait3A_441 = arith.constant 0 : i32
      %dma_wait3A_442 = tpu.memref_slice %arg7[%run_scoped3A_351, %dma_wait3A_441] : memref<16x16xf32, #tpu.memory_space<vmem>> -> memref<1x16xf32, #tpu.memory_space<vmem>>
      %dma_wait3A_443 = tpu.memref_squeeze %dma_wait3A_442 : memref<1x16xf32, #tpu.memory_space<vmem>> -> memref<16xf32, #tpu.memory_space<vmem>>
      tpu.wait_dma2 semaphore(%run_scoped3A_429 : memref<!tpu.dma_semaphore, #tpu.memory_space<semaphore_mem>>) src(%dma_wait3A_443 : memref<16xf32, #tpu.memory_space<vmem>>) dst(%dma_wait3A_440 : memref<16xf32, #tpu.memory_space<hbm>>)
      tpu.yield
    }) : () -> ()
    %mul3A_352 = arith.constant 4 : i32
    %mul3A_353 = arith.muli %mul3A_2, %mul3A_352 : i32
    %add3A_354 = arith.constant 8192 : i32
    %add3A_355 = arith.addi %add3A_354, %mul3A_353 : i32
    %add3A_356 = arith.constant 80 : i32
    %add3A_357 = arith.addi %add3A_355, %add3A_356 : i32
    %run_scoped3A_358 = arith.constant 5 : i32
    "tpu.region"() ({
      %run_scoped3A_429 = tpu.sem_alloc : memref<!tpu.dma_semaphore, #tpu.memory_space<semaphore_mem>>
      %dma_start3A = arith.constant 0 : i32
      %dma_start3A_430 = tpu.memref_slice %arg7[%run_scoped3A_358, %dma_start3A] : memref<16x16xf32, #tpu.memory_space<vmem>> -> memref<1x16xf32, #tpu.memory_space<vmem>>
      %dma_start3A_431 = tpu.memref_squeeze %dma_start3A_430 : memref<1x16xf32, #tpu.memory_space<vmem>> -> memref<16xf32, #tpu.memory_space<vmem>>
      %dma_start3A_432 = tpu.memref_slice %arg4[%add3A_357] : memref<16384xf32, #tpu.memory_space<hbm>> -> memref<16xf32, #tpu.memory_space<hbm>>
      %dma_start3A_433 = tpu.memref_slice %arg4[%add3A_357] : memref<16384xf32, #tpu.memory_space<hbm>> -> memref<16xf32, #tpu.memory_space<hbm>>
      %dma_start3A_434 = arith.constant 0 : i32
      %dma_start3A_435 = tpu.memref_slice %arg7[%run_scoped3A_358, %dma_start3A_434] : memref<16x16xf32, #tpu.memory_space<vmem>> -> memref<1x16xf32, #tpu.memory_space<vmem>>
      %dma_start3A_436 = tpu.memref_squeeze %dma_start3A_435 : memref<1x16xf32, #tpu.memory_space<vmem>> -> memref<16xf32, #tpu.memory_space<vmem>>
      tpu.enqueue_dma source(%dma_start3A_436 : memref<16xf32, #tpu.memory_space<vmem>>) target(%dma_start3A_433 : memref<16xf32, #tpu.memory_space<hbm>>) target_semaphore(%run_scoped3A_429 : memref<!tpu.dma_semaphore, #tpu.memory_space<semaphore_mem>>)
      %dma_wait3A = arith.constant 0 : i32
      %dma_wait3A_437 = tpu.memref_slice %arg7[%run_scoped3A_358, %dma_wait3A] : memref<16x16xf32, #tpu.memory_space<vmem>> -> memref<1x16xf32, #tpu.memory_space<vmem>>
      %dma_wait3A_438 = tpu.memref_squeeze %dma_wait3A_437 : memref<1x16xf32, #tpu.memory_space<vmem>> -> memref<16xf32, #tpu.memory_space<vmem>>
      %dma_wait3A_439 = tpu.memref_slice %arg4[%add3A_357] : memref<16384xf32, #tpu.memory_space<hbm>> -> memref<16xf32, #tpu.memory_space<hbm>>
      %dma_wait3A_440 = tpu.memref_slice %arg4[%add3A_357] : memref<16384xf32, #tpu.memory_space<hbm>> -> memref<16xf32, #tpu.memory_space<hbm>>
      %dma_wait3A_441 = arith.constant 0 : i32
      %dma_wait3A_442 = tpu.memref_slice %arg7[%run_scoped3A_358, %dma_wait3A_441] : memref<16x16xf32, #tpu.memory_space<vmem>> -> memref<1x16xf32, #tpu.memory_space<vmem>>
      %dma_wait3A_443 = tpu.memref_squeeze %dma_wait3A_442 : memref<1x16xf32, #tpu.memory_space<vmem>> -> memref<16xf32, #tpu.memory_space<vmem>>
      tpu.wait_dma2 semaphore(%run_scoped3A_429 : memref<!tpu.dma_semaphore, #tpu.memory_space<semaphore_mem>>) src(%dma_wait3A_443 : memref<16xf32, #tpu.memory_space<vmem>>) dst(%dma_wait3A_440 : memref<16xf32, #tpu.memory_space<hbm>>)
      tpu.yield
    }) : () -> ()
    %mul3A_359 = arith.constant 4 : i32
    %mul3A_360 = arith.muli %mul3A_2, %mul3A_359 : i32
    %add3A_361 = arith.constant 8192 : i32
    %add3A_362 = arith.addi %add3A_361, %mul3A_360 : i32
    %add3A_363 = arith.constant 96 : i32
    %add3A_364 = arith.addi %add3A_362, %add3A_363 : i32
    %run_scoped3A_365 = arith.constant 6 : i32
    "tpu.region"() ({
      %run_scoped3A_429 = tpu.sem_alloc : memref<!tpu.dma_semaphore, #tpu.memory_space<semaphore_mem>>
      %dma_start3A = arith.constant 0 : i32
      %dma_start3A_430 = tpu.memref_slice %arg7[%run_scoped3A_365, %dma_start3A] : memref<16x16xf32, #tpu.memory_space<vmem>> -> memref<1x16xf32, #tpu.memory_space<vmem>>
      %dma_start3A_431 = tpu.memref_squeeze %dma_start3A_430 : memref<1x16xf32, #tpu.memory_space<vmem>> -> memref<16xf32, #tpu.memory_space<vmem>>
      %dma_start3A_432 = tpu.memref_slice %arg4[%add3A_364] : memref<16384xf32, #tpu.memory_space<hbm>> -> memref<16xf32, #tpu.memory_space<hbm>>
      %dma_start3A_433 = tpu.memref_slice %arg4[%add3A_364] : memref<16384xf32, #tpu.memory_space<hbm>> -> memref<16xf32, #tpu.memory_space<hbm>>
      %dma_start3A_434 = arith.constant 0 : i32
      %dma_start3A_435 = tpu.memref_slice %arg7[%run_scoped3A_365, %dma_start3A_434] : memref<16x16xf32, #tpu.memory_space<vmem>> -> memref<1x16xf32, #tpu.memory_space<vmem>>
      %dma_start3A_436 = tpu.memref_squeeze %dma_start3A_435 : memref<1x16xf32, #tpu.memory_space<vmem>> -> memref<16xf32, #tpu.memory_space<vmem>>
      tpu.enqueue_dma source(%dma_start3A_436 : memref<16xf32, #tpu.memory_space<vmem>>) target(%dma_start3A_433 : memref<16xf32, #tpu.memory_space<hbm>>) target_semaphore(%run_scoped3A_429 : memref<!tpu.dma_semaphore, #tpu.memory_space<semaphore_mem>>)
      %dma_wait3A = arith.constant 0 : i32
      %dma_wait3A_437 = tpu.memref_slice %arg7[%run_scoped3A_365, %dma_wait3A] : memref<16x16xf32, #tpu.memory_space<vmem>> -> memref<1x16xf32, #tpu.memory_space<vmem>>
      %dma_wait3A_438 = tpu.memref_squeeze %dma_wait3A_437 : memref<1x16xf32, #tpu.memory_space<vmem>> -> memref<16xf32, #tpu.memory_space<vmem>>
      %dma_wait3A_439 = tpu.memref_slice %arg4[%add3A_364] : memref<16384xf32, #tpu.memory_space<hbm>> -> memref<16xf32, #tpu.memory_space<hbm>>
      %dma_wait3A_440 = tpu.memref_slice %arg4[%add3A_364] : memref<16384xf32, #tpu.memory_space<hbm>> -> memref<16xf32, #tpu.memory_space<hbm>>
      %dma_wait3A_441 = arith.constant 0 : i32
      %dma_wait3A_442 = tpu.memref_slice %arg7[%run_scoped3A_365, %dma_wait3A_441] : memref<16x16xf32, #tpu.memory_space<vmem>> -> memref<1x16xf32, #tpu.memory_space<vmem>>
      %dma_wait3A_443 = tpu.memref_squeeze %dma_wait3A_442 : memref<1x16xf32, #tpu.memory_space<vmem>> -> memref<16xf32, #tpu.memory_space<vmem>>
      tpu.wait_dma2 semaphore(%run_scoped3A_429 : memref<!tpu.dma_semaphore, #tpu.memory_space<semaphore_mem>>) src(%dma_wait3A_443 : memref<16xf32, #tpu.memory_space<vmem>>) dst(%dma_wait3A_440 : memref<16xf32, #tpu.memory_space<hbm>>)
      tpu.yield
    }) : () -> ()
    %mul3A_366 = arith.constant 4 : i32
    %mul3A_367 = arith.muli %mul3A_2, %mul3A_366 : i32
    %add3A_368 = arith.constant 8192 : i32
    %add3A_369 = arith.addi %add3A_368, %mul3A_367 : i32
    %add3A_370 = arith.constant 112 : i32
    %add3A_371 = arith.addi %add3A_369, %add3A_370 : i32
    %run_scoped3A_372 = arith.constant 7 : i32
    "tpu.region"() ({
      %run_scoped3A_429 = tpu.sem_alloc : memref<!tpu.dma_semaphore, #tpu.memory_space<semaphore_mem>>
      %dma_start3A = arith.constant 0 : i32
      %dma_start3A_430 = tpu.memref_slice %arg7[%run_scoped3A_372, %dma_start3A] : memref<16x16xf32, #tpu.memory_space<vmem>> -> memref<1x16xf32, #tpu.memory_space<vmem>>
      %dma_start3A_431 = tpu.memref_squeeze %dma_start3A_430 : memref<1x16xf32, #tpu.memory_space<vmem>> -> memref<16xf32, #tpu.memory_space<vmem>>
      %dma_start3A_432 = tpu.memref_slice %arg4[%add3A_371] : memref<16384xf32, #tpu.memory_space<hbm>> -> memref<16xf32, #tpu.memory_space<hbm>>
      %dma_start3A_433 = tpu.memref_slice %arg4[%add3A_371] : memref<16384xf32, #tpu.memory_space<hbm>> -> memref<16xf32, #tpu.memory_space<hbm>>
      %dma_start3A_434 = arith.constant 0 : i32
      %dma_start3A_435 = tpu.memref_slice %arg7[%run_scoped3A_372, %dma_start3A_434] : memref<16x16xf32, #tpu.memory_space<vmem>> -> memref<1x16xf32, #tpu.memory_space<vmem>>
      %dma_start3A_436 = tpu.memref_squeeze %dma_start3A_435 : memref<1x16xf32, #tpu.memory_space<vmem>> -> memref<16xf32, #tpu.memory_space<vmem>>
      tpu.enqueue_dma source(%dma_start3A_436 : memref<16xf32, #tpu.memory_space<vmem>>) target(%dma_start3A_433 : memref<16xf32, #tpu.memory_space<hbm>>) target_semaphore(%run_scoped3A_429 : memref<!tpu.dma_semaphore, #tpu.memory_space<semaphore_mem>>)
      %dma_wait3A = arith.constant 0 : i32
      %dma_wait3A_437 = tpu.memref_slice %arg7[%run_scoped3A_372, %dma_wait3A] : memref<16x16xf32, #tpu.memory_space<vmem>> -> memref<1x16xf32, #tpu.memory_space<vmem>>
      %dma_wait3A_438 = tpu.memref_squeeze %dma_wait3A_437 : memref<1x16xf32, #tpu.memory_space<vmem>> -> memref<16xf32, #tpu.memory_space<vmem>>
      %dma_wait3A_439 = tpu.memref_slice %arg4[%add3A_371] : memref<16384xf32, #tpu.memory_space<hbm>> -> memref<16xf32, #tpu.memory_space<hbm>>
      %dma_wait3A_440 = tpu.memref_slice %arg4[%add3A_371] : memref<16384xf32, #tpu.memory_space<hbm>> -> memref<16xf32, #tpu.memory_space<hbm>>
      %dma_wait3A_441 = arith.constant 0 : i32
      %dma_wait3A_442 = tpu.memref_slice %arg7[%run_scoped3A_372, %dma_wait3A_441] : memref<16x16xf32, #tpu.memory_space<vmem>> -> memref<1x16xf32, #tpu.memory_space<vmem>>
      %dma_wait3A_443 = tpu.memref_squeeze %dma_wait3A_442 : memref<1x16xf32, #tpu.memory_space<vmem>> -> memref<16xf32, #tpu.memory_space<vmem>>
      tpu.wait_dma2 semaphore(%run_scoped3A_429 : memref<!tpu.dma_semaphore, #tpu.memory_space<semaphore_mem>>) src(%dma_wait3A_443 : memref<16xf32, #tpu.memory_space<vmem>>) dst(%dma_wait3A_440 : memref<16xf32, #tpu.memory_space<hbm>>)
      tpu.yield
    }) : () -> ()
    %mul3A_373 = arith.constant 4 : i32
    %mul3A_374 = arith.muli %mul3A_2, %mul3A_373 : i32
    %add3A_375 = arith.constant 8192 : i32
    %add3A_376 = arith.addi %add3A_375, %mul3A_374 : i32
    %add3A_377 = arith.constant 128 : i32
    %add3A_378 = arith.addi %add3A_376, %add3A_377 : i32
    %run_scoped3A_379 = arith.constant 8 : i32
    "tpu.region"() ({
      %run_scoped3A_429 = tpu.sem_alloc : memref<!tpu.dma_semaphore, #tpu.memory_space<semaphore_mem>>
      %dma_start3A = arith.constant 0 : i32
      %dma_start3A_430 = tpu.memref_slice %arg7[%run_scoped3A_379, %dma_start3A] : memref<16x16xf32, #tpu.memory_space<vmem>> -> memref<1x16xf32, #tpu.memory_space<vmem>>
      %dma_start3A_431 = tpu.memref_squeeze %dma_start3A_430 : memref<1x16xf32, #tpu.memory_space<vmem>> -> memref<16xf32, #tpu.memory_space<vmem>>
      %dma_start3A_432 = tpu.memref_slice %arg4[%add3A_378] : memref<16384xf32, #tpu.memory_space<hbm>> -> memref<16xf32, #tpu.memory_space<hbm>>
      %dma_start3A_433 = tpu.memref_slice %arg4[%add3A_378] : memref<16384xf32, #tpu.memory_space<hbm>> -> memref<16xf32, #tpu.memory_space<hbm>>
      %dma_start3A_434 = arith.constant 0 : i32
      %dma_start3A_435 = tpu.memref_slice %arg7[%run_scoped3A_379, %dma_start3A_434] : memref<16x16xf32, #tpu.memory_space<vmem>> -> memref<1x16xf32, #tpu.memory_space<vmem>>
      %dma_start3A_436 = tpu.memref_squeeze %dma_start3A_435 : memref<1x16xf32, #tpu.memory_space<vmem>> -> memref<16xf32, #tpu.memory_space<vmem>>
      tpu.enqueue_dma source(%dma_start3A_436 : memref<16xf32, #tpu.memory_space<vmem>>) target(%dma_start3A_433 : memref<16xf32, #tpu.memory_space<hbm>>) target_semaphore(%run_scoped3A_429 : memref<!tpu.dma_semaphore, #tpu.memory_space<semaphore_mem>>)
      %dma_wait3A = arith.constant 0 : i32
      %dma_wait3A_437 = tpu.memref_slice %arg7[%run_scoped3A_379, %dma_wait3A] : memref<16x16xf32, #tpu.memory_space<vmem>> -> memref<1x16xf32, #tpu.memory_space<vmem>>
      %dma_wait3A_438 = tpu.memref_squeeze %dma_wait3A_437 : memref<1x16xf32, #tpu.memory_space<vmem>> -> memref<16xf32, #tpu.memory_space<vmem>>
      %dma_wait3A_439 = tpu.memref_slice %arg4[%add3A_378] : memref<16384xf32, #tpu.memory_space<hbm>> -> memref<16xf32, #tpu.memory_space<hbm>>
      %dma_wait3A_440 = tpu.memref_slice %arg4[%add3A_378] : memref<16384xf32, #tpu.memory_space<hbm>> -> memref<16xf32, #tpu.memory_space<hbm>>
      %dma_wait3A_441 = arith.constant 0 : i32
      %dma_wait3A_442 = tpu.memref_slice %arg7[%run_scoped3A_379, %dma_wait3A_441] : memref<16x16xf32, #tpu.memory_space<vmem>> -> memref<1x16xf32, #tpu.memory_space<vmem>>
      %dma_wait3A_443 = tpu.memref_squeeze %dma_wait3A_442 : memref<1x16xf32, #tpu.memory_space<vmem>> -> memref<16xf32, #tpu.memory_space<vmem>>
      tpu.wait_dma2 semaphore(%run_scoped3A_429 : memref<!tpu.dma_semaphore, #tpu.memory_space<semaphore_mem>>) src(%dma_wait3A_443 : memref<16xf32, #tpu.memory_space<vmem>>) dst(%dma_wait3A_440 : memref<16xf32, #tpu.memory_space<hbm>>)
      tpu.yield
    }) : () -> ()
    %mul3A_380 = arith.constant 4 : i32
    %mul3A_381 = arith.muli %mul3A_2, %mul3A_380 : i32
    %add3A_382 = arith.constant 8192 : i32
    %add3A_383 = arith.addi %add3A_382, %mul3A_381 : i32
    %add3A_384 = arith.constant 144 : i32
    %add3A_385 = arith.addi %add3A_383, %add3A_384 : i32
    %run_scoped3A_386 = arith.constant 9 : i32
    "tpu.region"() ({
      %run_scoped3A_429 = tpu.sem_alloc : memref<!tpu.dma_semaphore, #tpu.memory_space<semaphore_mem>>
      %dma_start3A = arith.constant 0 : i32
      %dma_start3A_430 = tpu.memref_slice %arg7[%run_scoped3A_386, %dma_start3A] : memref<16x16xf32, #tpu.memory_space<vmem>> -> memref<1x16xf32, #tpu.memory_space<vmem>>
      %dma_start3A_431 = tpu.memref_squeeze %dma_start3A_430 : memref<1x16xf32, #tpu.memory_space<vmem>> -> memref<16xf32, #tpu.memory_space<vmem>>
      %dma_start3A_432 = tpu.memref_slice %arg4[%add3A_385] : memref<16384xf32, #tpu.memory_space<hbm>> -> memref<16xf32, #tpu.memory_space<hbm>>
      %dma_start3A_433 = tpu.memref_slice %arg4[%add3A_385] : memref<16384xf32, #tpu.memory_space<hbm>> -> memref<16xf32, #tpu.memory_space<hbm>>
      %dma_start3A_434 = arith.constant 0 : i32
      %dma_start3A_435 = tpu.memref_slice %arg7[%run_scoped3A_386, %dma_start3A_434] : memref<16x16xf32, #tpu.memory_space<vmem>> -> memref<1x16xf32, #tpu.memory_space<vmem>>
      %dma_start3A_436 = tpu.memref_squeeze %dma_start3A_435 : memref<1x16xf32, #tpu.memory_space<vmem>> -> memref<16xf32, #tpu.memory_space<vmem>>
      tpu.enqueue_dma source(%dma_start3A_436 : memref<16xf32, #tpu.memory_space<vmem>>) target(%dma_start3A_433 : memref<16xf32, #tpu.memory_space<hbm>>) target_semaphore(%run_scoped3A_429 : memref<!tpu.dma_semaphore, #tpu.memory_space<semaphore_mem>>)
      %dma_wait3A = arith.constant 0 : i32
      %dma_wait3A_437 = tpu.memref_slice %arg7[%run_scoped3A_386, %dma_wait3A] : memref<16x16xf32, #tpu.memory_space<vmem>> -> memref<1x16xf32, #tpu.memory_space<vmem>>
      %dma_wait3A_438 = tpu.memref_squeeze %dma_wait3A_437 : memref<1x16xf32, #tpu.memory_space<vmem>> -> memref<16xf32, #tpu.memory_space<vmem>>
      %dma_wait3A_439 = tpu.memref_slice %arg4[%add3A_385] : memref<16384xf32, #tpu.memory_space<hbm>> -> memref<16xf32, #tpu.memory_space<hbm>>
      %dma_wait3A_440 = tpu.memref_slice %arg4[%add3A_385] : memref<16384xf32, #tpu.memory_space<hbm>> -> memref<16xf32, #tpu.memory_space<hbm>>
      %dma_wait3A_441 = arith.constant 0 : i32
      %dma_wait3A_442 = tpu.memref_slice %arg7[%run_scoped3A_386, %dma_wait3A_441] : memref<16x16xf32, #tpu.memory_space<vmem>> -> memref<1x16xf32, #tpu.memory_space<vmem>>
      %dma_wait3A_443 = tpu.memref_squeeze %dma_wait3A_442 : memref<1x16xf32, #tpu.memory_space<vmem>> -> memref<16xf32, #tpu.memory_space<vmem>>
      tpu.wait_dma2 semaphore(%run_scoped3A_429 : memref<!tpu.dma_semaphore, #tpu.memory_space<semaphore_mem>>) src(%dma_wait3A_443 : memref<16xf32, #tpu.memory_space<vmem>>) dst(%dma_wait3A_440 : memref<16xf32, #tpu.memory_space<hbm>>)
      tpu.yield
    }) : () -> ()
    %mul3A_387 = arith.constant 4 : i32
    %mul3A_388 = arith.muli %mul3A_2, %mul3A_387 : i32
    %add3A_389 = arith.constant 8192 : i32
    %add3A_390 = arith.addi %add3A_389, %mul3A_388 : i32
    %add3A_391 = arith.constant 160 : i32
    %add3A_392 = arith.addi %add3A_390, %add3A_391 : i32
    %run_scoped3A_393 = arith.constant 10 : i32
    "tpu.region"() ({
      %run_scoped3A_429 = tpu.sem_alloc : memref<!tpu.dma_semaphore, #tpu.memory_space<semaphore_mem>>
      %dma_start3A = arith.constant 0 : i32
      %dma_start3A_430 = tpu.memref_slice %arg7[%run_scoped3A_393, %dma_start3A] : memref<16x16xf32, #tpu.memory_space<vmem>> -> memref<1x16xf32, #tpu.memory_space<vmem>>
      %dma_start3A_431 = tpu.memref_squeeze %dma_start3A_430 : memref<1x16xf32, #tpu.memory_space<vmem>> -> memref<16xf32, #tpu.memory_space<vmem>>
      %dma_start3A_432 = tpu.memref_slice %arg4[%add3A_392] : memref<16384xf32, #tpu.memory_space<hbm>> -> memref<16xf32, #tpu.memory_space<hbm>>
      %dma_start3A_433 = tpu.memref_slice %arg4[%add3A_392] : memref<16384xf32, #tpu.memory_space<hbm>> -> memref<16xf32, #tpu.memory_space<hbm>>
      %dma_start3A_434 = arith.constant 0 : i32
      %dma_start3A_435 = tpu.memref_slice %arg7[%run_scoped3A_393, %dma_start3A_434] : memref<16x16xf32, #tpu.memory_space<vmem>> -> memref<1x16xf32, #tpu.memory_space<vmem>>
      %dma_start3A_436 = tpu.memref_squeeze %dma_start3A_435 : memref<1x16xf32, #tpu.memory_space<vmem>> -> memref<16xf32, #tpu.memory_space<vmem>>
      tpu.enqueue_dma source(%dma_start3A_436 : memref<16xf32, #tpu.memory_space<vmem>>) target(%dma_start3A_433 : memref<16xf32, #tpu.memory_space<hbm>>) target_semaphore(%run_scoped3A_429 : memref<!tpu.dma_semaphore, #tpu.memory_space<semaphore_mem>>)
      %dma_wait3A = arith.constant 0 : i32
      %dma_wait3A_437 = tpu.memref_slice %arg7[%run_scoped3A_393, %dma_wait3A] : memref<16x16xf32, #tpu.memory_space<vmem>> -> memref<1x16xf32, #tpu.memory_space<vmem>>
      %dma_wait3A_438 = tpu.memref_squeeze %dma_wait3A_437 : memref<1x16xf32, #tpu.memory_space<vmem>> -> memref<16xf32, #tpu.memory_space<vmem>>
      %dma_wait3A_439 = tpu.memref_slice %arg4[%add3A_392] : memref<16384xf32, #tpu.memory_space<hbm>> -> memref<16xf32, #tpu.memory_space<hbm>>
      %dma_wait3A_440 = tpu.memref_slice %arg4[%add3A_392] : memref<16384xf32, #tpu.memory_space<hbm>> -> memref<16xf32, #tpu.memory_space<hbm>>
      %dma_wait3A_441 = arith.constant 0 : i32
      %dma_wait3A_442 = tpu.memref_slice %arg7[%run_scoped3A_393, %dma_wait3A_441] : memref<16x16xf32, #tpu.memory_space<vmem>> -> memref<1x16xf32, #tpu.memory_space<vmem>>
      %dma_wait3A_443 = tpu.memref_squeeze %dma_wait3A_442 : memref<1x16xf32, #tpu.memory_space<vmem>> -> memref<16xf32, #tpu.memory_space<vmem>>
      tpu.wait_dma2 semaphore(%run_scoped3A_429 : memref<!tpu.dma_semaphore, #tpu.memory_space<semaphore_mem>>) src(%dma_wait3A_443 : memref<16xf32, #tpu.memory_space<vmem>>) dst(%dma_wait3A_440 : memref<16xf32, #tpu.memory_space<hbm>>)
      tpu.yield
    }) : () -> ()
    %mul3A_394 = arith.constant 4 : i32
    %mul3A_395 = arith.muli %mul3A_2, %mul3A_394 : i32
    %add3A_396 = arith.constant 8192 : i32
    %add3A_397 = arith.addi %add3A_396, %mul3A_395 : i32
    %add3A_398 = arith.constant 176 : i32
    %add3A_399 = arith.addi %add3A_397, %add3A_398 : i32
    %run_scoped3A_400 = arith.constant 11 : i32
    "tpu.region"() ({
      %run_scoped3A_429 = tpu.sem_alloc : memref<!tpu.dma_semaphore, #tpu.memory_space<semaphore_mem>>
      %dma_start3A = arith.constant 0 : i32
      %dma_start3A_430 = tpu.memref_slice %arg7[%run_scoped3A_400, %dma_start3A] : memref<16x16xf32, #tpu.memory_space<vmem>> -> memref<1x16xf32, #tpu.memory_space<vmem>>
      %dma_start3A_431 = tpu.memref_squeeze %dma_start3A_430 : memref<1x16xf32, #tpu.memory_space<vmem>> -> memref<16xf32, #tpu.memory_space<vmem>>
      %dma_start3A_432 = tpu.memref_slice %arg4[%add3A_399] : memref<16384xf32, #tpu.memory_space<hbm>> -> memref<16xf32, #tpu.memory_space<hbm>>
      %dma_start3A_433 = tpu.memref_slice %arg4[%add3A_399] : memref<16384xf32, #tpu.memory_space<hbm>> -> memref<16xf32, #tpu.memory_space<hbm>>
      %dma_start3A_434 = arith.constant 0 : i32
      %dma_start3A_435 = tpu.memref_slice %arg7[%run_scoped3A_400, %dma_start3A_434] : memref<16x16xf32, #tpu.memory_space<vmem>> -> memref<1x16xf32, #tpu.memory_space<vmem>>
      %dma_start3A_436 = tpu.memref_squeeze %dma_start3A_435 : memref<1x16xf32, #tpu.memory_space<vmem>> -> memref<16xf32, #tpu.memory_space<vmem>>
      tpu.enqueue_dma source(%dma_start3A_436 : memref<16xf32, #tpu.memory_space<vmem>>) target(%dma_start3A_433 : memref<16xf32, #tpu.memory_space<hbm>>) target_semaphore(%run_scoped3A_429 : memref<!tpu.dma_semaphore, #tpu.memory_space<semaphore_mem>>)
      %dma_wait3A = arith.constant 0 : i32
      %dma_wait3A_437 = tpu.memref_slice %arg7[%run_scoped3A_400, %dma_wait3A] : memref<16x16xf32, #tpu.memory_space<vmem>> -> memref<1x16xf32, #tpu.memory_space<vmem>>
      %dma_wait3A_438 = tpu.memref_squeeze %dma_wait3A_437 : memref<1x16xf32, #tpu.memory_space<vmem>> -> memref<16xf32, #tpu.memory_space<vmem>>
      %dma_wait3A_439 = tpu.memref_slice %arg4[%add3A_399] : memref<16384xf32, #tpu.memory_space<hbm>> -> memref<16xf32, #tpu.memory_space<hbm>>
      %dma_wait3A_440 = tpu.memref_slice %arg4[%add3A_399] : memref<16384xf32, #tpu.memory_space<hbm>> -> memref<16xf32, #tpu.memory_space<hbm>>
      %dma_wait3A_441 = arith.constant 0 : i32
      %dma_wait3A_442 = tpu.memref_slice %arg7[%run_scoped3A_400, %dma_wait3A_441] : memref<16x16xf32, #tpu.memory_space<vmem>> -> memref<1x16xf32, #tpu.memory_space<vmem>>
      %dma_wait3A_443 = tpu.memref_squeeze %dma_wait3A_442 : memref<1x16xf32, #tpu.memory_space<vmem>> -> memref<16xf32, #tpu.memory_space<vmem>>
      tpu.wait_dma2 semaphore(%run_scoped3A_429 : memref<!tpu.dma_semaphore, #tpu.memory_space<semaphore_mem>>) src(%dma_wait3A_443 : memref<16xf32, #tpu.memory_space<vmem>>) dst(%dma_wait3A_440 : memref<16xf32, #tpu.memory_space<hbm>>)
      tpu.yield
    }) : () -> ()
    %mul3A_401 = arith.constant 4 : i32
    %mul3A_402 = arith.muli %mul3A_2, %mul3A_401 : i32
    %add3A_403 = arith.constant 8192 : i32
    %add3A_404 = arith.addi %add3A_403, %mul3A_402 : i32
    %add3A_405 = arith.constant 192 : i32
    %add3A_406 = arith.addi %add3A_404, %add3A_405 : i32
    %run_scoped3A_407 = arith.constant 12 : i32
    "tpu.region"() ({
      %run_scoped3A_429 = tpu.sem_alloc : memref<!tpu.dma_semaphore, #tpu.memory_space<semaphore_mem>>
      %dma_start3A = arith.constant 0 : i32
      %dma_start3A_430 = tpu.memref_slice %arg7[%run_scoped3A_407, %dma_start3A] : memref<16x16xf32, #tpu.memory_space<vmem>> -> memref<1x16xf32, #tpu.memory_space<vmem>>
      %dma_start3A_431 = tpu.memref_squeeze %dma_start3A_430 : memref<1x16xf32, #tpu.memory_space<vmem>> -> memref<16xf32, #tpu.memory_space<vmem>>
      %dma_start3A_432 = tpu.memref_slice %arg4[%add3A_406] : memref<16384xf32, #tpu.memory_space<hbm>> -> memref<16xf32, #tpu.memory_space<hbm>>
      %dma_start3A_433 = tpu.memref_slice %arg4[%add3A_406] : memref<16384xf32, #tpu.memory_space<hbm>> -> memref<16xf32, #tpu.memory_space<hbm>>
      %dma_start3A_434 = arith.constant 0 : i32
      %dma_start3A_435 = tpu.memref_slice %arg7[%run_scoped3A_407, %dma_start3A_434] : memref<16x16xf32, #tpu.memory_space<vmem>> -> memref<1x16xf32, #tpu.memory_space<vmem>>
      %dma_start3A_436 = tpu.memref_squeeze %dma_start3A_435 : memref<1x16xf32, #tpu.memory_space<vmem>> -> memref<16xf32, #tpu.memory_space<vmem>>
      tpu.enqueue_dma source(%dma_start3A_436 : memref<16xf32, #tpu.memory_space<vmem>>) target(%dma_start3A_433 : memref<16xf32, #tpu.memory_space<hbm>>) target_semaphore(%run_scoped3A_429 : memref<!tpu.dma_semaphore, #tpu.memory_space<semaphore_mem>>)
      %dma_wait3A = arith.constant 0 : i32
      %dma_wait3A_437 = tpu.memref_slice %arg7[%run_scoped3A_407, %dma_wait3A] : memref<16x16xf32, #tpu.memory_space<vmem>> -> memref<1x16xf32, #tpu.memory_space<vmem>>
      %dma_wait3A_438 = tpu.memref_squeeze %dma_wait3A_437 : memref<1x16xf32, #tpu.memory_space<vmem>> -> memref<16xf32, #tpu.memory_space<vmem>>
      %dma_wait3A_439 = tpu.memref_slice %arg4[%add3A_406] : memref<16384xf32, #tpu.memory_space<hbm>> -> memref<16xf32, #tpu.memory_space<hbm>>
      %dma_wait3A_440 = tpu.memref_slice %arg4[%add3A_406] : memref<16384xf32, #tpu.memory_space<hbm>> -> memref<16xf32, #tpu.memory_space<hbm>>
      %dma_wait3A_441 = arith.constant 0 : i32
      %dma_wait3A_442 = tpu.memref_slice %arg7[%run_scoped3A_407, %dma_wait3A_441] : memref<16x16xf32, #tpu.memory_space<vmem>> -> memref<1x16xf32, #tpu.memory_space<vmem>>
      %dma_wait3A_443 = tpu.memref_squeeze %dma_wait3A_442 : memref<1x16xf32, #tpu.memory_space<vmem>> -> memref<16xf32, #tpu.memory_space<vmem>>
      tpu.wait_dma2 semaphore(%run_scoped3A_429 : memref<!tpu.dma_semaphore, #tpu.memory_space<semaphore_mem>>) src(%dma_wait3A_443 : memref<16xf32, #tpu.memory_space<vmem>>) dst(%dma_wait3A_440 : memref<16xf32, #tpu.memory_space<hbm>>)
      tpu.yield
    }) : () -> ()
    %mul3A_408 = arith.constant 4 : i32
    %mul3A_409 = arith.muli %mul3A_2, %mul3A_408 : i32
    %add3A_410 = arith.constant 8192 : i32
    %add3A_411 = arith.addi %add3A_410, %mul3A_409 : i32
    %add3A_412 = arith.constant 208 : i32
    %add3A_413 = arith.addi %add3A_411, %add3A_412 : i32
    %run_scoped3A_414 = arith.constant 13 : i32
    "tpu.region"() ({
      %run_scoped3A_429 = tpu.sem_alloc : memref<!tpu.dma_semaphore, #tpu.memory_space<semaphore_mem>>
      %dma_start3A = arith.constant 0 : i32
      %dma_start3A_430 = tpu.memref_slice %arg7[%run_scoped3A_414, %dma_start3A] : memref<16x16xf32, #tpu.memory_space<vmem>> -> memref<1x16xf32, #tpu.memory_space<vmem>>
      %dma_start3A_431 = tpu.memref_squeeze %dma_start3A_430 : memref<1x16xf32, #tpu.memory_space<vmem>> -> memref<16xf32, #tpu.memory_space<vmem>>
      %dma_start3A_432 = tpu.memref_slice %arg4[%add3A_413] : memref<16384xf32, #tpu.memory_space<hbm>> -> memref<16xf32, #tpu.memory_space<hbm>>
      %dma_start3A_433 = tpu.memref_slice %arg4[%add3A_413] : memref<16384xf32, #tpu.memory_space<hbm>> -> memref<16xf32, #tpu.memory_space<hbm>>
      %dma_start3A_434 = arith.constant 0 : i32
      %dma_start3A_435 = tpu.memref_slice %arg7[%run_scoped3A_414, %dma_start3A_434] : memref<16x16xf32, #tpu.memory_space<vmem>> -> memref<1x16xf32, #tpu.memory_space<vmem>>
      %dma_start3A_436 = tpu.memref_squeeze %dma_start3A_435 : memref<1x16xf32, #tpu.memory_space<vmem>> -> memref<16xf32, #tpu.memory_space<vmem>>
      tpu.enqueue_dma source(%dma_start3A_436 : memref<16xf32, #tpu.memory_space<vmem>>) target(%dma_start3A_433 : memref<16xf32, #tpu.memory_space<hbm>>) target_semaphore(%run_scoped3A_429 : memref<!tpu.dma_semaphore, #tpu.memory_space<semaphore_mem>>)
      %dma_wait3A = arith.constant 0 : i32
      %dma_wait3A_437 = tpu.memref_slice %arg7[%run_scoped3A_414, %dma_wait3A] : memref<16x16xf32, #tpu.memory_space<vmem>> -> memref<1x16xf32, #tpu.memory_space<vmem>>
      %dma_wait3A_438 = tpu.memref_squeeze %dma_wait3A_437 : memref<1x16xf32, #tpu.memory_space<vmem>> -> memref<16xf32, #tpu.memory_space<vmem>>
      %dma_wait3A_439 = tpu.memref_slice %arg4[%add3A_413] : memref<16384xf32, #tpu.memory_space<hbm>> -> memref<16xf32, #tpu.memory_space<hbm>>
      %dma_wait3A_440 = tpu.memref_slice %arg4[%add3A_413] : memref<16384xf32, #tpu.memory_space<hbm>> -> memref<16xf32, #tpu.memory_space<hbm>>
      %dma_wait3A_441 = arith.constant 0 : i32
      %dma_wait3A_442 = tpu.memref_slice %arg7[%run_scoped3A_414, %dma_wait3A_441] : memref<16x16xf32, #tpu.memory_space<vmem>> -> memref<1x16xf32, #tpu.memory_space<vmem>>
      %dma_wait3A_443 = tpu.memref_squeeze %dma_wait3A_442 : memref<1x16xf32, #tpu.memory_space<vmem>> -> memref<16xf32, #tpu.memory_space<vmem>>
      tpu.wait_dma2 semaphore(%run_scoped3A_429 : memref<!tpu.dma_semaphore, #tpu.memory_space<semaphore_mem>>) src(%dma_wait3A_443 : memref<16xf32, #tpu.memory_space<vmem>>) dst(%dma_wait3A_440 : memref<16xf32, #tpu.memory_space<hbm>>)
      tpu.yield
    }) : () -> ()
    %mul3A_415 = arith.constant 4 : i32
    %mul3A_416 = arith.muli %mul3A_2, %mul3A_415 : i32
    %add3A_417 = arith.constant 8192 : i32
    %add3A_418 = arith.addi %add3A_417, %mul3A_416 : i32
    %add3A_419 = arith.constant 224 : i32
    %add3A_420 = arith.addi %add3A_418, %add3A_419 : i32
    %run_scoped3A_421 = arith.constant 14 : i32
    "tpu.region"() ({
      %run_scoped3A_429 = tpu.sem_alloc : memref<!tpu.dma_semaphore, #tpu.memory_space<semaphore_mem>>
      %dma_start3A = arith.constant 0 : i32
      %dma_start3A_430 = tpu.memref_slice %arg7[%run_scoped3A_421, %dma_start3A] : memref<16x16xf32, #tpu.memory_space<vmem>> -> memref<1x16xf32, #tpu.memory_space<vmem>>
      %dma_start3A_431 = tpu.memref_squeeze %dma_start3A_430 : memref<1x16xf32, #tpu.memory_space<vmem>> -> memref<16xf32, #tpu.memory_space<vmem>>
      %dma_start3A_432 = tpu.memref_slice %arg4[%add3A_420] : memref<16384xf32, #tpu.memory_space<hbm>> -> memref<16xf32, #tpu.memory_space<hbm>>
      %dma_start3A_433 = tpu.memref_slice %arg4[%add3A_420] : memref<16384xf32, #tpu.memory_space<hbm>> -> memref<16xf32, #tpu.memory_space<hbm>>
      %dma_start3A_434 = arith.constant 0 : i32
      %dma_start3A_435 = tpu.memref_slice %arg7[%run_scoped3A_421, %dma_start3A_434] : memref<16x16xf32, #tpu.memory_space<vmem>> -> memref<1x16xf32, #tpu.memory_space<vmem>>
      %dma_start3A_436 = tpu.memref_squeeze %dma_start3A_435 : memref<1x16xf32, #tpu.memory_space<vmem>> -> memref<16xf32, #tpu.memory_space<vmem>>
      tpu.enqueue_dma source(%dma_start3A_436 : memref<16xf32, #tpu.memory_space<vmem>>) target(%dma_start3A_433 : memref<16xf32, #tpu.memory_space<hbm>>) target_semaphore(%run_scoped3A_429 : memref<!tpu.dma_semaphore, #tpu.memory_space<semaphore_mem>>)
      %dma_wait3A = arith.constant 0 : i32
      %dma_wait3A_437 = tpu.memref_slice %arg7[%run_scoped3A_421, %dma_wait3A] : memref<16x16xf32, #tpu.memory_space<vmem>> -> memref<1x16xf32, #tpu.memory_space<vmem>>
      %dma_wait3A_438 = tpu.memref_squeeze %dma_wait3A_437 : memref<1x16xf32, #tpu.memory_space<vmem>> -> memref<16xf32, #tpu.memory_space<vmem>>
      %dma_wait3A_439 = tpu.memref_slice %arg4[%add3A_420] : memref<16384xf32, #tpu.memory_space<hbm>> -> memref<16xf32, #tpu.memory_space<hbm>>
      %dma_wait3A_440 = tpu.memref_slice %arg4[%add3A_420] : memref<16384xf32, #tpu.memory_space<hbm>> -> memref<16xf32, #tpu.memory_space<hbm>>
      %dma_wait3A_441 = arith.constant 0 : i32
      %dma_wait3A_442 = tpu.memref_slice %arg7[%run_scoped3A_421, %dma_wait3A_441] : memref<16x16xf32, #tpu.memory_space<vmem>> -> memref<1x16xf32, #tpu.memory_space<vmem>>
      %dma_wait3A_443 = tpu.memref_squeeze %dma_wait3A_442 : memref<1x16xf32, #tpu.memory_space<vmem>> -> memref<16xf32, #tpu.memory_space<vmem>>
      tpu.wait_dma2 semaphore(%run_scoped3A_429 : memref<!tpu.dma_semaphore, #tpu.memory_space<semaphore_mem>>) src(%dma_wait3A_443 : memref<16xf32, #tpu.memory_space<vmem>>) dst(%dma_wait3A_440 : memref<16xf32, #tpu.memory_space<hbm>>)
      tpu.yield
    }) : () -> ()
    %mul3A_422 = arith.constant 4 : i32
    %mul3A_423 = arith.muli %mul3A_2, %mul3A_422 : i32
    %add3A_424 = arith.constant 8192 : i32
    %add3A_425 = arith.addi %add3A_424, %mul3A_423 : i32
    %add3A_426 = arith.constant 240 : i32
    %add3A_427 = arith.addi %add3A_425, %add3A_426 : i32
    %run_scoped3A_428 = arith.constant 15 : i32
    "tpu.region"() ({
      %run_scoped3A_429 = tpu.sem_alloc : memref<!tpu.dma_semaphore, #tpu.memory_space<semaphore_mem>>
      %dma_start3A = arith.constant 0 : i32
      %dma_start3A_430 = tpu.memref_slice %arg7[%run_scoped3A_428, %dma_start3A] : memref<16x16xf32, #tpu.memory_space<vmem>> -> memref<1x16xf32, #tpu.memory_space<vmem>>
      %dma_start3A_431 = tpu.memref_squeeze %dma_start3A_430 : memref<1x16xf32, #tpu.memory_space<vmem>> -> memref<16xf32, #tpu.memory_space<vmem>>
      %dma_start3A_432 = tpu.memref_slice %arg4[%add3A_427] : memref<16384xf32, #tpu.memory_space<hbm>> -> memref<16xf32, #tpu.memory_space<hbm>>
      %dma_start3A_433 = tpu.memref_slice %arg4[%add3A_427] : memref<16384xf32, #tpu.memory_space<hbm>> -> memref<16xf32, #tpu.memory_space<hbm>>
      %dma_start3A_434 = arith.constant 0 : i32
      %dma_start3A_435 = tpu.memref_slice %arg7[%run_scoped3A_428, %dma_start3A_434] : memref<16x16xf32, #tpu.memory_space<vmem>> -> memref<1x16xf32, #tpu.memory_space<vmem>>
      %dma_start3A_436 = tpu.memref_squeeze %dma_start3A_435 : memref<1x16xf32, #tpu.memory_space<vmem>> -> memref<16xf32, #tpu.memory_space<vmem>>
      tpu.enqueue_dma source(%dma_start3A_436 : memref<16xf32, #tpu.memory_space<vmem>>) target(%dma_start3A_433 : memref<16xf32, #tpu.memory_space<hbm>>) target_semaphore(%run_scoped3A_429 : memref<!tpu.dma_semaphore, #tpu.memory_space<semaphore_mem>>)
      %dma_wait3A = arith.constant 0 : i32
      %dma_wait3A_437 = tpu.memref_slice %arg7[%run_scoped3A_428, %dma_wait3A] : memref<16x16xf32, #tpu.memory_space<vmem>> -> memref<1x16xf32, #tpu.memory_space<vmem>>
      %dma_wait3A_438 = tpu.memref_squeeze %dma_wait3A_437 : memref<1x16xf32, #tpu.memory_space<vmem>> -> memref<16xf32, #tpu.memory_space<vmem>>
      %dma_wait3A_439 = tpu.memref_slice %arg4[%add3A_427] : memref<16384xf32, #tpu.memory_space<hbm>> -> memref<16xf32, #tpu.memory_space<hbm>>
      %dma_wait3A_440 = tpu.memref_slice %arg4[%add3A_427] : memref<16384xf32, #tpu.memory_space<hbm>> -> memref<16xf32, #tpu.memory_space<hbm>>
      %dma_wait3A_441 = arith.constant 0 : i32
      %dma_wait3A_442 = tpu.memref_slice %arg7[%run_scoped3A_428, %dma_wait3A_441] : memref<16x16xf32, #tpu.memory_space<vmem>> -> memref<1x16xf32, #tpu.memory_space<vmem>>
      %dma_wait3A_443 = tpu.memref_squeeze %dma_wait3A_442 : memref<1x16xf32, #tpu.memory_space<vmem>> -> memref<16xf32, #tpu.memory_space<vmem>>
      tpu.wait_dma2 semaphore(%run_scoped3A_429 : memref<!tpu.dma_semaphore, #tpu.memory_space<semaphore_mem>>) src(%dma_wait3A_443 : memref<16xf32, #tpu.memory_space<vmem>>) dst(%dma_wait3A_440 : memref<16xf32, #tpu.memory_space<hbm>>)
      tpu.yield
    }) : () -> ()
    return
  }
}

module attributes {stable_mosaic.version = 14 : i64} {
  func.func @_nms_kernel(%arg0: i32, %arg1: memref<1x4x5x1024xf32, #tpu.memory_space<vmem>>, %arg2: memref<1x4x5120x1xf32, #tpu.memory_space<vmem>>, %arg3: memref<1x5x1024xf32, #tpu.memory_space<vmem>>, %arg4: memref<1x5x1024xf32, #tpu.memory_space<vmem>>, %arg5: memref<5x5120x1xf32, #tpu.memory_space<vmem>>, %arg6: memref<5120x1xf32, #tpu.memory_space<vmem>>) attributes {dimension_semantics = [#tpu.dimension_semantics<arbitrary>], iteration_bounds = array<i64: 2>, scalar_prefetch = 0 : i64, scratch_operands = 2 : i64, tpu.core_type = #tpu.core_type<tc>, window_params = [{transform_indices = @transform_0, window_bounds = array<i64: 1, 4, 5, 1024>}, {transform_indices = @transform_1, window_bounds = array<i64: 1, 4, 5120, 1>}, {transform_indices = @transform_2, window_bounds = array<i64: 1, 5, 1024>}, {transform_indices = @transform_3, window_bounds = array<i64: 1, 5, 1024>}]} {
    %broadcast_in_dim3A = arith.constant 2.000000e+00 : f32
    %broadcast_in_dim3A_0 = vector.broadcast %broadcast_in_dim3A : f32 to vector<4x5120x1xf32>
    %swap3A = arith.constant 0 : index
    %swap3A_1 = arith.constant 0 : index
    %swap3A_2 = arith.constant 0 : index
    %swap3A_3 = vector.load %arg5[%swap3A, %swap3A_1, %swap3A_2] : memref<5x5120x1xf32, #tpu.memory_space<vmem>>, vector<4x5120x1xf32>
    tpu.vector_store %arg5[%swap3A, %swap3A_1, %swap3A_2], %broadcast_in_dim3A_0 {strides = array<i32>} : memref<5x5120x1xf32, #tpu.memory_space<vmem>>, vector<4x5120x1xf32>,
    %broadcast_in_dim3A_4 = arith.constant 0.000000e+00 : f32
    %broadcast_in_dim3A_5 = vector.broadcast %broadcast_in_dim3A_4 : f32 to vector<5120x1xf32>
    %swap3A_6 = arith.constant 4 : index
    %swap3A_7 = arith.constant 0 : index
    %swap3A_8 = arith.constant 0 : index
    %swap3A_9 = vector.load %arg5[%swap3A_6, %swap3A_7, %swap3A_8] : memref<5x5120x1xf32, #tpu.memory_space<vmem>>, vector<1x5120x1xf32>
    %swap3A_10 = vector.shape_cast %swap3A_9 : vector<1x5120x1xf32> to vector<5120x1xf32>
    %swap3A_11 = vector.shape_cast %broadcast_in_dim3A_5 : vector<5120x1xf32> to vector<1x5120x1xf32>
    tpu.vector_store %arg5[%swap3A_6, %swap3A_7, %swap3A_8], %swap3A_11 {strides = array<i32>} : memref<5x5120x1xf32, #tpu.memory_space<vmem>>, vector<1x5120x1xf32>,
    %get3A = arith.constant 0 : index
    %get3A_12 = arith.constant 2 : index
    %get3A_13 = arith.constant 0 : index
    %get3A_14 = arith.constant 0 : index
    %get3A_15 = vector.load %arg2[%get3A, %get3A_12, %get3A_13, %get3A_14] : memref<1x4x5120x1xf32, #tpu.memory_space<vmem>>, vector<1x1x5120x1xf32>
    %get3A_16 = vector.shape_cast %get3A_15 : vector<1x1x5120x1xf32> to vector<5120x1xf32>
    %get3A_17 = arith.constant 0 : index
    %get3A_18 = arith.constant 0 : index
    %get3A_19 = arith.constant 0 : index
    %get3A_20 = arith.constant 0 : index
    %get3A_21 = vector.load %arg2[%get3A_17, %get3A_18, %get3A_19, %get3A_20] : memref<1x4x5120x1xf32, #tpu.memory_space<vmem>>, vector<1x1x5120x1xf32>
    %get3A_22 = vector.shape_cast %get3A_21 : vector<1x1x5120x1xf32> to vector<5120x1xf32>
    %sub3A = arith.subf %get3A_16, %get3A_22 : vector<5120x1xf32>
    %get3A_23 = arith.constant 0 : index
    %get3A_24 = arith.constant 3 : index
    %get3A_25 = arith.constant 0 : index
    %get3A_26 = arith.constant 0 : index
    %get3A_27 = vector.load %arg2[%get3A_23, %get3A_24, %get3A_25, %get3A_26] : memref<1x4x5120x1xf32, #tpu.memory_space<vmem>>, vector<1x1x5120x1xf32>
    %get3A_28 = vector.shape_cast %get3A_27 : vector<1x1x5120x1xf32> to vector<5120x1xf32>
    %get3A_29 = arith.constant 0 : index
    %get3A_30 = arith.constant 1 : index
    %get3A_31 = arith.constant 0 : index
    %get3A_32 = arith.constant 0 : index
    %get3A_33 = vector.load %arg2[%get3A_29, %get3A_30, %get3A_31, %get3A_32] : memref<1x4x5120x1xf32, #tpu.memory_space<vmem>>, vector<1x1x5120x1xf32>
    %get3A_34 = vector.shape_cast %get3A_33 : vector<1x1x5120x1xf32> to vector<5120x1xf32>
    %sub3A_35 = arith.subf %get3A_28, %get3A_34 : vector<5120x1xf32>
    %mul3A = arith.mulf %sub3A, %sub3A_35 : vector<5120x1xf32>
    %swap3A_36 = arith.constant 0 : index
    %swap3A_37 = arith.constant 0 : index
    %swap3A_38 = vector.load %arg6[%swap3A_36, %swap3A_37] : memref<5120x1xf32, #tpu.memory_space<vmem>>, vector<5120x1xf32>
    tpu.vector_store %arg6[%swap3A_36, %swap3A_37], %mul3A {strides = array<i32>} : memref<5120x1xf32, #tpu.memory_space<vmem>>, vector<5120x1xf32>,
    %iota3A = tpu.iota {dimensions = array<i32: 0>} : vector<1024x1024xi32>
    %iota3A_39 = tpu.iota {dimensions = array<i32: 1>} : vector<1024x1024xi32>
    %lt3A = arith.cmpi slt, %iota3A, %iota3A_39 : vector<1024x1024xi32>
    %convert_element_type3A = arith.extui %lt3A : vector<1024x1024xi1> to vector<1024x1024xi32>
    %convert_element_type3A_40 = arith.sitofp %convert_element_type3A : vector<1024x1024xi32> to vector<1024x1024xf32>
    %eq3A = arith.cmpi eq, %iota3A, %iota3A_39 : vector<1024x1024xi32>
    %convert_element_type3A_41 = arith.extui %eq3A : vector<1024x1024xi1> to vector<1024x1024xi32>
    %convert_element_type3A_42 = arith.sitofp %convert_element_type3A_41 : vector<1024x1024xi32> to vector<1024x1024xf32>
    %le3A = arith.cmpi sle, %iota3A, %iota3A_39 : vector<1024x1024xi32>
    %convert_element_type3A_43 = arith.extui %le3A : vector<1024x1024xi1> to vector<1024x1024xi32>
    %convert_element_type3A_44 = arith.sitofp %convert_element_type3A_43 : vector<1024x1024xi32> to vector<1024x1024xf32>
    %iota3A_45 = tpu.iota {dimensions = array<i32: 1>} : vector<1x1024xi32>
    %scan3A = arith.constant 0.000000e+00 : f32
    %scan3A_46 = arith.constant 0 : i32
    %scan3A_47 = arith.constant 5 : i32
    %scan3A_48 = arith.addi %scan3A_46, %scan3A_47 : i32
    %scan3A_49 = arith.constant 1 : i32
    %scan3A_50 = scf.for %scan3A_52 = %scan3A_46 to %scan3A_48 step %scan3A_49 iter_args(%scan3A_53 = %scan3A) -> (f32)  : i32 {
      %get3A_54 = arith.constant 0 : index
      %get3A_55 = arith.constant 0 : index
      %get3A_56 = arith.index_cast %scan3A_52 : i32 to index
      %get3A_57 = arith.constant 0 : index
      %get3A_58 = vector.load %arg1[%get3A_54, %get3A_55, %get3A_56, %get3A_57] : memref<1x4x5x1024xf32, #tpu.memory_space<vmem>>, vector<1x1x1x1024xf32>
      %get3A_59 = vector.shape_cast %get3A_58 : vector<1x1x1x1024xf32> to vector<1x1024xf32>
      %get3A_60 = arith.constant 0 : index
      %get3A_61 = arith.constant 1 : index
      %get3A_62 = arith.index_cast %scan3A_52 : i32 to index
      %get3A_63 = arith.constant 0 : index
      %get3A_64 = vector.load %arg1[%get3A_60, %get3A_61, %get3A_62, %get3A_63] : memref<1x4x5x1024xf32, #tpu.memory_space<vmem>>, vector<1x1x1x1024xf32>
      %get3A_65 = vector.shape_cast %get3A_64 : vector<1x1x1x1024xf32> to vector<1x1024xf32>
      %get3A_66 = arith.constant 0 : index
      %get3A_67 = arith.constant 2 : index
      %get3A_68 = arith.index_cast %scan3A_52 : i32 to index
      %get3A_69 = arith.constant 0 : index
      %get3A_70 = vector.load %arg1[%get3A_66, %get3A_67, %get3A_68, %get3A_69] : memref<1x4x5x1024xf32, #tpu.memory_space<vmem>>, vector<1x1x1x1024xf32>
      %get3A_71 = vector.shape_cast %get3A_70 : vector<1x1x1x1024xf32> to vector<1x1024xf32>
      %get3A_72 = arith.constant 0 : index
      %get3A_73 = arith.constant 3 : index
      %get3A_74 = arith.index_cast %scan3A_52 : i32 to index
      %get3A_75 = arith.constant 0 : index
      %get3A_76 = vector.load %arg1[%get3A_72, %get3A_73, %get3A_74, %get3A_75] : memref<1x4x5x1024xf32, #tpu.memory_space<vmem>>, vector<1x1x1x1024xf32>
      %get3A_77 = vector.shape_cast %get3A_76 : vector<1x1x1x1024xf32> to vector<1x1024xf32>
      %sub3A_78 = arith.subf %get3A_71, %get3A_59 : vector<1x1024xf32>
      %sub3A_79 = arith.subf %get3A_77, %get3A_65 : vector<1x1024xf32>
      %mul3A_80 = arith.mulf %sub3A_78, %sub3A_79 : vector<1x1024xf32>
      %mul3A_81 = arith.constant 1024 : i32
      %mul3A_82 = arith.muli %scan3A_52, %mul3A_81 : i32
      %add3A = arith.constant 1024 : i32
      %add3A_83 = arith.addi %mul3A_82, %add3A : i32
      %sub3A_84 = arith.constant 1 : i32
      %sub3A_85 = arith.subi %add3A_83, %sub3A_84 : i32
      %jit3A = arith.constant 1024 : i32
      %div3A = arith.divsi %sub3A_85, %jit3A : i32
      %sign3A = arith.constant 0 : i32
      %sign3A_86 = arith.cmpi sgt, %sub3A_85, %sign3A : i32
      %sign3A_87 = arith.extui %sign3A_86 : i1 to i32
      %sign3A_88 = arith.constant 0 : i32
      %sign3A_89 = arith.cmpi slt, %sub3A_85, %sign3A_88 : i32
      %sign3A_90 = arith.extui %sign3A_89 : i1 to i32
      %sign3A_91 = arith.subi %sign3A_87, %sign3A_90 : i32
      %sign3A_92 = arith.constant 0 : i32
      %sign3A_93 = arith.cmpi sgt, %jit3A, %sign3A_92 : i32
      %sign3A_94 = arith.extui %sign3A_93 : i1 to i32
      %sign3A_95 = arith.constant 0 : i32
      %sign3A_96 = arith.cmpi slt, %jit3A, %sign3A_95 : i32
      %sign3A_97 = arith.extui %sign3A_96 : i1 to i32
      %sign3A_98 = arith.subi %sign3A_94, %sign3A_97 : i32
      %ne3A = arith.cmpi ne, %sign3A_91, %sign3A_98 : i32
      %rem3A = arith.remsi %sub3A_85, %jit3A : i32
      %ne3A_99 = arith.constant 0 : i32
      %ne3A_100 = arith.cmpi ne, %rem3A, %ne3A_99 : i32
      %and3A = arith.andi %ne3A, %ne3A_100 : i1
      %sub3A_101 = arith.constant 1 : i32
      %sub3A_102 = arith.subi %div3A, %sub3A_101 : i32
      %select_n3A = arith.select %and3A, %sub3A_102, %div3A : i32
      %broadcast_in_dim3A_103 = arith.constant 0.000000e+00 : f32
      %broadcast_in_dim3A_104 = vector.broadcast %broadcast_in_dim3A_103 : f32 to vector<1x1024xf32>
      %while3A = arith.constant 0 : i32
      %while3A_105 = arith.subi %select_n3A, %while3A : i32
      %while3A_106 = arith.addi %while3A, %while3A_105 : i32
      %while3A_107 = arith.constant 1 : i32
      %while3A_108 = arith.divsi %while3A_105, %while3A_107 : i32
      %while3A_109 = arith.muli %while3A_108, %while3A_107 : i32
      %while3A_110 = arith.addi %while3A, %while3A_109 : i32
      %while3A_111 = arith.constant 1 : i32
      %while3A_112 = scf.for %while3A_288 = %while3A to %while3A_110 step %while3A_111 iter_args(%while3A_289 = %broadcast_in_dim3A_104) -> (vector<1x1024xf32>)  : i32 {
        %mul3A_290 = arith.constant 1024 : i32
        %mul3A_291 = arith.muli %while3A_288, %mul3A_290 : i32
        %get3A_292 = arith.constant 0 : index
        %get3A_293 = arith.index_cast %mul3A_291 : i32 to index
        %get3A_294 = arith.constant 0 : index
        %get3A_295 = vector.load %arg5[%get3A_292, %get3A_293, %get3A_294] : memref<5x5120x1xf32, #tpu.memory_space<vmem>>, vector<1x1024x1xf32>
        %get3A_296 = vector.shape_cast %get3A_295 : vector<1x1024x1xf32> to vector<1024x1xf32>
        %max3A_297 = vector.broadcast %get3A_296 : vector<1024x1xf32> to vector<1024x1024xf32>
        %max3A_298 = vector.broadcast %get3A_59 : vector<1x1024xf32> to vector<1024x1024xf32>
        %max3A_299 = arith.maximumf %max3A_297, %max3A_298 : vector<1024x1024xf32>
        %get3A_300 = arith.constant 1 : index
        %get3A_301 = arith.index_cast %mul3A_291 : i32 to index
        %get3A_302 = arith.constant 0 : index
        %get3A_303 = vector.load %arg5[%get3A_300, %get3A_301, %get3A_302] : memref<5x5120x1xf32, #tpu.memory_space<vmem>>, vector<1x1024x1xf32>
        %get3A_304 = vector.shape_cast %get3A_303 : vector<1x1024x1xf32> to vector<1024x1xf32>
        %max3A_305 = vector.broadcast %get3A_304 : vector<1024x1xf32> to vector<1024x1024xf32>
        %max3A_306 = vector.broadcast %get3A_65 : vector<1x1024xf32> to vector<1024x1024xf32>
        %max3A_307 = arith.maximumf %max3A_305, %max3A_306 : vector<1024x1024xf32>
        %get3A_308 = arith.constant 2 : index
        %get3A_309 = arith.index_cast %mul3A_291 : i32 to index
        %get3A_310 = arith.constant 0 : index
        %get3A_311 = vector.load %arg5[%get3A_308, %get3A_309, %get3A_310] : memref<5x5120x1xf32, #tpu.memory_space<vmem>>, vector<1x1024x1xf32>
        %get3A_312 = vector.shape_cast %get3A_311 : vector<1x1024x1xf32> to vector<1024x1xf32>
        %min3A_313 = vector.broadcast %get3A_312 : vector<1024x1xf32> to vector<1024x1024xf32>
        %min3A_314 = vector.broadcast %get3A_71 : vector<1x1024xf32> to vector<1024x1024xf32>
        %min3A_315 = arith.minimumf %min3A_313, %min3A_314 : vector<1024x1024xf32>
        %get3A_316 = arith.constant 3 : index
        %get3A_317 = arith.index_cast %mul3A_291 : i32 to index
        %get3A_318 = arith.constant 0 : index
        %get3A_319 = vector.load %arg5[%get3A_316, %get3A_317, %get3A_318] : memref<5x5120x1xf32, #tpu.memory_space<vmem>>, vector<1x1024x1xf32>
        %get3A_320 = vector.shape_cast %get3A_319 : vector<1x1024x1xf32> to vector<1024x1xf32>
        %min3A_321 = vector.broadcast %get3A_320 : vector<1024x1xf32> to vector<1024x1024xf32>
        %min3A_322 = vector.broadcast %get3A_77 : vector<1x1024xf32> to vector<1024x1024xf32>
        %min3A_323 = arith.minimumf %min3A_321, %min3A_322 : vector<1024x1024xf32>
        %sub3A_324 = arith.subf %min3A_315, %max3A_299 : vector<1024x1024xf32>
        %max3A_325 = arith.constant 0.000000e+00 : f32
        %max3A_326 = vector.broadcast %max3A_325 : f32 to vector<1024x1024xf32>
        %max3A_327 = arith.maximumf %sub3A_324, %max3A_326 : vector<1024x1024xf32>
        %sub3A_328 = arith.subf %min3A_323, %max3A_307 : vector<1024x1024xf32>
        %max3A_329 = arith.constant 0.000000e+00 : f32
        %max3A_330 = vector.broadcast %max3A_329 : f32 to vector<1024x1024xf32>
        %max3A_331 = arith.maximumf %sub3A_328, %max3A_330 : vector<1024x1024xf32>
        %mul3A_332 = arith.mulf %max3A_327, %max3A_331 : vector<1024x1024xf32>
        %get3A_333 = arith.constant 4 : index
        %get3A_334 = arith.index_cast %mul3A_291 : i32 to index
        %get3A_335 = arith.constant 0 : index
        %get3A_336 = vector.load %arg5[%get3A_333, %get3A_334, %get3A_335] : memref<5x5120x1xf32, #tpu.memory_space<vmem>>, vector<1x1024x1xf32>
        %get3A_337 = vector.shape_cast %get3A_336 : vector<1x1024x1xf32> to vector<1024x1xf32>
        %add3A_338 = vector.broadcast %get3A_337 : vector<1024x1xf32> to vector<1024x1024xf32>
        %add3A_339 = vector.broadcast %mul3A_80 : vector<1x1024xf32> to vector<1024x1024xf32>
        %add3A_340 = arith.addf %add3A_338, %add3A_339 : vector<1024x1024xf32>
        %sub3A_341 = arith.subf %add3A_340, %mul3A_332 : vector<1024x1024xf32>
        %max3A_342 = arith.constant 1.000000e-10 : f32
        %max3A_343 = vector.broadcast %max3A_342 : f32 to vector<1024x1024xf32>
        %max3A_344 = arith.maximumf %sub3A_341, %max3A_343 : vector<1024x1024xf32>
        %div3A_345 = arith.divf %mul3A_332, %max3A_344 : vector<1024x1024xf32>
        %gt3A_346 = arith.constant 0.699999988 : f32
        %gt3A_347 = vector.broadcast %gt3A_346 : f32 to vector<1024x1024xf32>
        %gt3A_348 = arith.cmpf ogt, %div3A_345, %gt3A_347 : vector<1024x1024xf32>
        %convert_element_type3A_349 = arith.extui %gt3A_348 : vector<1024x1024xi1> to vector<1024x1024xi32>
        %convert_element_type3A_350 = arith.sitofp %convert_element_type3A_349 : vector<1024x1024xi32> to vector<1024x1024xf32>
        %reduce_max3A = arith.constant dense<0xFF800000> : vector<1024xf32>
        %reduce_max3A_351 = vector.multi_reduction <maximumf>, %convert_element_type3A_350, %reduce_max3A [0] : vector<1024x1024xf32> to vector<1024xf32>
        %broadcast_in_dim3A_352 = vector.shape_cast %reduce_max3A_351 : vector<1024xf32> to vector<1x1024xf32>
        %max3A_353 = arith.maximumf %while3A_289, %broadcast_in_dim3A_352 : vector<1x1024xf32>
        scf.yield %max3A_353 : vector<1x1024xf32>
      }
      %while3A_113 = arith.constant 1 : i32
      %while3A_114 = scf.for %while3A_288 = %while3A_110 to %while3A_106 step %while3A_113 iter_args(%while3A_289 = %while3A_112) -> (vector<1x1024xf32>)  : i32 {
        %mul3A_290 = arith.constant 1024 : i32
        %mul3A_291 = arith.muli %while3A_288, %mul3A_290 : i32
        %get3A_292 = arith.constant 0 : index
        %get3A_293 = arith.index_cast %mul3A_291 : i32 to index
        %get3A_294 = arith.constant 0 : index
        %get3A_295 = vector.load %arg5[%get3A_292, %get3A_293, %get3A_294] : memref<5x5120x1xf32, #tpu.memory_space<vmem>>, vector<1x1024x1xf32>
        %get3A_296 = vector.shape_cast %get3A_295 : vector<1x1024x1xf32> to vector<1024x1xf32>
        %max3A_297 = vector.broadcast %get3A_296 : vector<1024x1xf32> to vector<1024x1024xf32>
        %max3A_298 = vector.broadcast %get3A_59 : vector<1x1024xf32> to vector<1024x1024xf32>
        %max3A_299 = arith.maximumf %max3A_297, %max3A_298 : vector<1024x1024xf32>
        %get3A_300 = arith.constant 1 : index
        %get3A_301 = arith.index_cast %mul3A_291 : i32 to index
        %get3A_302 = arith.constant 0 : index
        %get3A_303 = vector.load %arg5[%get3A_300, %get3A_301, %get3A_302] : memref<5x5120x1xf32, #tpu.memory_space<vmem>>, vector<1x1024x1xf32>
        %get3A_304 = vector.shape_cast %get3A_303 : vector<1x1024x1xf32> to vector<1024x1xf32>
        %max3A_305 = vector.broadcast %get3A_304 : vector<1024x1xf32> to vector<1024x1024xf32>
        %max3A_306 = vector.broadcast %get3A_65 : vector<1x1024xf32> to vector<1024x1024xf32>
        %max3A_307 = arith.maximumf %max3A_305, %max3A_306 : vector<1024x1024xf32>
        %get3A_308 = arith.constant 2 : index
        %get3A_309 = arith.index_cast %mul3A_291 : i32 to index
        %get3A_310 = arith.constant 0 : index
        %get3A_311 = vector.load %arg5[%get3A_308, %get3A_309, %get3A_310] : memref<5x5120x1xf32, #tpu.memory_space<vmem>>, vector<1x1024x1xf32>
        %get3A_312 = vector.shape_cast %get3A_311 : vector<1x1024x1xf32> to vector<1024x1xf32>
        %min3A_313 = vector.broadcast %get3A_312 : vector<1024x1xf32> to vector<1024x1024xf32>
        %min3A_314 = vector.broadcast %get3A_71 : vector<1x1024xf32> to vector<1024x1024xf32>
        %min3A_315 = arith.minimumf %min3A_313, %min3A_314 : vector<1024x1024xf32>
        %get3A_316 = arith.constant 3 : index
        %get3A_317 = arith.index_cast %mul3A_291 : i32 to index
        %get3A_318 = arith.constant 0 : index
        %get3A_319 = vector.load %arg5[%get3A_316, %get3A_317, %get3A_318] : memref<5x5120x1xf32, #tpu.memory_space<vmem>>, vector<1x1024x1xf32>
        %get3A_320 = vector.shape_cast %get3A_319 : vector<1x1024x1xf32> to vector<1024x1xf32>
        %min3A_321 = vector.broadcast %get3A_320 : vector<1024x1xf32> to vector<1024x1024xf32>
        %min3A_322 = vector.broadcast %get3A_77 : vector<1x1024xf32> to vector<1024x1024xf32>
        %min3A_323 = arith.minimumf %min3A_321, %min3A_322 : vector<1024x1024xf32>
        %sub3A_324 = arith.subf %min3A_315, %max3A_299 : vector<1024x1024xf32>
        %max3A_325 = arith.constant 0.000000e+00 : f32
        %max3A_326 = vector.broadcast %max3A_325 : f32 to vector<1024x1024xf32>
        %max3A_327 = arith.maximumf %sub3A_324, %max3A_326 : vector<1024x1024xf32>
        %sub3A_328 = arith.subf %min3A_323, %max3A_307 : vector<1024x1024xf32>
        %max3A_329 = arith.constant 0.000000e+00 : f32
        %max3A_330 = vector.broadcast %max3A_329 : f32 to vector<1024x1024xf32>
        %max3A_331 = arith.maximumf %sub3A_328, %max3A_330 : vector<1024x1024xf32>
        %mul3A_332 = arith.mulf %max3A_327, %max3A_331 : vector<1024x1024xf32>
        %get3A_333 = arith.constant 4 : index
        %get3A_334 = arith.index_cast %mul3A_291 : i32 to index
        %get3A_335 = arith.constant 0 : index
        %get3A_336 = vector.load %arg5[%get3A_333, %get3A_334, %get3A_335] : memref<5x5120x1xf32, #tpu.memory_space<vmem>>, vector<1x1024x1xf32>
        %get3A_337 = vector.shape_cast %get3A_336 : vector<1x1024x1xf32> to vector<1024x1xf32>
        %add3A_338 = vector.broadcast %get3A_337 : vector<1024x1xf32> to vector<1024x1024xf32>
        %add3A_339 = vector.broadcast %mul3A_80 : vector<1x1024xf32> to vector<1024x1024xf32>
        %add3A_340 = arith.addf %add3A_338, %add3A_339 : vector<1024x1024xf32>
        %sub3A_341 = arith.subf %add3A_340, %mul3A_332 : vector<1024x1024xf32>
        %max3A_342 = arith.constant 1.000000e-10 : f32
        %max3A_343 = vector.broadcast %max3A_342 : f32 to vector<1024x1024xf32>
        %max3A_344 = arith.maximumf %sub3A_341, %max3A_343 : vector<1024x1024xf32>
        %div3A_345 = arith.divf %mul3A_332, %max3A_344 : vector<1024x1024xf32>
        %gt3A_346 = arith.constant 0.699999988 : f32
        %gt3A_347 = vector.broadcast %gt3A_346 : f32 to vector<1024x1024xf32>
        %gt3A_348 = arith.cmpf ogt, %div3A_345, %gt3A_347 : vector<1024x1024xf32>
        %convert_element_type3A_349 = arith.extui %gt3A_348 : vector<1024x1024xi1> to vector<1024x1024xi32>
        %convert_element_type3A_350 = arith.sitofp %convert_element_type3A_349 : vector<1024x1024xi32> to vector<1024x1024xf32>
        %reduce_max3A = arith.constant dense<0xFF800000> : vector<1024xf32>
        %reduce_max3A_351 = vector.multi_reduction <maximumf>, %convert_element_type3A_350, %reduce_max3A [0] : vector<1024x1024xf32> to vector<1024xf32>
        %broadcast_in_dim3A_352 = vector.shape_cast %reduce_max3A_351 : vector<1024xf32> to vector<1x1024xf32>
        %max3A_353 = arith.maximumf %while3A_289, %broadcast_in_dim3A_352 : vector<1x1024xf32>
        scf.yield %max3A_353 : vector<1x1024xf32>
      }
      %eq3A_115 = arith.constant 0.000000e+00 : f32
      %eq3A_116 = vector.broadcast %eq3A_115 : f32 to vector<1x1024xf32>
      %eq3A_117 = arith.cmpf oeq, %while3A_114, %eq3A_116 : vector<1x1024xf32>
      %mul3A_118 = arith.constant 1024 : i32
      %mul3A_119 = arith.muli %scan3A_52, %mul3A_118 : i32
      %add3A_120 = vector.broadcast %mul3A_119 : i32 to vector<1x1024xi32>
      %add3A_121 = arith.addi %iota3A_45, %add3A_120 : vector<1x1024xi32>
      %lt3A_122 = arith.constant 5000 : i32
      %lt3A_123 = vector.broadcast %lt3A_122 : i32 to vector<1x1024xi32>
      %lt3A_124 = arith.cmpi slt, %add3A_121, %lt3A_123 : vector<1x1024xi32>
      %and3A_125 = arith.andi %eq3A_117, %lt3A_124 : vector<1x1024xi1>
      %convert_element_type3A_126 = arith.extui %and3A_125 : vector<1x1024xi1> to vector<1x1024xi32>
      %convert_element_type3A_127 = arith.sitofp %convert_element_type3A_126 : vector<1x1024xi32> to vector<1x1024xf32>
      %mul3A_128 = arith.constant 1024 : i32
      %mul3A_129 = arith.muli %scan3A_52, %mul3A_128 : i32
      %get3A_130 = arith.constant 0 : index
      %get3A_131 = arith.constant 0 : index
      %get3A_132 = arith.index_cast %mul3A_129 : i32 to index
      %get3A_133 = arith.constant 0 : index
      %get3A_134 = vector.load %arg2[%get3A_130, %get3A_131, %get3A_132, %get3A_133] : memref<1x4x5120x1xf32, #tpu.memory_space<vmem>>, vector<1x1x1024x1xf32>
      %get3A_135 = vector.shape_cast %get3A_134 : vector<1x1x1024x1xf32> to vector<1024x1xf32>
      %mul3A_136 = arith.constant 1024 : i32
      %mul3A_137 = arith.muli %scan3A_52, %mul3A_136 : i32
      %get3A_138 = arith.constant 0 : index
      %get3A_139 = arith.constant 1 : index
      %get3A_140 = arith.index_cast %mul3A_137 : i32 to index
      %get3A_141 = arith.constant 0 : index
      %get3A_142 = vector.load %arg2[%get3A_138, %get3A_139, %get3A_140, %get3A_141] : memref<1x4x5120x1xf32, #tpu.memory_space<vmem>>, vector<1x1x1024x1xf32>
      %get3A_143 = vector.shape_cast %get3A_142 : vector<1x1x1024x1xf32> to vector<1024x1xf32>
      %mul3A_144 = arith.constant 1024 : i32
      %mul3A_145 = arith.muli %scan3A_52, %mul3A_144 : i32
      %get3A_146 = arith.constant 0 : index
      %get3A_147 = arith.constant 2 : index
      %get3A_148 = arith.index_cast %mul3A_145 : i32 to index
      %get3A_149 = arith.constant 0 : index
      %get3A_150 = vector.load %arg2[%get3A_146, %get3A_147, %get3A_148, %get3A_149] : memref<1x4x5120x1xf32, #tpu.memory_space<vmem>>, vector<1x1x1024x1xf32>
      %get3A_151 = vector.shape_cast %get3A_150 : vector<1x1x1024x1xf32> to vector<1024x1xf32>
      %mul3A_152 = arith.constant 1024 : i32
      %mul3A_153 = arith.muli %scan3A_52, %mul3A_152 : i32
      %get3A_154 = arith.constant 0 : index
      %get3A_155 = arith.constant 3 : index
      %get3A_156 = arith.index_cast %mul3A_153 : i32 to index
      %get3A_157 = arith.constant 0 : index
      %get3A_158 = vector.load %arg2[%get3A_154, %get3A_155, %get3A_156, %get3A_157] : memref<1x4x5120x1xf32, #tpu.memory_space<vmem>>, vector<1x1x1024x1xf32>
      %get3A_159 = vector.shape_cast %get3A_158 : vector<1x1x1024x1xf32> to vector<1024x1xf32>
      %mul3A_160 = arith.constant 1024 : i32
      %mul3A_161 = arith.muli %scan3A_52, %mul3A_160 : i32
      %get3A_162 = arith.index_cast %mul3A_161 : i32 to index
      %get3A_163 = arith.constant 0 : index
      %get3A_164 = vector.load %arg6[%get3A_162, %get3A_163] : memref<5120x1xf32, #tpu.memory_space<vmem>>, vector<1024x1xf32>
      %max3A = vector.broadcast %get3A_135 : vector<1024x1xf32> to vector<1024x1024xf32>
      %max3A_165 = vector.broadcast %get3A_59 : vector<1x1024xf32> to vector<1024x1024xf32>
      %max3A_166 = arith.maximumf %max3A, %max3A_165 : vector<1024x1024xf32>
      %max3A_167 = vector.broadcast %get3A_143 : vector<1024x1xf32> to vector<1024x1024xf32>
      %max3A_168 = vector.broadcast %get3A_65 : vector<1x1024xf32> to vector<1024x1024xf32>
      %max3A_169 = arith.maximumf %max3A_167, %max3A_168 : vector<1024x1024xf32>
      %min3A = vector.broadcast %get3A_151 : vector<1024x1xf32> to vector<1024x1024xf32>
      %min3A_170 = vector.broadcast %get3A_71 : vector<1x1024xf32> to vector<1024x1024xf32>
      %min3A_171 = arith.minimumf %min3A, %min3A_170 : vector<1024x1024xf32>
      %min3A_172 = vector.broadcast %get3A_159 : vector<1024x1xf32> to vector<1024x1024xf32>
      %min3A_173 = vector.broadcast %get3A_77 : vector<1x1024xf32> to vector<1024x1024xf32>
      %min3A_174 = arith.minimumf %min3A_172, %min3A_173 : vector<1024x1024xf32>
      %sub3A_175 = arith.subf %min3A_171, %max3A_166 : vector<1024x1024xf32>
      %max3A_176 = arith.constant 0.000000e+00 : f32
      %max3A_177 = vector.broadcast %max3A_176 : f32 to vector<1024x1024xf32>
      %max3A_178 = arith.maximumf %sub3A_175, %max3A_177 : vector<1024x1024xf32>
      %sub3A_179 = arith.subf %min3A_174, %max3A_169 : vector<1024x1024xf32>
      %max3A_180 = arith.constant 0.000000e+00 : f32
      %max3A_181 = vector.broadcast %max3A_180 : f32 to vector<1024x1024xf32>
      %max3A_182 = arith.maximumf %sub3A_179, %max3A_181 : vector<1024x1024xf32>
      %mul3A_183 = arith.mulf %max3A_178, %max3A_182 : vector<1024x1024xf32>
      %add3A_184 = vector.broadcast %get3A_164 : vector<1024x1xf32> to vector<1024x1024xf32>
      %add3A_185 = vector.broadcast %mul3A_80 : vector<1x1024xf32> to vector<1024x1024xf32>
      %add3A_186 = arith.addf %add3A_184, %add3A_185 : vector<1024x1024xf32>
      %sub3A_187 = arith.subf %add3A_186, %mul3A_183 : vector<1024x1024xf32>
      %max3A_188 = arith.constant 1.000000e-10 : f32
      %max3A_189 = vector.broadcast %max3A_188 : f32 to vector<1024x1024xf32>
      %max3A_190 = arith.maximumf %sub3A_187, %max3A_189 : vector<1024x1024xf32>
      %div3A_191 = arith.divf %mul3A_183, %max3A_190 : vector<1024x1024xf32>
      %gt3A = arith.constant 0.699999988 : f32
      %gt3A_192 = vector.broadcast %gt3A : f32 to vector<1024x1024xf32>
      %gt3A_193 = arith.cmpf ogt, %div3A_191, %gt3A_192 : vector<1024x1024xf32>
      %convert_element_type3A_194 = arith.extui %gt3A_193 : vector<1024x1024xi1> to vector<1024x1024xi32>
      %convert_element_type3A_195 = arith.sitofp %convert_element_type3A_194 : vector<1024x1024xi32> to vector<1024x1024xf32>
      %mul3A_196 = arith.mulf %convert_element_type3A_195, %convert_element_type3A_40 : vector<1024x1024xf32>
      %while3A_197 = arith.constant true
      %while3A_198:2 = scf.while (%while3A_288 = %convert_element_type3A_127, %while3A_289 = %while3A_197) : (vector<1x1024xf32>, i1) -> (vector<1x1024xf32>, i1) {
        scf.condition(%while3A_289) %while3A_288, %while3A_289 : vector<1x1024xf32>, i1
      } do {
      ^bb0(%while3A_288: vector<1x1024xf32>, %while3A_289: i1):
        %dot_general3A_290 = arith.constant dense<0.000000e+00> : vector<1x1024xf32>
        %dot_general3A_291 = tpu.matmul %while3A_288, %mul3A_196, %dot_general3A_290 {dimension_numbers = #tpu.dot_dimension_numbers<[1], [0], [0], [1], [0, 0, 1, 1], [], []>, transpose_lhs_hint = false} : vector<1x1024xf32>, vector<1024x1024xf32>, vector<1x1024xf32> -> vector<1x1024xf32>
        %eq3A_292 = arith.constant 0.000000e+00 : f32
        %eq3A_293 = vector.broadcast %eq3A_292 : f32 to vector<1x1024xf32>
        %eq3A_294 = arith.cmpf oeq, %dot_general3A_291, %eq3A_293 : vector<1x1024xf32>
        %convert_element_type3A_295 = arith.extui %eq3A_294 : vector<1x1024xi1> to vector<1x1024xi32>
        %convert_element_type3A_296 = arith.sitofp %convert_element_type3A_295 : vector<1x1024xi32> to vector<1x1024xf32>
        %mul3A_297 = arith.mulf %convert_element_type3A_127, %convert_element_type3A_296 : vector<1x1024xf32>
        %ne3A_298 = arith.cmpf one, %mul3A_297, %while3A_288 : vector<1x1024xf32>
        %reduce_or3A = arith.constant 1.000000e+00 : f32
        %reduce_or3A_299 = arith.constant 0.000000e+00 : f32
        %reduce_or3A_300 = vector.broadcast %reduce_or3A : f32 to vector<1x1024xf32>
        %reduce_or3A_301 = vector.broadcast %reduce_or3A_299 : f32 to vector<1x1024xf32>
        %reduce_or3A_302 = arith.select %ne3A_298, %reduce_or3A_300, %reduce_or3A_301 : vector<1x1024xi1>, vector<1x1024xf32>
        %reduce_or3A_303 = vector.shape_cast %reduce_or3A_302 : vector<1x1024xf32> to vector<1x1x1024xf32>
        %reduce_or3A_304 = arith.constant dense<0xFF800000> : vector<1xf32>
        %reduce_or3A_305 = vector.multi_reduction <maximumf>, %reduce_or3A_303, %reduce_or3A_304 [1, 2] : vector<1x1x1024xf32> to vector<1xf32>
        %reduce_or3A_306 = vector.shape_cast %reduce_or3A_305 : vector<1xf32> to vector<1x1x1xf32>
        %reduce_or3A_307 = vector.extract %reduce_or3A_306[0, 0, 0] : f32 from vector<1x1x1xf32>
        %reduce_or3A_308 = arith.constant 0.000000e+00 : f32
        %reduce_or3A_309 = arith.cmpf ogt, %reduce_or3A_307, %reduce_or3A_308 : f32
        scf.yield %mul3A_297, %reduce_or3A_309 : vector<1x1024xf32>, i1
      }
      %swap3A_199 = arith.constant 0 : index
      %swap3A_200 = arith.index_cast %scan3A_52 : i32 to index
      %swap3A_201 = arith.constant 0 : index
      %swap3A_202 = vector.load %arg3[%swap3A_199, %swap3A_200, %swap3A_201] : memref<1x5x1024xf32, #tpu.memory_space<vmem>>, vector<1x1x1024xf32>
      %swap3A_203 = vector.shape_cast %swap3A_202 : vector<1x1x1024xf32> to vector<1x1024xf32>
      %swap3A_204 = vector.shape_cast %while3A_198#0 : vector<1x1024xf32> to vector<1x1x1024xf32>
      tpu.vector_store %arg3[%swap3A_199, %swap3A_200, %swap3A_201], %swap3A_204 {strides = array<i32>} : memref<1x5x1024xf32, #tpu.memory_space<vmem>>, vector<1x1x1024xf32>,
      %dot_general3A = arith.constant dense<0.000000e+00> : vector<1024x1xf32>
      %dot_general3A_205 = tpu.matmul %convert_element_type3A_42, %while3A_198#0, %dot_general3A {dimension_numbers = #tpu.dot_dimension_numbers<[1], [1], [0], [0], [0, 0, 1, 0], [], []>, transpose_lhs_hint = false} : vector<1024x1024xf32>, vector<1x1024xf32>, vector<1024x1xf32> -> vector<1024x1xf32>
      %gt3A_206 = arith.constant 0.000000e+00 : f32
      %gt3A_207 = vector.broadcast %gt3A_206 : f32 to vector<1024x1xf32>
      %gt3A_208 = arith.cmpf ogt, %dot_general3A_205, %gt3A_207 : vector<1024x1xf32>
      %jit3A_209 = arith.constant 2.000000e+00 : f32
      %broadcast_in_dim3A_210 = vector.broadcast %jit3A_209 : f32 to vector<1024x1xf32>
      %select_n3A_211 = arith.select %gt3A_208, %get3A_135, %broadcast_in_dim3A_210 : vector<1024x1xi1>, vector<1024x1xf32>
      %mul3A_212 = arith.constant 1024 : i32
      %mul3A_213 = arith.muli %scan3A_52, %mul3A_212 : i32
      %swap3A_214 = arith.constant 0 : index
      %swap3A_215 = arith.index_cast %mul3A_213 : i32 to index
      %swap3A_216 = arith.constant 0 : index
      %swap3A_217 = vector.load %arg5[%swap3A_214, %swap3A_215, %swap3A_216] : memref<5x5120x1xf32, #tpu.memory_space<vmem>>, vector<1x1024x1xf32>
      %swap3A_218 = vector.shape_cast %swap3A_217 : vector<1x1024x1xf32> to vector<1024x1xf32>
      %swap3A_219 = vector.shape_cast %select_n3A_211 : vector<1024x1xf32> to vector<1x1024x1xf32>
      tpu.vector_store %arg5[%swap3A_214, %swap3A_215, %swap3A_216], %swap3A_219 {strides = array<i32>} : memref<5x5120x1xf32, #tpu.memory_space<vmem>>, vector<1x1024x1xf32>,
      %jit3A_220 = arith.constant 2.000000e+00 : f32
      %broadcast_in_dim3A_221 = vector.broadcast %jit3A_220 : f32 to vector<1024x1xf32>
      %select_n3A_222 = arith.select %gt3A_208, %get3A_143, %broadcast_in_dim3A_221 : vector<1024x1xi1>, vector<1024x1xf32>
      %mul3A_223 = arith.constant 1024 : i32
      %mul3A_224 = arith.muli %scan3A_52, %mul3A_223 : i32
      %swap3A_225 = arith.constant 1 : index
      %swap3A_226 = arith.index_cast %mul3A_224 : i32 to index
      %swap3A_227 = arith.constant 0 : index
      %swap3A_228 = vector.load %arg5[%swap3A_225, %swap3A_226, %swap3A_227] : memref<5x5120x1xf32, #tpu.memory_space<vmem>>, vector<1x1024x1xf32>
      %swap3A_229 = vector.shape_cast %swap3A_228 : vector<1x1024x1xf32> to vector<1024x1xf32>
      %swap3A_230 = vector.shape_cast %select_n3A_222 : vector<1024x1xf32> to vector<1x1024x1xf32>
      tpu.vector_store %arg5[%swap3A_225, %swap3A_226, %swap3A_227], %swap3A_230 {strides = array<i32>} : memref<5x5120x1xf32, #tpu.memory_space<vmem>>, vector<1x1024x1xf32>,
      %jit3A_231 = arith.constant 2.000000e+00 : f32
      %broadcast_in_dim3A_232 = vector.broadcast %jit3A_231 : f32 to vector<1024x1xf32>
      %select_n3A_233 = arith.select %gt3A_208, %get3A_151, %broadcast_in_dim3A_232 : vector<1024x1xi1>, vector<1024x1xf32>
      %mul3A_234 = arith.constant 1024 : i32
      %mul3A_235 = arith.muli %scan3A_52, %mul3A_234 : i32
      %swap3A_236 = arith.constant 2 : index
      %swap3A_237 = arith.index_cast %mul3A_235 : i32 to index
      %swap3A_238 = arith.constant 0 : index
      %swap3A_239 = vector.load %arg5[%swap3A_236, %swap3A_237, %swap3A_238] : memref<5x5120x1xf32, #tpu.memory_space<vmem>>, vector<1x1024x1xf32>
      %swap3A_240 = vector.shape_cast %swap3A_239 : vector<1x1024x1xf32> to vector<1024x1xf32>
      %swap3A_241 = vector.shape_cast %select_n3A_233 : vector<1024x1xf32> to vector<1x1024x1xf32>
      tpu.vector_store %arg5[%swap3A_236, %swap3A_237, %swap3A_238], %swap3A_241 {strides = array<i32>} : memref<5x5120x1xf32, #tpu.memory_space<vmem>>, vector<1x1024x1xf32>,
      %jit3A_242 = arith.constant 2.000000e+00 : f32
      %broadcast_in_dim3A_243 = vector.broadcast %jit3A_242 : f32 to vector<1024x1xf32>
      %select_n3A_244 = arith.select %gt3A_208, %get3A_159, %broadcast_in_dim3A_243 : vector<1024x1xi1>, vector<1024x1xf32>
      %mul3A_245 = arith.constant 1024 : i32
      %mul3A_246 = arith.muli %scan3A_52, %mul3A_245 : i32
      %swap3A_247 = arith.constant 3 : index
      %swap3A_248 = arith.index_cast %mul3A_246 : i32 to index
      %swap3A_249 = arith.constant 0 : index
      %swap3A_250 = vector.load %arg5[%swap3A_247, %swap3A_248, %swap3A_249] : memref<5x5120x1xf32, #tpu.memory_space<vmem>>, vector<1x1024x1xf32>
      %swap3A_251 = vector.shape_cast %swap3A_250 : vector<1x1024x1xf32> to vector<1024x1xf32>
      %swap3A_252 = vector.shape_cast %select_n3A_244 : vector<1024x1xf32> to vector<1x1024x1xf32>
      tpu.vector_store %arg5[%swap3A_247, %swap3A_248, %swap3A_249], %swap3A_252 {strides = array<i32>} : memref<5x5120x1xf32, #tpu.memory_space<vmem>>, vector<1x1024x1xf32>,
      %jit3A_253 = arith.constant 0.000000e+00 : f32
      %broadcast_in_dim3A_254 = vector.broadcast %jit3A_253 : f32 to vector<1024x1xf32>
      %select_n3A_255 = arith.select %gt3A_208, %get3A_164, %broadcast_in_dim3A_254 : vector<1024x1xi1>, vector<1024x1xf32>
      %mul3A_256 = arith.constant 1024 : i32
      %mul3A_257 = arith.muli %scan3A_52, %mul3A_256 : i32
      %swap3A_258 = arith.constant 4 : index
      %swap3A_259 = arith.index_cast %mul3A_257 : i32 to index
      %swap3A_260 = arith.constant 0 : index
      %swap3A_261 = vector.load %arg5[%swap3A_258, %swap3A_259, %swap3A_260] : memref<5x5120x1xf32, #tpu.memory_space<vmem>>, vector<1x1024x1xf32>
      %swap3A_262 = vector.shape_cast %swap3A_261 : vector<1x1024x1xf32> to vector<1024x1xf32>
      %swap3A_263 = vector.shape_cast %select_n3A_255 : vector<1024x1xf32> to vector<1x1024x1xf32>
      tpu.vector_store %arg5[%swap3A_258, %swap3A_259, %swap3A_260], %swap3A_263 {strides = array<i32>} : memref<5x5120x1xf32, #tpu.memory_space<vmem>>, vector<1x1024x1xf32>,
      %dot_general3A_264 = arith.constant dense<0.000000e+00> : vector<1x1024xf32>
      %dot_general3A_265 = tpu.matmul %while3A_198#0, %convert_element_type3A_44, %dot_general3A_264 {dimension_numbers = #tpu.dot_dimension_numbers<[1], [0], [0], [1], [0, 0, 1, 1], [], []>, transpose_lhs_hint = false} : vector<1x1024xf32>, vector<1024x1024xf32>, vector<1x1024xf32> -> vector<1x1024xf32>
      %add3A_266 = vector.broadcast %scan3A_53 : f32 to vector<1x1024xf32>
      %add3A_267 = arith.addf %add3A_266, %dot_general3A_265 : vector<1x1024xf32>
      %sub3A_268 = arith.constant 1.000000e+00 : f32
      %sub3A_269 = vector.broadcast %sub3A_268 : f32 to vector<1x1024xf32>
      %sub3A_270 = arith.subf %add3A_267, %sub3A_269 : vector<1x1024xf32>
      %gt3A_271 = arith.constant 0.000000e+00 : f32
      %gt3A_272 = vector.broadcast %gt3A_271 : f32 to vector<1x1024xf32>
      %gt3A_273 = arith.cmpf ogt, %while3A_198#0, %gt3A_272 : vector<1x1024xf32>
      %jit3A_274 = arith.constant 0x49800000 : f32
      %broadcast_in_dim3A_275 = vector.broadcast %jit3A_274 : f32 to vector<1x1024xf32>
      %select_n3A_276 = arith.select %gt3A_273, %sub3A_270, %broadcast_in_dim3A_275 : vector<1x1024xi1>, vector<1x1024xf32>
      %swap3A_277 = arith.constant 0 : index
      %swap3A_278 = arith.index_cast %scan3A_52 : i32 to index
      %swap3A_279 = arith.constant 0 : index
      %swap3A_280 = vector.load %arg4[%swap3A_277, %swap3A_278, %swap3A_279] : memref<1x5x1024xf32, #tpu.memory_space<vmem>>, vector<1x1x1024xf32>
      %swap3A_281 = vector.shape_cast %swap3A_280 : vector<1x1x1024xf32> to vector<1x1024xf32>
      %swap3A_282 = vector.shape_cast %select_n3A_276 : vector<1x1024xf32> to vector<1x1x1024xf32>
      tpu.vector_store %arg4[%swap3A_277, %swap3A_278, %swap3A_279], %swap3A_282 {strides = array<i32>} : memref<1x5x1024xf32, #tpu.memory_space<vmem>>, vector<1x1x1024xf32>,
      %reduce_sum3A = vector.shape_cast %while3A_198#0 : vector<1x1024xf32> to vector<1x1x1024xf32>
      %reduce_sum3A_283 = arith.constant dense<0.000000e+00> : vector<1xf32>
      %reduce_sum3A_284 = vector.multi_reduction <add>, %reduce_sum3A, %reduce_sum3A_283 [1, 2] : vector<1x1x1024xf32> to vector<1xf32>
      %reduce_sum3A_285 = vector.shape_cast %reduce_sum3A_284 : vector<1xf32> to vector<1x1x1xf32>
      %reduce_sum3A_286 = vector.extract %reduce_sum3A_285[0, 0, 0] : f32 from vector<1x1x1xf32>
      %add3A_287 = arith.addf %scan3A_53, %reduce_sum3A_286 : f32
      scf.yield %add3A_287 : f32
    }
    %scan3A_51 = arith.constant 5 : i32
    return
  }
  func.func @transform_0(%arg0: i32) -> (i32, i32, i32, i32) {
    %c0_i32 = arith.constant 0 : i32
    %c0_i32_0 = arith.constant 0 : i32
    %c0_i32_1 = arith.constant 0 : i32
    %c0_i32_2 = arith.constant 0 : i32
    return %arg0, %c0_i32, %c0_i32_0, %c0_i32_1 : i32, i32, i32, i32
  }
  func.func @transform_1(%arg0: i32) -> (i32, i32, i32, i32) {
    %c0_i32 = arith.constant 0 : i32
    %c0_i32_0 = arith.constant 0 : i32
    %c0_i32_1 = arith.constant 0 : i32
    %c0_i32_2 = arith.constant 0 : i32
    return %arg0, %c0_i32, %c0_i32_0, %c0_i32_1 : i32, i32, i32, i32
  }
  func.func @transform_2(%arg0: i32) -> (i32, i32, i32) {
    %c0_i32 = arith.constant 0 : i32
    %c0_i32_0 = arith.constant 0 : i32
    %c0_i32_1 = arith.constant 0 : i32
    return %arg0, %c0_i32, %c0_i32_0 : i32, i32, i32
  }
  func.func @transform_3(%arg0: i32) -> (i32, i32, i32) {
    %c0_i32 = arith.constant 0 : i32
    %c0_i32_0 = arith.constant 0 : i32
    %c0_i32_1 = arith.constant 0 : i32
    return %arg0, %c0_i32, %c0_i32_0 : i32, i32, i32
  }
}

module attributes {stable_mosaic.version = 14 : i64} {
  func.func @_decode_rank_kernel(%arg0: i32, %arg1: memref<1x1x5120xf32, #tpu.memory_space<vmem>>, %arg2: memref<1x5120x1xf32, #tpu.memory_space<vmem>>, %arg3: memref<1x4x40x128xf32, #tpu.memory_space<vmem>>, %arg4: memref<1x4x40x128xf32, #tpu.memory_space<vmem>>, %arg5: memref<1x4x40x128xf32, #tpu.memory_space<vmem>>, %arg6: memref<1x1x5120xf32, #tpu.memory_space<vmem>>) attributes {dimension_semantics = [#tpu.dimension_semantics<arbitrary>], iteration_bounds = array<i64: 2>, scalar_prefetch = 0 : i64, scratch_operands = 0 : i64, tpu.core_type = #tpu.core_type<tc>, window_params = [{transform_indices = @transform_0, window_bounds = array<i64: 1, 1, 5120>}, {transform_indices = @transform_1, window_bounds = array<i64: 1, 5120, 1>}, {transform_indices = @transform_2, window_bounds = array<i64: 1, 4, 40, 128>}, {transform_indices = @transform_3, window_bounds = array<i64: 1, 4, 40, 128>}, {transform_indices = @transform_4, window_bounds = array<i64: 1, 4, 40, 128>}, {transform_indices = @transform_5, window_bounds = array<i64: 1, 1, 5120>}]} {
    %get3A = arith.constant 0 : index
    %get3A_0 = arith.constant 0 : index
    %get3A_1 = arith.constant 0 : index
    %get3A_2 = arith.constant 0 : index
    %get3A_3 = vector.load %arg4[%get3A, %get3A_0, %get3A_1, %get3A_2] : memref<1x4x40x128xf32, #tpu.memory_space<vmem>>, vector<1x1x40x128xf32>
    %get3A_4 = vector.shape_cast %get3A_3 : vector<1x1x40x128xf32> to vector<40x128xf32>
    %get3A_5 = arith.constant 0 : index
    %get3A_6 = arith.constant 1 : index
    %get3A_7 = arith.constant 0 : index
    %get3A_8 = arith.constant 0 : index
    %get3A_9 = vector.load %arg4[%get3A_5, %get3A_6, %get3A_7, %get3A_8] : memref<1x4x40x128xf32, #tpu.memory_space<vmem>>, vector<1x1x40x128xf32>
    %get3A_10 = vector.shape_cast %get3A_9 : vector<1x1x40x128xf32> to vector<40x128xf32>
    %get3A_11 = arith.constant 0 : index
    %get3A_12 = arith.constant 2 : index
    %get3A_13 = arith.constant 0 : index
    %get3A_14 = arith.constant 0 : index
    %get3A_15 = vector.load %arg4[%get3A_11, %get3A_12, %get3A_13, %get3A_14] : memref<1x4x40x128xf32, #tpu.memory_space<vmem>>, vector<1x1x40x128xf32>
    %get3A_16 = vector.shape_cast %get3A_15 : vector<1x1x40x128xf32> to vector<40x128xf32>
    %get3A_17 = arith.constant 0 : index
    %get3A_18 = arith.constant 3 : index
    %get3A_19 = arith.constant 0 : index
    %get3A_20 = arith.constant 0 : index
    %get3A_21 = vector.load %arg4[%get3A_17, %get3A_18, %get3A_19, %get3A_20] : memref<1x4x40x128xf32, #tpu.memory_space<vmem>>, vector<1x1x40x128xf32>
    %get3A_22 = vector.shape_cast %get3A_21 : vector<1x1x40x128xf32> to vector<40x128xf32>
    %get3A_23 = arith.constant 0 : index
    %get3A_24 = arith.constant 0 : index
    %get3A_25 = arith.constant 0 : index
    %get3A_26 = arith.constant 0 : index
    %get3A_27 = vector.load %arg3[%get3A_23, %get3A_24, %get3A_25, %get3A_26] : memref<1x4x40x128xf32, #tpu.memory_space<vmem>>, vector<1x1x40x128xf32>
    %get3A_28 = vector.shape_cast %get3A_27 : vector<1x1x40x128xf32> to vector<40x128xf32>
    %mul3A = arith.constant 1.000000e-01 : f32
    %mul3A_29 = vector.broadcast %mul3A : f32 to vector<40x128xf32>
    %mul3A_30 = arith.mulf %get3A_28, %mul3A_29 : vector<40x128xf32>
    %get3A_31 = arith.constant 0 : index
    %get3A_32 = arith.constant 1 : index
    %get3A_33 = arith.constant 0 : index
    %get3A_34 = arith.constant 0 : index
    %get3A_35 = vector.load %arg3[%get3A_31, %get3A_32, %get3A_33, %get3A_34] : memref<1x4x40x128xf32, #tpu.memory_space<vmem>>, vector<1x1x40x128xf32>
    %get3A_36 = vector.shape_cast %get3A_35 : vector<1x1x40x128xf32> to vector<40x128xf32>
    %mul3A_37 = arith.constant 1.000000e-01 : f32
    %mul3A_38 = vector.broadcast %mul3A_37 : f32 to vector<40x128xf32>
    %mul3A_39 = arith.mulf %get3A_36, %mul3A_38 : vector<40x128xf32>
    %get3A_40 = arith.constant 0 : index
    %get3A_41 = arith.constant 2 : index
    %get3A_42 = arith.constant 0 : index
    %get3A_43 = arith.constant 0 : index
    %get3A_44 = vector.load %arg3[%get3A_40, %get3A_41, %get3A_42, %get3A_43] : memref<1x4x40x128xf32, #tpu.memory_space<vmem>>, vector<1x1x40x128xf32>
    %get3A_45 = vector.shape_cast %get3A_44 : vector<1x1x40x128xf32> to vector<40x128xf32>
    %mul3A_46 = arith.constant 2.000000e-01 : f32
    %mul3A_47 = vector.broadcast %mul3A_46 : f32 to vector<40x128xf32>
    %mul3A_48 = arith.mulf %get3A_45, %mul3A_47 : vector<40x128xf32>
    %get3A_49 = arith.constant 0 : index
    %get3A_50 = arith.constant 3 : index
    %get3A_51 = arith.constant 0 : index
    %get3A_52 = arith.constant 0 : index
    %get3A_53 = vector.load %arg3[%get3A_49, %get3A_50, %get3A_51, %get3A_52] : memref<1x4x40x128xf32, #tpu.memory_space<vmem>>, vector<1x1x40x128xf32>
    %get3A_54 = vector.shape_cast %get3A_53 : vector<1x1x40x128xf32> to vector<40x128xf32>
    %mul3A_55 = arith.constant 2.000000e-01 : f32
    %mul3A_56 = vector.broadcast %mul3A_55 : f32 to vector<40x128xf32>
    %mul3A_57 = arith.mulf %get3A_54, %mul3A_56 : vector<40x128xf32>
    %sub3A = arith.subf %get3A_16, %get3A_4 : vector<40x128xf32>
    %sub3A_58 = arith.subf %get3A_22, %get3A_10 : vector<40x128xf32>
    %mul3A_59 = arith.constant 5.000000e-01 : f32
    %mul3A_60 = vector.broadcast %mul3A_59 : f32 to vector<40x128xf32>
    %mul3A_61 = arith.mulf %mul3A_60, %sub3A : vector<40x128xf32>
    %add3A = arith.addf %get3A_4, %mul3A_61 : vector<40x128xf32>
    %mul3A_62 = arith.constant 5.000000e-01 : f32
    %mul3A_63 = vector.broadcast %mul3A_62 : f32 to vector<40x128xf32>
    %mul3A_64 = arith.mulf %mul3A_63, %sub3A_58 : vector<40x128xf32>
    %add3A_65 = arith.addf %get3A_10, %mul3A_64 : vector<40x128xf32>
    %mul3A_66 = arith.mulf %mul3A_30, %sub3A : vector<40x128xf32>
    %add3A_67 = arith.addf %add3A, %mul3A_66 : vector<40x128xf32>
    %mul3A_68 = arith.mulf %mul3A_39, %sub3A_58 : vector<40x128xf32>
    %add3A_69 = arith.addf %add3A_65, %mul3A_68 : vector<40x128xf32>
    %exp3A = math.exp %mul3A_48 : vector<40x128xf32>
    %mul3A_70 = arith.mulf %sub3A, %exp3A : vector<40x128xf32>
    %exp3A_71 = math.exp %mul3A_57 : vector<40x128xf32>
    %mul3A_72 = arith.mulf %sub3A_58, %exp3A_71 : vector<40x128xf32>
    %mul3A_73 = arith.constant 5.000000e-01 : f32
    %mul3A_74 = vector.broadcast %mul3A_73 : f32 to vector<40x128xf32>
    %mul3A_75 = arith.mulf %mul3A_74, %mul3A_70 : vector<40x128xf32>
    %sub3A_76 = arith.subf %add3A_67, %mul3A_75 : vector<40x128xf32>
    %mul3A_77 = arith.constant 5.000000e-01 : f32
    %mul3A_78 = vector.broadcast %mul3A_77 : f32 to vector<40x128xf32>
    %mul3A_79 = arith.mulf %mul3A_78, %mul3A_72 : vector<40x128xf32>
    %sub3A_80 = arith.subf %add3A_69, %mul3A_79 : vector<40x128xf32>
    %add3A_81 = arith.addf %sub3A_76, %mul3A_70 : vector<40x128xf32>
    %add3A_82 = arith.addf %sub3A_80, %mul3A_72 : vector<40x128xf32>
    %jit3A = arith.constant 0.000000e+00 : f32
    %jit3A_83 = arith.constant 1.000000e+00 : f32
    %max3A = vector.broadcast %jit3A : f32 to vector<40x128xf32>
    %max3A_84 = arith.maximumf %max3A, %sub3A_76 : vector<40x128xf32>
    %min3A = vector.broadcast %jit3A_83 : f32 to vector<40x128xf32>
    %min3A_85 = arith.minimumf %min3A, %max3A_84 : vector<40x128xf32>
    %swap3A = arith.constant 0 : index
    %swap3A_86 = arith.constant 0 : index
    %swap3A_87 = arith.constant 0 : index
    %swap3A_88 = arith.constant 0 : index
    %swap3A_89 = vector.load %arg5[%swap3A, %swap3A_86, %swap3A_87, %swap3A_88] : memref<1x4x40x128xf32, #tpu.memory_space<vmem>>, vector<1x1x40x128xf32>
    %swap3A_90 = vector.shape_cast %swap3A_89 : vector<1x1x40x128xf32> to vector<40x128xf32>
    %swap3A_91 = vector.shape_cast %min3A_85 : vector<40x128xf32> to vector<1x1x40x128xf32>
    tpu.vector_store %arg5[%swap3A, %swap3A_86, %swap3A_87, %swap3A_88], %swap3A_91 {strides = array<i32>} : memref<1x4x40x128xf32, #tpu.memory_space<vmem>>, vector<1x1x40x128xf32>,
    %jit3A_92 = arith.constant 0.000000e+00 : f32
    %jit3A_93 = arith.constant 1.000000e+00 : f32
    %max3A_94 = vector.broadcast %jit3A_92 : f32 to vector<40x128xf32>
    %max3A_95 = arith.maximumf %max3A_94, %sub3A_80 : vector<40x128xf32>
    %min3A_96 = vector.broadcast %jit3A_93 : f32 to vector<40x128xf32>
    %min3A_97 = arith.minimumf %min3A_96, %max3A_95 : vector<40x128xf32>
    %swap3A_98 = arith.constant 0 : index
    %swap3A_99 = arith.constant 1 : index
    %swap3A_100 = arith.constant 0 : index
    %swap3A_101 = arith.constant 0 : index
    %swap3A_102 = vector.load %arg5[%swap3A_98, %swap3A_99, %swap3A_100, %swap3A_101] : memref<1x4x40x128xf32, #tpu.memory_space<vmem>>, vector<1x1x40x128xf32>
    %swap3A_103 = vector.shape_cast %swap3A_102 : vector<1x1x40x128xf32> to vector<40x128xf32>
    %swap3A_104 = vector.shape_cast %min3A_97 : vector<40x128xf32> to vector<1x1x40x128xf32>
    tpu.vector_store %arg5[%swap3A_98, %swap3A_99, %swap3A_100, %swap3A_101], %swap3A_104 {strides = array<i32>} : memref<1x4x40x128xf32, #tpu.memory_space<vmem>>, vector<1x1x40x128xf32>,
    %jit3A_105 = arith.constant 0.000000e+00 : f32
    %jit3A_106 = arith.constant 1.000000e+00 : f32
    %max3A_107 = vector.broadcast %jit3A_105 : f32 to vector<40x128xf32>
    %max3A_108 = arith.maximumf %max3A_107, %add3A_81 : vector<40x128xf32>
    %min3A_109 = vector.broadcast %jit3A_106 : f32 to vector<40x128xf32>
    %min3A_110 = arith.minimumf %min3A_109, %max3A_108 : vector<40x128xf32>
    %swap3A_111 = arith.constant 0 : index
    %swap3A_112 = arith.constant 2 : index
    %swap3A_113 = arith.constant 0 : index
    %swap3A_114 = arith.constant 0 : index
    %swap3A_115 = vector.load %arg5[%swap3A_111, %swap3A_112, %swap3A_113, %swap3A_114] : memref<1x4x40x128xf32, #tpu.memory_space<vmem>>, vector<1x1x40x128xf32>
    %swap3A_116 = vector.shape_cast %swap3A_115 : vector<1x1x40x128xf32> to vector<40x128xf32>
    %swap3A_117 = vector.shape_cast %min3A_110 : vector<40x128xf32> to vector<1x1x40x128xf32>
    tpu.vector_store %arg5[%swap3A_111, %swap3A_112, %swap3A_113, %swap3A_114], %swap3A_117 {strides = array<i32>} : memref<1x4x40x128xf32, #tpu.memory_space<vmem>>, vector<1x1x40x128xf32>,
    %jit3A_118 = arith.constant 0.000000e+00 : f32
    %jit3A_119 = arith.constant 1.000000e+00 : f32
    %max3A_120 = vector.broadcast %jit3A_118 : f32 to vector<40x128xf32>
    %max3A_121 = arith.maximumf %max3A_120, %add3A_82 : vector<40x128xf32>
    %min3A_122 = vector.broadcast %jit3A_119 : f32 to vector<40x128xf32>
    %min3A_123 = arith.minimumf %min3A_122, %max3A_121 : vector<40x128xf32>
    %swap3A_124 = arith.constant 0 : index
    %swap3A_125 = arith.constant 3 : index
    %swap3A_126 = arith.constant 0 : index
    %swap3A_127 = arith.constant 0 : index
    %swap3A_128 = vector.load %arg5[%swap3A_124, %swap3A_125, %swap3A_126, %swap3A_127] : memref<1x4x40x128xf32, #tpu.memory_space<vmem>>, vector<1x1x40x128xf32>
    %swap3A_129 = vector.shape_cast %swap3A_128 : vector<1x1x40x128xf32> to vector<40x128xf32>
    %swap3A_130 = vector.shape_cast %min3A_123 : vector<40x128xf32> to vector<1x1x40x128xf32>
    tpu.vector_store %arg5[%swap3A_124, %swap3A_125, %swap3A_126, %swap3A_127], %swap3A_130 {strides = array<i32>} : memref<1x4x40x128xf32, #tpu.memory_space<vmem>>, vector<1x1x40x128xf32>,
    %get3A_131 = arith.constant 0 : index
    %get3A_132 = arith.constant 0 : index
    %get3A_133 = arith.constant 0 : index
    %get3A_134 = vector.load %arg2[%get3A_131, %get3A_132, %get3A_133] : memref<1x5120x1xf32, #tpu.memory_space<vmem>>, vector<1x5120x1xf32>
    %get3A_135 = vector.shape_cast %get3A_134 : vector<1x5120x1xf32> to vector<5120x1xf32>
    %iota3A = tpu.iota {dimensions = array<i32: 0>} : vector<5120x1xi32>
    %scan3A = arith.constant 0 : i32
    %scan3A_136 = arith.constant 10 : i32
    %scan3A_137 = arith.addi %scan3A, %scan3A_136 : i32
    %scan3A_138 = arith.constant 1 : i32
    scf.for %scan3A_140 = %scan3A to %scan3A_137 step %scan3A_138  : i32 {
      %mul3A_141 = arith.constant 512 : i32
      %mul3A_142 = arith.muli %scan3A_140, %mul3A_141 : i32
      %get3A_143 = arith.constant 0 : index
      %get3A_144 = arith.constant 0 : index
      %get3A_145 = arith.index_cast %mul3A_142 : i32 to index
      %get3A_146 = vector.load %arg1[%get3A_143, %get3A_144, %get3A_145] : memref<1x1x5120xf32, #tpu.memory_space<vmem>>, vector<1x1x512xf32>
      %get3A_147 = vector.shape_cast %get3A_146 : vector<1x1x512xf32> to vector<1x512xf32>
      %iota3A_148 = tpu.iota {dimensions = array<i32: 1>} : vector<1x512xi32>
      %mul3A_149 = arith.constant 512 : i32
      %mul3A_150 = arith.muli %scan3A_140, %mul3A_149 : i32
      %add3A_151 = vector.broadcast %mul3A_150 : i32 to vector<1x512xi32>
      %add3A_152 = arith.addi %iota3A_148, %add3A_151 : vector<1x512xi32>
      %gt3A = vector.broadcast %get3A_135 : vector<5120x1xf32> to vector<5120x512xf32>
      %gt3A_153 = vector.broadcast %get3A_147 : vector<1x512xf32> to vector<5120x512xf32>
      %gt3A_154 = arith.cmpf ogt, %gt3A, %gt3A_153 : vector<5120x512xf32>
      %eq3A = vector.broadcast %get3A_135 : vector<5120x1xf32> to vector<5120x512xf32>
      %eq3A_155 = vector.broadcast %get3A_147 : vector<1x512xf32> to vector<5120x512xf32>
      %eq3A_156 = arith.cmpf oeq, %eq3A, %eq3A_155 : vector<5120x512xf32>
      %lt3A = vector.broadcast %iota3A : vector<5120x1xi32> to vector<5120x512xi32>
      %lt3A_157 = vector.broadcast %add3A_152 : vector<1x512xi32> to vector<5120x512xi32>
      %lt3A_158 = arith.cmpi slt, %lt3A, %lt3A_157 : vector<5120x512xi32>
      %and3A = arith.andi %eq3A_156, %lt3A_158 : vector<5120x512xi1>
      %or3A = arith.ori %gt3A_154, %and3A : vector<5120x512xi1>
      %convert_element_type3A = arith.extui %or3A : vector<5120x512xi1> to vector<5120x512xi32>
      %convert_element_type3A_159 = arith.sitofp %convert_element_type3A : vector<5120x512xi32> to vector<5120x512xf32>
      %reduce_sum3A = arith.constant dense<0.000000e+00> : vector<512xf32>
      %reduce_sum3A_160 = vector.multi_reduction <add>, %convert_element_type3A_159, %reduce_sum3A [0] : vector<5120x512xf32> to vector<512xf32>
      %broadcast_in_dim3A = vector.shape_cast %reduce_sum3A_160 : vector<512xf32> to vector<1x512xf32>
      %mul3A_161 = arith.constant 512 : i32
      %mul3A_162 = arith.muli %scan3A_140, %mul3A_161 : i32
      %swap3A_163 = arith.constant 0 : index
      %swap3A_164 = arith.constant 0 : index
      %swap3A_165 = arith.index_cast %mul3A_162 : i32 to index
      %swap3A_166 = vector.load %arg6[%swap3A_163, %swap3A_164, %swap3A_165] : memref<1x1x5120xf32, #tpu.memory_space<vmem>>, vector<1x1x512xf32>
      %swap3A_167 = vector.shape_cast %swap3A_166 : vector<1x1x512xf32> to vector<1x512xf32>
      %swap3A_168 = vector.shape_cast %broadcast_in_dim3A : vector<1x512xf32> to vector<1x1x512xf32>
      tpu.vector_store %arg6[%swap3A_163, %swap3A_164, %swap3A_165], %swap3A_168 {strides = array<i32>} : memref<1x1x5120xf32, #tpu.memory_space<vmem>>, vector<1x1x512xf32>,
    }
    %scan3A_139 = arith.constant 10 : i32
    return
  }
  func.func @transform_0(%arg0: i32) -> (i32, i32, i32) {
    %c0_i32 = arith.constant 0 : i32
    %c0_i32_0 = arith.constant 0 : i32
    %c0_i32_1 = arith.constant 0 : i32
    return %arg0, %c0_i32, %c0_i32_0 : i32, i32, i32
  }
  func.func @transform_1(%arg0: i32) -> (i32, i32, i32) {
    %c0_i32 = arith.constant 0 : i32
    %c0_i32_0 = arith.constant 0 : i32
    %c0_i32_1 = arith.constant 0 : i32
    return %arg0, %c0_i32, %c0_i32_0 : i32, i32, i32
  }
  func.func @transform_2(%arg0: i32) -> (i32, i32, i32, i32) {
    %c0_i32 = arith.constant 0 : i32
    %c0_i32_0 = arith.constant 0 : i32
    %c0_i32_1 = arith.constant 0 : i32
    %c0_i32_2 = arith.constant 0 : i32
    return %arg0, %c0_i32, %c0_i32_0, %c0_i32_1 : i32, i32, i32, i32
  }
  func.func @transform_3(%arg0: i32) -> (i32, i32, i32, i32) {
    %c0_i32 = arith.constant 0 : i32
    %c0_i32_0 = arith.constant 0 : i32
    %c0_i32_1 = arith.constant 0 : i32
    %c0_i32_2 = arith.constant 0 : i32
    return %arg0, %c0_i32, %c0_i32_0, %c0_i32_1 : i32, i32, i32, i32
  }
  func.func @transform_4(%arg0: i32) -> (i32, i32, i32, i32) {
    %c0_i32 = arith.constant 0 : i32
    %c0_i32_0 = arith.constant 0 : i32
    %c0_i32_1 = arith.constant 0 : i32
    %c0_i32_2 = arith.constant 0 : i32
    return %arg0, %c0_i32, %c0_i32_0, %c0_i32_1 : i32, i32, i32, i32
  }
  func.func @transform_5(%arg0: i32) -> (i32, i32, i32) {
    %c0_i32 = arith.constant 0 : i32
    %c0_i32_0 = arith.constant 0 : i32
    %c0_i32_1 = arith.constant 0 : i32
    return %arg0, %c0_i32, %c0_i32_0 : i32, i32, i32
  }
}

</mosaic_0001>

<sc_bundles>
// kernel: kernel.6.cloned.1.call-start
scs
__scs_entry_jumppad:
0x0: {  	(pc) =	sbr.rel $0x88, $3  }
0x1: {  	(tag) =	ssettag $0x0;
	lr =	simm.s32 $0x1  }
0x2: {  	[smem:$0x3F9E] =	sst lr;
	_ =	strace $0xD0000000  }
0x3: {  	_ = 	snop  }
0x4: {  	_ = 	snop  }
0x5: {  	_ = 	snop  }
0x6: {  	_ = 	snop  }
0x7: {  	_ = 	snop  }
__scs_overlays_trampoline_lowered:
0x8: {  	[smem:$0x3FAD] =	sst s0  }
0x9: {  	[smem:$0x3FAE] =	sst s1  }
0xa: {  	[smem:$0x3FAF] =	sst s2  }
0xb: {  	[smem:$0x3FB0] =	sst s3  }
0xc: {  	[smem:$0x3FB1] =	sst s4  }
0xd: {  	[smem:$0x3FB2] =	sst s5  }
0xe: {  	[smem:$0x3FB3] =	sst s6  }
0xf: {  	[smem:$0x3FB4] =	sst s7  }
0x10: {  	[smem:$0x3FB5] =	sst s8  }
0x11: {  	[smem:$0x3FB6] =	sst s9;
	s0 =	simm.s32 @!p0 $0x0  }
0x12: {  	s1 =	sld [smem:$0x3F9C];
	s0 =	simm.s32 @p0 $0x1  }
0x13: {  	[smem:$0x3FB7] =	sst s0;
	s0 =	simm.s32 @!p1 $0x0  }
0x14: {  	s2 =	sld [smem:$0x3F9B];
	s0 =	simm.s32 @p1 $0x1  }
0x15: {  	[smem:$0x3FB8] =	sst s0;
	s0 =	simm.s32 @!p2 $0x0  }
0x16: {  	s3 =	sld [smem:$0x3FDB];
	s0 =	simm.s32 @p2 $0x1  }
0x17: {  	s4 =	simm.s32 $0x1BF5;
	[smem:$0x3FBA] =	sst s0  }
0x18: {  	s0 =	sld [smem:$0x3F9D];
	_ =	swait.ge [sflag:s4], $0x0  }
0x19: {  	s7 =	sld [smem:$0x3F9E]  }
0x1a: {  	s8 =	sadd.s32 $0xFFFFE003, lr  }
0x1b: {  	s9 =	sadd.s32 $0xFFFFFEF7, lr;
	s5 =	simm.s32 $0xFFFFFFFF;
	p2 =	slt.u32 s8, $0xFFFFF086  }
0x1c: {  	p1 =	slt.u32 s9, $0xF7A;
	s5 =	simm.s32 @!p2 $0x0  }
0x1d: {  	s5 =	simm.s32 @p1 $0x1;
	p0 =	seq.s32 s7, s2  }
0x1e: {  	s7 =	smul.u32 @!p0 $0xF7A, s2;
	p2 =	seq.s32 @!p0 s5, $0x0  }
0x1f: {  	s9 =	smul.u32 $0xF7A, s1;
	s8 =	simm.s32 @!p0 $0x1BF5;
	p2 =	por !p2, p0  }
0x20: {  	[sflag:s8] =	ssyncset.s32 @!p0 $0xFFFFF086;
	s6 =	sadd.s32 @!p0 s3, s7;
	s7 =	simm.s32 @!p0 $0x108  }
0x21: {  	s3 =	sadd.s32 s3, s9;
	s6 =	sadd.s32 @!p0 $0x88, s6;
	s7 =	simm.s32 @p2 $0x1082  }
0x22: {  	[simem:s7], [sflag:s8] =	dma.local @!p0 [hbm:s6], $0xF7A  }
0x23: {  	s9 =	sor.u32 $0xD0000000, s2;
	s6 =	simm.s32 $0x108;
	_ =	swait.ge @!p0 [sflag:s8], $0x0  }
0x24: {  	s3 =	sadd.s32 $0x88, s3;
	s6 =	simm.s32 @!p1 $0x1082;
	[sflag:s4] =	ssyncset.s32 $0xFFFFF086  }
0x25: {  	[simem:s6], [sflag:s4] =	dma.local [hbm:s3], $0xF7A  }
0x26: {  	[smem:$0x3F9E] =	sst s1;
	(tag) =	ssettag s2;
	_ =	strace s9  }
0x27: {  	s1 =	sld [smem:$0x3FAE]  }
0x28: {  	s2 =	sld [smem:$0x3FAF]  }
0x29: {  	s4 =	sld [smem:$0x3FB1]  }
0x2a: {  	p0 =	seq.s32 s5, $0x0;
	s5 =	sld [smem:$0x3FB2]  }
0x2b: {  	s6 =	sld [smem:$0x3FB3]  }
0x2c: {  	s7 =	sld [smem:$0x3FB4]  }
0x2d: {  	s3 =	simm.s32 $0x108;
	s8 =	sld [smem:$0x3FB5]  }
0x2e: {  	s3 =	simm.s32 @!p0 $0x1082;
	s9 =	sld [smem:$0x3FB6]  }
0x2f: {  	lr =	sadd.s32 s0, s3;
	s0 =	sld [smem:$0x3FAD]  }
0x30: {  	s3 =	sld [smem:$0x3FB0]  }
0x31: {  	[smem:$0x3FB9] =	sst s10  }
0x32: {  	s10 =	sld [smem:$0x3FB7];
	_ =	sdelay $0x3  }
0x33: {  	p0 =	seq.s32 s10, $0x1;
	s10 =	sld [smem:$0x3FB9];
	_ =	sdelay $0x3  }
0x34: {  	[smem:$0x3FB9] =	sst s10  }
0x35: {  	s10 =	sld [smem:$0x3FB8];
	_ =	sdelay $0x3  }
0x36: {  	p1 =	seq.s32 s10, $0x1;
	s10 =	sld [smem:$0x3FB9];
	_ =	sdelay $0x3  }
0x37: {  	[smem:$0x3FB9] =	sst s10  }
0x38: {  	s10 =	sld [smem:$0x3FBA]  }
0x39: {  	_ = 	snop;
	(pc) =	sbr.ind lr, $3  }
0x3a: {  	_ = 	snop  }
0x3b: {  	_ = 	snop  }
0x3c: {  	p2 =	seq.s32 s10, $0x1;
	s10 =	sld [smem:$0x3FB9]  }
0x3d: {  	_ =	shalt  }
0x3e: {  	_ =	shalt  }
0x3f: {  	_ =	shalt  }
0x40: {  	_ =	shalt  }
0x41: {  	_ =	shalt  }
0x42: {  	_ =	shalt  }
0x43: {  	_ =	shalt  }
0x44: {  	_ =	shalt  }
0x45: {  	_ =	shalt  }
0x46: {  	_ =	shalt  }
0x47: {  	_ =	shalt  }
0x48: {  	_ =	shalt  }
0x49: {  	_ =	shalt  }
0x4a: {  	_ =	shalt  }
0x4b: {  	_ =	shalt  }
0x4c: {  	_ =	shalt  }
0x4d: {  	_ =	shalt  }
0x4e: {  	_ =	shalt  }
0x4f: {  	_ =	shalt  }
0x50: {  	_ =	shalt  }
0x51: {  	_ =	shalt  }
0x52: {  	_ =	shalt  }
0x53: {  	_ =	shalt  }
0x54: {  	_ =	shalt  }
0x55: {  	_ =	shalt  }
0x56: {  	_ =	shalt  }
0x57: {  	_ =	shalt  }
0x58: {  	_ =	shalt  }
0x59: {  	_ =	shalt  }
0x5a: {  	_ =	shalt  }
0x5b: {  	_ =	shalt  }
0x5c: {  	_ =	shalt  }
0x5d: {  	_ =	shalt  }
0x5e: {  	_ =	shalt  }
0x5f: {  	_ =	shalt  }
0x60: {  	_ =	shalt  }
0x61: {  	_ =	shalt  }
0x62: {  	_ =	shalt  }
0x63: {  	_ =	shalt  }
0x64: {  	_ =	shalt  }
0x65: {  	_ =	shalt  }
0x66: {  	_ =	shalt  }
0x67: {  	_ =	shalt  }
0x68: {  	_ =	shalt  }
0x69: {  	_ =	shalt  }
0x6a: {  	_ =	shalt  }
0x6b: {  	_ =	shalt  }
0x6c: {  	_ =	shalt  }
0x6d: {  	_ =	shalt  }
0x6e: {  	_ =	shalt  }
0x6f: {  	_ =	shalt  }
0x70: {  	_ =	shalt  }
0x71: {  	_ =	shalt  }
0x72: {  	_ =	shalt  }
0x73: {  	_ =	shalt  }
0x74: {  	_ =	shalt  }
0x75: {  	_ =	shalt  }
0x76: {  	_ =	shalt  }
0x77: {  	_ =	shalt  }
0x78: {  	_ =	shalt  }
0x79: {  	_ =	shalt  }
0x7a: {  	_ =	shalt  }
0x7b: {  	_ =	shalt  }
0x7c: {  	_ =	shalt  }
0x7d: {  	_ =	shalt  }
0x7e: {  	_ =	shalt  }
0x7f: {  	_ =	shalt  }
0x80: {  	_ =	shalt  }
0x81: {  	_ =	shalt  }
0x82: {  	_ =	shalt  }
0x83: {  	_ =	shalt  }
0x84: {  	_ =	shalt  }
0x85: {  	_ =	shalt  }
0x86: {  	_ =	shalt  }
0x87: {  	_ =	shalt  }
.Lfunc_end0:
.L_simem_size_0:
called_computation_lowered:
.L_overlay_start_0:
0x88: {  	s2 =	sld [smem:$0x3FD9]  }
0x89: {  	s3 =	sld [smem:$0x3FFE];
	_ =	sdelay $0x1  }
0x8a: {  	s1 =	srdreg.scid  }
0x8b: {  	s0 =	sand.u32 $0x1, s1  }
0x8c: {  	s17 =	sshll.u32 s0, $0xA;
	s2 =	sadd.s32 s3, s2  }
0x8d: {  	s2 =	sadd.s32 s2, s17  }
0x8e: {  	[smem:$0x3FC5] =	sst s2  }
0x8f: {  	_ = 	snop  }
0x90: {  	s2 =	sld [smem:$0x3FD0];
	(tm) =	ssettm $0x1  }
0x91: {  	s18 =	sld [smem:$0x3FFB];
	_ =	sdelay $0x3  }
0x92: {  	_ =	strace s18  }
0x93: {  	s3 =	sld [smem:$0x3FFC];
	_ =	sdelay $0x3  }
0x94: {  	_ =	strace s3  }
0x95: {  	s3 =	sld [smem:$0x3FFD];
	_ =	sdelay $0x3  }
0x96: {  	_ =	strace s3  }
0x97: {  	_ =	strace $0x8FFFFFFF  }
0x98: {  	s19 =	sld [smem:$0x3FDB];
	_ =	sdelay $0x1  }
0x99: {  	s4 =	simm.s32 $_scs_section_size  }
0x9a: {  	s5 =	simm.s32 $_size__tile_overlayer_lowered;
	s6 =	simm.s32 $_tile_overlayer_lowered  }
0x9b: {  	s22 =	simm.s32 $0x1BFF;
	s21 =	sshll.u32 s6, $0x1;
	s3 =	sadd.s32 s4, s19  }
0x9c: {  	s7 =	simm.s32 $0x0;
	s20 =	sshll.u32 s5, $0x1;
	s5 =	sadd.s32 s21, s3  }
0x9d: {  	[timem:s7], [sflag:s22] =	dma.local [hbm:s5], s20  }
0x9e: {  	_ =	swait.ge [sflag:s22], s20  }
0x9f: {  	s4 =	ssub.s32 $0x0, s20;
	[sflag:s22] =	ssyncset.done $0x0  }
0xa0: {  	[sflag:s22] =	ssyncadd.s32 s4;
	_ =	sdelay $0x1  }
0xa1: {  	s23 =	simm.s32 $0x1B8B  }
0xa2: {  	_ =	swait.ge [sflag:s23], $0x1  }
0xa3: {  	[sflag:s23] =	ssyncset.done $0x0  }
0xa4: {  	s25 =	simm.s32 $0x1B8E;
	s24 =	sld [smem:$0x3FFE];
	[sflag:s23] =	ssyncadd.s32 $0xFFFFFFFF  }
0xa5: {  	s26 =	simm.s32 $execute0_lowered;
	[smem:$0x3FD2] =	sst s25  }
0xa6: {  	s5 =	sshll.u32 s26, $0x1;
	_ =	strace $0x80000046;
	[dreg:$0x1] =	wrdreg $0xFFFFFFFF  }
0xa7: {  	s28 =	simm.s32 $_size_execute0_lowered;
	s3 =	sadd.s32 s3, s5;
	[dreg:$0x0] =	wrdreg $0x0  }
0xa8: {  	s5 =	sshll.u32 s28, $0x1;
	[dreg:$0x2] =	wrdreg s3  }
0xa9: {  	[dreg:$0x3] =	wrdreg s5  }
0xaa: {  	[dreg:$0x4] =	wrdreg $0xC0  }
0xab: {  	_ =	task [dreg:s7], $0x5FFFF  }
0xac: {  	[dreg:$0x1] =	wrdreg $0xFFFFFFFF  }
0xad: {  	[dreg:$0x0] =	wrdreg $0x60  }
0xae: {  	[dreg:$0x2] =	wrdreg s2  }
0xaf: {  	[dreg:$0x3] =	wrdreg s24  }
0xb0: {  	[dreg:$0x4] =	wrdreg $0x9  }
0xb1: {  	_ =	task.clear_ibuf [dreg:s7], $0x5FFFF;
	_ =	strace $0x90000046  }
0xb2: {  	s29 =	simm.s32 $0x9;
	_ =	strace $0x80000048  }
0xb3: {  	_ =	swait.ge [sflag:s29], $0x1  }
0xb4: {  	[sflag:s29] =	ssyncadd.s32 $0xFFFFFFFF  }
0xb5: {  	_ =	strace $0x90000048  }
0xb6: {  	_ =	sfence  }
0xb7: {  	s30 =	sld [smem:$0x0];
	_ =	sdelay $0x2  }
0xb8: {  	s31 =	sshll.u32 s1, $0xD;
	s1 =	sshrl.u32 s1, $0x2  }
0xb9: {  	s3 =	sand.u32 $0x4000, s31;
	s1 =	sadd.s32 s1, s30  }
0xba: {  	s0 =	sor.u32 s3, s0;
	s1 =	sshll.u32 s1, $0x11  }
0xbb: {  	s0 =	sor.u32 s1, s0  }
0xbc: {  	s0 =	sadd.s32 $0x8F2B, s0  }
0xbd: {  	[sflag:s0] =	ssyncadd.remote.s32 $0x1  }
0xbe: {  	_ =	sfence.sel $0xFFFF  }
0xbf: {  	[dreg:$0x0] =	wrdreg $0xFFFFFFFF;
	(pc) =	sbr.abs _section_cstart, $3  }
0xc0: {  	[dreg:$0x1] =	wrdreg $0xFFFFFFFF  }
0xc1: {  	_ =	task.clear_ibuf [dreg:s7], $0x2FFFF;
	_ =	strace $0x9FFFFFFF  }
0xc2: {  	(tm) =	ssettm $0x7FFFFFFF  }
0xc3: {  	_ =	shalt  }
tec
execute0_lowered:
.L_overlay_start_1:
0x0: {  	(tag) =	ssettag $0x1  }
0x1: {  	s2 =	rddreg [dreg:$0x0];
	s1 =	srdreg.scid  }
0x2: {  	s0 =	stileid.u32;
	s10 =	rddreg [dreg:$0x1]  }
0x3: {  	s3 =	simm.s32 $0x0;
	s16 =	simm.s32 $0x1;
	s17 =	simm.s32 $0x1400  }
0x4: {  	s18 =	simm.s32 $0x6400;
	s19 =	simm.s32 $0x64A0;
	s22 =	simm.s32 $0x0  }
0x5: {  	s4 =	sand.u32 $0x1, s1;
	s5 =	sshll.u32 s0, $0x1;
	s1 =	rddreg [dreg:$0x2]  }
0x6: {  	[smem:$0x7FF] =	sst s3;
	s5 =	sor.u32 s4, s5;
	s31 =	ssub.s32 $0x2, s4  }
0x7: {  	s9 =	sadd.s32 $0x280, s2;
	s20 =	smul.u32 $0xA0, s5;
	s7 =	sshrl.u32 s31, $0x1  }
0x8: {  	_ =	strace $0x80000047;
	s4 =	sadd.s32 $0x1000, s10;
	s15 =	ssub.s32 s31, s7  }
0x9: {  	s6 =	sshrl.u32 s20, $0x3;
	s21 =	sadd.s32 $0xA0, s20;
	s15 =	smax.u32 s15, $0x1  }
0xa: {  	v0 =	vmov s20;
	s20 =	simm.s32 $0x6540;
	s14 =	sadd.s32 s6, s10;
	s10 =	sadd.s32 $0x1A00, s10  }
0xb: {  	v1 =	vmov s21;
	s21 =	simm.s32 $0x65E0;
	s5 =	sadd.s32 $0x2400, s14;
	s6 =	sadd.s32 $0x2680, s14  }
0xc: {  	s7 =	sadd.s32 $0x2900, s14;
	s8 =	sadd.s32 $0x2B80, s14;
	s11 =	sadd.s32 $0x2E00, s14  }
0xd: {  	s12 =	sadd.s32 $0x3080, s14;
	s13 =	sadd.s32 $0x3300, s14;
	s14 =	sadd.s32 $0x3580, s14  }
.LBB2_1:
0xe: {  	[tilespmem:s3], [sflag:$0x1] =	stream.linear.gather [hbm4b:s2+s3], $0x1400, $0x38;
	[tilespmem:$0x6680] =	vst v63  }
0xf: {  	_ =	swait.ge [sflag:s16], $0x1400  }
0x10: {  	[sflag:s16] =	ssyncset.done $0x0  }
0x11: {  	[sflag:s16] =	ssyncadd.s32 $0xFFFFEC00  }
0x12: {  	[tilespmem:s17], [sflag:$0x1] =	stream.linear.gather [hbm4b:s4+s3], $0x5000, $0x38;
	[tilespmem:$0x6680] =	vst v63  }
0x13: {  	_ =	swait.ge [sflag:s16], $0x5000  }
0x14: {  	[sflag:s16] =	ssyncset.done $0x0  }
0x15: {  	s23 =	simm.s32 $0x0;
	s24 =	simm.s32 $0x40;
	[sflag:s16] =	ssyncadd.s32 $0xFFFFB000  }
.LBB2_2:
0x16: {  	p0 =	sne.s32 s24, $0x4FC0;
	v2 =	vld [tilespmem:s23+$0x0]  }
0x17: {  	v3 =	vld [tilespmem:s23+$0x1400];
	_ =	sdelay $0x3  }
0x18: {  	vm0 =	vge.s32 v2, v0;
	vm1 =	vlt.s32 v2, v1;
	v4 =	vsub.s32 v2, v0  }
0x19: {  	v2 =	vand.u32 $0x7, v2;
	vm0 =	vmand vm0, vm1;
	v4 =	vand.u32 $0xFFFFFFF8, v4  }
0x1a: {  	v2 =	vor.u32 v2, v4;
	_ =	sdelay $0x4  }
0x1b: {  	[tilespmem:v2+s18+$0x0] =	vst.idx.msk vm0, v3  }
0x1c: {  	v4 =	vadd.s32 $0xA0, v2;
	v3 =	vld [tilespmem:s23+$0x2800];
	_ =	sdelay $0x4  }
0x1d: {  	[tilespmem:v4+s18+$0x0] =	vst.idx.msk vm0, v3  }
0x1e: {  	v4 =	vadd.s32 $0x140, v2;
	v3 =	vld [tilespmem:s23+$0x3C00];
	_ =	sdelay $0x4  }
0x1f: {  	[tilespmem:v4+s18+$0x0] =	vst.idx.msk vm0, v3  }
0x20: {  	v2 =	vadd.s32 $0x1E0, v2;
	v3 =	vld [tilespmem:s23+$0x5000]  }
.Ltmp0:
0x21: {  	(pc) =	sbr.rel @p0 .LBB2_2-.Ltmp0, $2  }
0x22: {  	_ =	sdelay $0x2  }
0x23: {  	s23 =	sshra.s32 s24, $0x2;
	s24 =	sadd.s32 $0x40, s24;
	[tilespmem:v2+s18+$0x0] =	vst.idx.msk vm0, v3  }
0x24: {  	v2 =	vld [tilespmem:s23+$0x0];
	_ =	sdelay $0x4  }
0x25: {  	vm0 =	vge.s32 v2, v0;
	vm1 =	vlt.s32 v2, v1;
	v3 =	vsub.s32 v2, v0  }
0x26: {  	v2 =	vand.u32 $0x7, v2;
	vm0 =	vmand vm0, vm1;
	v3 =	vand.u32 $0xFFFFFFF8, v3  }
0x27: {  	v4 =	vld [tilespmem:s23+$0x1400];
	v2 =	vor.u32 v2, v3;
	_ =	sdelay $0x4  }
0x28: {  	[tilespmem:v2+s18+$0x0] =	vst.idx.msk vm0, v4  }
0x29: {  	v62 =	vadd.s32 $0xA0, v2;
	v3 =	vld [tilespmem:s23+$0x2800];
	_ =	sdelay $0x4  }
0x2a: {  	[tilespmem:v62+s18+$0x0] =	vst.idx.msk vm0, v3  }
0x2b: {  	v63 =	vadd.s32 $0x140, v2;
	v3 =	vld [tilespmem:s23+$0x3C00];
	_ =	sdelay $0x4  }
0x2c: {  	[tilespmem:v63+s18+$0x0] =	vst.idx.msk vm0, v3  }
0x2d: {  	v2 =	vadd.s32 $0x1E0, v2;
	v3 =	vld [tilespmem:s23+$0x5000];
	_ =	sdelay $0x4  }
0x2e: {  	s31 =	simm.s32 $0x0;
	[tilespmem:v2+s18+$0x0] =	vst.idx.msk vm0, v3  }
0x2f: {  	[hbm4b:s5+s31] =	stream.linear.scatter [tilespmem:s18], [sflag:$0x1], $0xA0, $0x38;
	[tilespmem:$0x6680] =	vst v63  }
0x30: {  	_ =	swait.ge [sflag:s16], $0xA0  }
0x31: {  	[sflag:s16] =	ssyncset.done $0x0  }
0x32: {  	[sflag:s16] =	ssyncadd.s32 $0xFFFFFF60  }
0x33: {  	[hbm4b:s6+s31] =	stream.linear.scatter [tilespmem:s19], [sflag:$0x1], $0xA0, $0x38;
	[tilespmem:$0x6680] =	vst v63  }
0x34: {  	_ =	swait.ge [sflag:s16], $0xA0  }
0x35: {  	[sflag:s16] =	ssyncset.done $0x0  }
0x36: {  	[sflag:s16] =	ssyncadd.s32 $0xFFFFFF60  }
0x37: {  	[hbm4b:s7+s31] =	stream.linear.scatter [tilespmem:s20], [sflag:$0x1], $0xA0, $0x38;
	[tilespmem:$0x6680] =	vst v63  }
0x38: {  	_ =	swait.ge [sflag:s16], $0xA0  }
0x39: {  	[sflag:s16] =	ssyncset.done $0x0  }
0x3a: {  	[sflag:s16] =	ssyncadd.s32 $0xFFFFFF60  }
0x3b: {  	[hbm4b:s8+s31] =	stream.linear.scatter [tilespmem:s21], [sflag:$0x1], $0xA0, $0x38;
	[tilespmem:$0x6680] =	vst v63  }
0x3c: {  	_ =	swait.ge [sflag:s16], $0xA0  }
0x3d: {  	[sflag:s16] =	ssyncset.done $0x0  }
0x3e: {  	[sflag:s16] =	ssyncadd.s32 $0xFFFFFF60  }
0x3f: {  	[tilespmem:s31], [sflag:$0x1] =	stream.linear.gather [hbm4b:s9+s31], $0x1400, $0x38;
	[tilespmem:$0x6680] =	vst v63  }
0x40: {  	_ =	swait.ge [sflag:s16], $0x1400  }
0x41: {  	[sflag:s16] =	ssyncset.done $0x0  }
0x42: {  	[sflag:s16] =	ssyncadd.s32 $0xFFFFEC00  }
0x43: {  	[tilespmem:s17], [sflag:$0x1] =	stream.linear.gather [hbm4b:s10+s31], $0x5000, $0x38;
	[tilespmem:$0x6680] =	vst v63  }
0x44: {  	_ =	swait.ge [sflag:s16], $0x5000  }
0x45: {  	[sflag:s16] =	ssyncset.done $0x0  }
0x46: {  	s24 =	simm.s32 $0x40;
	s23 =	simm.s32 $0x0;
	[sflag:s16] =	ssyncadd.s32 $0xFFFFB000  }
.LBB2_4:
0x47: {  	p0 =	sne.s32 s24, $0x4FC0;
	v2 =	vld [tilespmem:s23+$0x0]  }
0x48: {  	v3 =	vld [tilespmem:s23+$0x1400];
	_ =	sdelay $0x3  }
0x49: {  	vm0 =	vge.s32 v2, v0;
	vm1 =	vlt.s32 v2, v1;
	v4 =	vsub.s32 v2, v0  }
0x4a: {  	v2 =	vand.u32 $0x7, v2;
	vm0 =	vmand vm0, vm1;
	v4 =	vand.u32 $0xFFFFFFF8, v4  }
0x4b: {  	v2 =	vor.u32 v2, v4;
	_ =	sdelay $0x4  }
0x4c: {  	[tilespmem:v2+s18+$0x0] =	vst.idx.msk vm0, v3  }
0x4d: {  	v4 =	vadd.s32 $0xA0, v2;
	v3 =	vld [tilespmem:s23+$0x2800];
	_ =	sdelay $0x4  }
0x4e: {  	[tilespmem:v4+s18+$0x0] =	vst.idx.msk vm0, v3  }
0x4f: {  	v4 =	vadd.s32 $0x140, v2;
	v3 =	vld [tilespmem:s23+$0x3C00];
	_ =	sdelay $0x4  }
0x50: {  	[tilespmem:v4+s18+$0x0] =	vst.idx.msk vm0, v3  }
0x51: {  	v2 =	vadd.s32 $0x1E0, v2;
	v3 =	vld [tilespmem:s23+$0x5000]  }
.Ltmp1:
0x52: {  	(pc) =	sbr.rel @p0 .LBB2_4-.Ltmp1, $2  }
0x53: {  	_ =	sdelay $0x2  }
0x54: {  	s23 =	sshra.s32 s24, $0x2;
	s24 =	sadd.s32 $0x40, s24;
	[tilespmem:v2+s18+$0x0] =	vst.idx.msk vm0, v3  }
0x55: {  	v2 =	vld [tilespmem:s23+$0x0];
	_ =	sdelay $0x4  }
0x56: {  	vm0 =	vge.s32 v2, v0;
	vm1 =	vlt.s32 v2, v1;
	v3 =	vsub.s32 v2, v0  }
0x57: {  	v2 =	vand.u32 $0x7, v2;
	vm0 =	vmand vm0, vm1;
	v3 =	vand.u32 $0xFFFFFFF8, v3  }
0x58: {  	v4 =	vld [tilespmem:s23+$0x1400];
	v2 =	vor.u32 v2, v3;
	_ =	sdelay $0x4  }
0x59: {  	[tilespmem:v2+s18+$0x0] =	vst.idx.msk vm0, v4  }
0x5a: {  	v62 =	vadd.s32 $0xA0, v2;
	v3 =	vld [tilespmem:s23+$0x2800];
	_ =	sdelay $0x4  }
0x5b: {  	[tilespmem:v62+s18+$0x0] =	vst.idx.msk vm0, v3  }
0x5c: {  	v63 =	vadd.s32 $0x140, v2;
	v3 =	vld [tilespmem:s23+$0x3C00];
	_ =	sdelay $0x4  }
0x5d: {  	[tilespmem:v63+s18+$0x0] =	vst.idx.msk vm0, v3  }
0x5e: {  	v2 =	vadd.s32 $0x1E0, v2;
	v3 =	vld [tilespmem:s23+$0x5000];
	_ =	sdelay $0x4  }
0x5f: {  	[tilespmem:v2+s18+$0x0] =	vst.idx.msk vm0, v3  }
0x60: {  	[hbm4b:s11+s3] =	stream.linear.scatter [tilespmem:s18], [sflag:$0x1], $0xA0, $0x38;
	[tilespmem:$0x6680] =	vst v63  }
0x61: {  	_ =	swait.ge [sflag:s16], $0xA0  }
0x62: {  	[sflag:s16] =	ssyncset.done $0x0  }
0x63: {  	[sflag:s16] =	ssyncadd.s32 $0xFFFFFF60  }
0x64: {  	[hbm4b:s12+s3] =	stream.linear.scatter [tilespmem:s19], [sflag:$0x1], $0xA0, $0x38;
	[tilespmem:$0x6680] =	vst v63  }
0x65: {  	_ =	swait.ge [sflag:s16], $0xA0  }
0x66: {  	[sflag:s16] =	ssyncset.done $0x0  }
0x67: {  	[sflag:s16] =	ssyncadd.s32 $0xFFFFFF60  }
0x68: {  	[hbm4b:s13+s3] =	stream.linear.scatter [tilespmem:s20], [sflag:$0x1], $0xA0, $0x38;
	[tilespmem:$0x6680] =	vst v63  }
0x69: {  	s22 =	sadd.s32 $0x1, s22;
	_ =	swait.ge [sflag:s16], $0xA0  }
0x6a: {  	p0 =	sne.s32 s22, s15;
	[sflag:s16] =	ssyncset.done $0x0  }
.Ltmp2:
0x6b: {  	[sflag:s16] =	ssyncadd.s32 $0xFFFFFF60;
	(pc) =	sbr.rel @p0 .LBB2_1-.Ltmp2, $4  }
0x6c: {  	[hbm4b:s14+s3] =	stream.linear.scatter [tilespmem:s21], [sflag:$0x1], $0xA0, $0x38;
	[tilespmem:$0x6680] =	vst v63  }
0x6d: {  	_ =	swait.ge [sflag:s16], $0xA0  }
0x6e: {  	[sflag:s16] =	ssyncset.done $0x0  }
0x6f: {  	[sflag:s16] =	ssyncadd.s32 $0xFFFFFF60  }
0x70: {  	_ =	sfence.sel $0x180000  }
0x71: {  	[bflag:$0x0] =	sbarrier.arrive $0xFFFF  }
0x72: {  	p0 =	sne.s32 s0, $0x0;
	_ =	strace $0x90000047  }
0x73: {  	s0 =	sadd.s32 @!p0 $0x100000, s1;
	[bflag:$0x2] =	sbarrier.arrive $0xFFFF  }
0x74: {  	[sflag:s0] =	ssyncadd.tile.s32 @!p0 $0x1;
	_ =	shalt  }
.Lfunc_end2:
_tile_overlayer_lowered:
.L_overlay_start_2:
0x75: {  	(tag) =	ssettag $0x2  }
0x76: {  	s0 =	rddreg [dreg:$0x0];
	s2 =	stileid.u32  }
0x77: {  	s1 =	rddreg [dreg:$0x1];
	p0 =	sne.s32 s2, $0x0  }
0x78: {  	s3 =	rddreg [dreg:$0x2];
	[bflag:$0x3] =	sbarrier.arrive $0xFFFF;
	s2 =	simm.s32 @!p0 $0x1C01  }
0x79: {  	[timem:s3], [sflag:s2] =	dma.local @!p0 [hbm:s0], s1  }
0x7a: {  	s0 =	simm.s32 @!p0 $0x1  }
0x7b: {  	_ =	swait.ge @!p0 [sflag:s0], s1  }
0x7c: {  	s1 =	ssub.s32 @!p0 $0x0, s1;
	[sflag:s0] =	ssyncset.done @!p0 $0x0  }
0x7d: {  	[sflag:s0] =	ssyncadd.s32 @!p0 s1  }
0x7e: {  	[bflag:$0x3] =	sbarrier.arrive $0xFFFF  }
0x7f: {  	_ =	shalt  }

// kernel: kernel.9.cloned.1.call-start
scs
__scs_entry_jumppad:
0x0: {  	(pc) =	sbr.rel $0x88, $3  }
0x1: {  	(tag) =	ssettag $0x0;
	lr =	simm.s32 $0x1  }
0x2: {  	[smem:$0x3F9E] =	sst lr;
	_ =	strace $0xD0000000  }
0x3: {  	_ = 	snop  }
0x4: {  	_ = 	snop  }
0x5: {  	_ = 	snop  }
0x6: {  	_ = 	snop  }
0x7: {  	_ = 	snop  }
__scs_overlays_trampoline_lowered:
0x8: {  	[smem:$0x3FAD] =	sst s0  }
0x9: {  	[smem:$0x3FAE] =	sst s1  }
0xa: {  	[smem:$0x3FAF] =	sst s2  }
0xb: {  	[smem:$0x3FB0] =	sst s3  }
0xc: {  	[smem:$0x3FB1] =	sst s4  }
0xd: {  	[smem:$0x3FB2] =	sst s5  }
0xe: {  	[smem:$0x3FB3] =	sst s6  }
0xf: {  	[smem:$0x3FB4] =	sst s7  }
0x10: {  	[smem:$0x3FB5] =	sst s8  }
0x11: {  	[smem:$0x3FB6] =	sst s9;
	s0 =	simm.s32 @!p0 $0x0  }
0x12: {  	s1 =	sld [smem:$0x3F9C];
	s0 =	simm.s32 @p0 $0x1  }
0x13: {  	[smem:$0x3FB7] =	sst s0;
	s0 =	simm.s32 @!p1 $0x0  }
0x14: {  	s2 =	sld [smem:$0x3F9B];
	s0 =	simm.s32 @p1 $0x1  }
0x15: {  	[smem:$0x3FB8] =	sst s0;
	s0 =	simm.s32 @!p2 $0x0  }
0x16: {  	s3 =	sld [smem:$0x3FDB];
	s0 =	simm.s32 @p2 $0x1  }
0x17: {  	s4 =	simm.s32 $0x1BF5;
	[smem:$0x3FBA] =	sst s0  }
0x18: {  	s0 =	sld [smem:$0x3F9D];
	_ =	swait.ge [sflag:s4], $0x0  }
0x19: {  	s7 =	sld [smem:$0x3F9E]  }
0x1a: {  	s8 =	sadd.s32 $0xFFFFE003, lr  }
0x1b: {  	s9 =	sadd.s32 $0xFFFFFEF7, lr;
	s5 =	simm.s32 $0xFFFFFFFF;
	p2 =	slt.u32 s8, $0xFFFFF086  }
0x1c: {  	p1 =	slt.u32 s9, $0xF7A;
	s5 =	simm.s32 @!p2 $0x0  }
0x1d: {  	s5 =	simm.s32 @p1 $0x1;
	p0 =	seq.s32 s7, s2  }
0x1e: {  	s7 =	smul.u32 @!p0 $0xF7A, s2;
	p2 =	seq.s32 @!p0 s5, $0x0  }
0x1f: {  	s9 =	smul.u32 $0xF7A, s1;
	s8 =	simm.s32 @!p0 $0x1BF5;
	p2 =	por !p2, p0  }
0x20: {  	[sflag:s8] =	ssyncset.s32 @!p0 $0xFFFFF086;
	s6 =	sadd.s32 @!p0 s3, s7;
	s7 =	simm.s32 @!p0 $0x108  }
0x21: {  	s3 =	sadd.s32 s3, s9;
	s6 =	sadd.s32 @!p0 $0x88, s6;
	s7 =	simm.s32 @p2 $0x1082  }
0x22: {  	[simem:s7], [sflag:s8] =	dma.local @!p0 [hbm:s6], $0xF7A  }
0x23: {  	s9 =	sor.u32 $0xD0000000, s2;
	s6 =	simm.s32 $0x108;
	_ =	swait.ge @!p0 [sflag:s8], $0x0  }
0x24: {  	s3 =	sadd.s32 $0x88, s3;
	s6 =	simm.s32 @!p1 $0x1082;
	[sflag:s4] =	ssyncset.s32 $0xFFFFF086  }
0x25: {  	[simem:s6], [sflag:s4] =	dma.local [hbm:s3], $0xF7A  }
0x26: {  	[smem:$0x3F9E] =	sst s1;
	(tag) =	ssettag s2;
	_ =	strace s9  }
0x27: {  	s1 =	sld [smem:$0x3FAE]  }
0x28: {  	s2 =	sld [smem:$0x3FAF]  }
0x29: {  	s4 =	sld [smem:$0x3FB1]  }
0x2a: {  	p0 =	seq.s32 s5, $0x0;
	s5 =	sld [smem:$0x3FB2]  }
0x2b: {  	s6 =	sld [smem:$0x3FB3]  }
0x2c: {  	s7 =	sld [smem:$0x3FB4]  }
0x2d: {  	s3 =	simm.s32 $0x108;
	s8 =	sld [smem:$0x3FB5]  }
0x2e: {  	s3 =	simm.s32 @!p0 $0x1082;
	s9 =	sld [smem:$0x3FB6]  }
0x2f: {  	lr =	sadd.s32 s0, s3;
	s0 =	sld [smem:$0x3FAD]  }
0x30: {  	s3 =	sld [smem:$0x3FB0]  }
0x31: {  	[smem:$0x3FB9] =	sst s10  }
0x32: {  	s10 =	sld [smem:$0x3FB7];
	_ =	sdelay $0x3  }
0x33: {  	p0 =	seq.s32 s10, $0x1;
	s10 =	sld [smem:$0x3FB9];
	_ =	sdelay $0x3  }
0x34: {  	[smem:$0x3FB9] =	sst s10  }
0x35: {  	s10 =	sld [smem:$0x3FB8];
	_ =	sdelay $0x3  }
0x36: {  	p1 =	seq.s32 s10, $0x1;
	s10 =	sld [smem:$0x3FB9];
	_ =	sdelay $0x3  }
0x37: {  	[smem:$0x3FB9] =	sst s10  }
0x38: {  	s10 =	sld [smem:$0x3FBA]  }
0x39: {  	_ = 	snop;
	(pc) =	sbr.ind lr, $3  }
0x3a: {  	_ = 	snop  }
0x3b: {  	_ = 	snop  }
0x3c: {  	p2 =	seq.s32 s10, $0x1;
	s10 =	sld [smem:$0x3FB9]  }
0x3d: {  	_ =	shalt  }
0x3e: {  	_ =	shalt  }
0x3f: {  	_ =	shalt  }
0x40: {  	_ =	shalt  }
0x41: {  	_ =	shalt  }
0x42: {  	_ =	shalt  }
0x43: {  	_ =	shalt  }
0x44: {  	_ =	shalt  }
0x45: {  	_ =	shalt  }
0x46: {  	_ =	shalt  }
0x47: {  	_ =	shalt  }
0x48: {  	_ =	shalt  }
0x49: {  	_ =	shalt  }
0x4a: {  	_ =	shalt  }
0x4b: {  	_ =	shalt  }
0x4c: {  	_ =	shalt  }
0x4d: {  	_ =	shalt  }
0x4e: {  	_ =	shalt  }
0x4f: {  	_ =	shalt  }
0x50: {  	_ =	shalt  }
0x51: {  	_ =	shalt  }
0x52: {  	_ =	shalt  }
0x53: {  	_ =	shalt  }
0x54: {  	_ =	shalt  }
0x55: {  	_ =	shalt  }
0x56: {  	_ =	shalt  }
0x57: {  	_ =	shalt  }
0x58: {  	_ =	shalt  }
0x59: {  	_ =	shalt  }
0x5a: {  	_ =	shalt  }
0x5b: {  	_ =	shalt  }
0x5c: {  	_ =	shalt  }
0x5d: {  	_ =	shalt  }
0x5e: {  	_ =	shalt  }
0x5f: {  	_ =	shalt  }
0x60: {  	_ =	shalt  }
0x61: {  	_ =	shalt  }
0x62: {  	_ =	shalt  }
0x63: {  	_ =	shalt  }
0x64: {  	_ =	shalt  }
0x65: {  	_ =	shalt  }
0x66: {  	_ =	shalt  }
0x67: {  	_ =	shalt  }
0x68: {  	_ =	shalt  }
0x69: {  	_ =	shalt  }
0x6a: {  	_ =	shalt  }
0x6b: {  	_ =	shalt  }
0x6c: {  	_ =	shalt  }
0x6d: {  	_ =	shalt  }
0x6e: {  	_ =	shalt  }
0x6f: {  	_ =	shalt  }
0x70: {  	_ =	shalt  }
0x71: {  	_ =	shalt  }
0x72: {  	_ =	shalt  }
0x73: {  	_ =	shalt  }
0x74: {  	_ =	shalt  }
0x75: {  	_ =	shalt  }
0x76: {  	_ =	shalt  }
0x77: {  	_ =	shalt  }
0x78: {  	_ =	shalt  }
0x79: {  	_ =	shalt  }
0x7a: {  	_ =	shalt  }
0x7b: {  	_ =	shalt  }
0x7c: {  	_ =	shalt  }
0x7d: {  	_ =	shalt  }
0x7e: {  	_ =	shalt  }
0x7f: {  	_ =	shalt  }
0x80: {  	_ =	shalt  }
0x81: {  	_ =	shalt  }
0x82: {  	_ =	shalt  }
0x83: {  	_ =	shalt  }
0x84: {  	_ =	shalt  }
0x85: {  	_ =	shalt  }
0x86: {  	_ =	shalt  }
0x87: {  	_ =	shalt  }
.Lfunc_end0:
.L_simem_size_0:
called_computation.1_lowered:
.L_overlay_start_0:
0x88: {  	s2 =	sld [smem:$0x3FD9]  }
0x89: {  	s3 =	sld [smem:$0x3FFE];
	_ =	sdelay $0x1  }
0x8a: {  	s1 =	srdreg.scid  }
0x8b: {  	s0 =	sand.u32 $0x1, s1  }
0x8c: {  	s17 =	sshll.u32 s0, $0xA;
	s2 =	sadd.s32 s3, s2  }
0x8d: {  	s2 =	sadd.s32 s2, s17  }
0x8e: {  	[smem:$0x3FC5] =	sst s2  }
0x8f: {  	_ = 	snop  }
0x90: {  	s2 =	sld [smem:$0x3FD0];
	(tm) =	ssettm $0x1  }
0x91: {  	s18 =	sld [smem:$0x3FFB];
	_ =	sdelay $0x3  }
0x92: {  	_ =	strace s18  }
0x93: {  	s3 =	sld [smem:$0x3FFC];
	_ =	sdelay $0x3  }
0x94: {  	_ =	strace s3  }
0x95: {  	s3 =	sld [smem:$0x3FFD];
	_ =	sdelay $0x3  }
0x96: {  	_ =	strace s3  }
0x97: {  	_ =	strace $0x8FFFFFFF  }
0x98: {  	s19 =	sld [smem:$0x3FDB];
	_ =	sdelay $0x1  }
0x99: {  	s4 =	simm.s32 $_scs_section_size  }
0x9a: {  	s5 =	simm.s32 $_size__tile_overlayer_lowered;
	s6 =	simm.s32 $_tile_overlayer_lowered  }
0x9b: {  	s22 =	simm.s32 $0x1BFF;
	s21 =	sshll.u32 s6, $0x1;
	s3 =	sadd.s32 s4, s19  }
0x9c: {  	s7 =	simm.s32 $0x0;
	s20 =	sshll.u32 s5, $0x1;
	s5 =	sadd.s32 s21, s3  }
0x9d: {  	[timem:s7], [sflag:s22] =	dma.local [hbm:s5], s20  }
0x9e: {  	_ =	swait.ge [sflag:s22], s20  }
0x9f: {  	s4 =	ssub.s32 $0x0, s20;
	[sflag:s22] =	ssyncset.done $0x0  }
0xa0: {  	[sflag:s22] =	ssyncadd.s32 s4;
	_ =	sdelay $0x1  }
0xa1: {  	s23 =	simm.s32 $0x1B8B  }
0xa2: {  	_ =	swait.ge [sflag:s23], $0x1  }
0xa3: {  	[sflag:s23] =	ssyncset.done $0x0  }
0xa4: {  	s25 =	simm.s32 $0x1B8E;
	s24 =	sld [smem:$0x3FFE];
	[sflag:s23] =	ssyncadd.s32 $0xFFFFFFFF  }
0xa5: {  	s26 =	simm.s32 $execute0_lowered;
	[smem:$0x3FD2] =	sst s25  }
0xa6: {  	s5 =	sshll.u32 s26, $0x1;
	_ =	strace $0x80000049;
	[dreg:$0x1] =	wrdreg $0xFFFFFFFF  }
0xa7: {  	s28 =	simm.s32 $_size_execute0_lowered;
	s3 =	sadd.s32 s3, s5;
	[dreg:$0x0] =	wrdreg $0x0  }
0xa8: {  	s5 =	sshll.u32 s28, $0x1;
	[dreg:$0x2] =	wrdreg s3  }
0xa9: {  	[dreg:$0x3] =	wrdreg s5  }
0xaa: {  	[dreg:$0x4] =	wrdreg $0xC0  }
0xab: {  	_ =	task [dreg:s7], $0x5FFFF  }
0xac: {  	[dreg:$0x1] =	wrdreg $0xFFFFFFFF  }
0xad: {  	[dreg:$0x0] =	wrdreg $0x60  }
0xae: {  	[dreg:$0x2] =	wrdreg s24  }
0xaf: {  	[dreg:$0x3] =	wrdreg s2  }
0xb0: {  	[dreg:$0x4] =	wrdreg $0x9  }
0xb1: {  	_ =	task.clear_ibuf [dreg:s7], $0x5FFFF;
	_ =	strace $0x90000049  }
0xb2: {  	s29 =	simm.s32 $0x9;
	_ =	strace $0x8000004B  }
0xb3: {  	_ =	swait.ge [sflag:s29], $0x1  }
0xb4: {  	[sflag:s29] =	ssyncadd.s32 $0xFFFFFFFF  }
0xb5: {  	_ =	strace $0x9000004B  }
0xb6: {  	_ =	sfence  }
0xb7: {  	s30 =	sld [smem:$0x0];
	_ =	sdelay $0x2  }
0xb8: {  	s31 =	sshll.u32 s1, $0xD;
	s1 =	sshrl.u32 s1, $0x2  }
0xb9: {  	s3 =	sand.u32 $0x4000, s31;
	s1 =	sadd.s32 s1, s30  }
0xba: {  	s0 =	sor.u32 s3, s0;
	s1 =	sshll.u32 s1, $0x11  }
0xbb: {  	s0 =	sor.u32 s1, s0  }
0xbc: {  	s0 =	sadd.s32 $0x8F2B, s0  }
0xbd: {  	[sflag:s0] =	ssyncadd.remote.s32 $0x1  }
0xbe: {  	_ =	sfence.sel $0xFFFF  }
0xbf: {  	[dreg:$0x0] =	wrdreg $0xFFFFFFFF;
	(pc) =	sbr.abs _section_cstart, $3  }
0xc0: {  	[dreg:$0x1] =	wrdreg $0xFFFFFFFF  }
0xc1: {  	_ =	task.clear_ibuf [dreg:s7], $0x2FFFF;
	_ =	strace $0x9FFFFFFF  }
0xc2: {  	(tm) =	ssettm $0x7FFFFFFF  }
0xc3: {  	_ =	shalt  }
tec
execute0_lowered:
.L_overlay_start_1:
0x0: {  	(tag) =	ssettag $0x1  }
0x1: {  	s0 =	rddreg [dreg:$0x0]  }
0x2: {  	s1 =	rddreg [dreg:$0x1]  }
0x3: {  	s2 =	simm.s32 $0x0;
	s3 =	srdreg.scid;
	s4 =	stileid.u32  }
0x4: {  	[smem:$0x7FF] =	sst s2;
	s3 =	sand.u32 $0x1, s3;
	s4 =	sshll.u32 s4, $0x1  }
0x5: {  	s5 =	sadd.s32 $0x1000, s0;
	s25 =	sadd.s32 $0x2400, s0;
	_ =	strace $0x8000004A  }
0x6: {  	[dreg:$0x3] =	wrdreg s5;
	s24 =	ssub.s32 $0x2, s3;
	s3 =	sor.u32 s3, s4  }
0x7: {  	s18 =	sadd.s32 $0x1280, s0;
	[dreg:$0x4] =	wrdreg s25;
	s6 =	sshll.u32 s3, $0x5  }
0x8: {  	s0 =	sadd.s32 $0x2E00, s0;
	[dreg:$0x14] =	wrdreg s18;
	s5 =	sadd.s32 s1, s6  }
0x9: {  	[dreg:$0x15] =	wrdreg s0;
	s1 =	sadd.s32 $0x2, s5  }
0xa: {  	s31 =	sadd.s32 $0x4, s5;
	[dreg:$0x5] =	wrdreg s1  }
0xb: {  	s28 =	sshll.u32 s3, $0x6;
	s3 =	sadd.s32 $0x6, s5;
	[dreg:$0x6] =	wrdreg s31  }
0xc: {  	s6 =	sadd.s32 $0x8, s5;
	[dreg:$0x7] =	wrdreg s3  }
0xd: {  	s7 =	sadd.s32 $0xA, s5;
	[dreg:$0x8] =	wrdreg s6  }
0xe: {  	s8 =	sadd.s32 $0xC, s5;
	[dreg:$0x9] =	wrdreg s7  }
0xf: {  	s9 =	sadd.s32 $0xE, s5;
	[dreg:$0xa] =	wrdreg s8  }
0x10: {  	s10 =	sadd.s32 $0x10, s5;
	[dreg:$0xb] =	wrdreg s9  }
0x11: {  	s11 =	sadd.s32 $0x12, s5;
	[dreg:$0xc] =	wrdreg s10  }
0x12: {  	s12 =	sadd.s32 $0x14, s5;
	[dreg:$0xd] =	wrdreg s11  }
0x13: {  	s13 =	sadd.s32 $0x16, s5;
	[dreg:$0xe] =	wrdreg s12  }
0x14: {  	s14 =	sadd.s32 $0x18, s5;
	[dreg:$0xf] =	wrdreg s13  }
0x15: {  	s15 =	sadd.s32 $0x1A, s5;
	[dreg:$0x10] =	wrdreg s14  }
0x16: {  	s26 =	sshrl.u32 s24, $0x1;
	s16 =	sadd.s32 $0x1C, s5;
	[dreg:$0x11] =	wrdreg s15  }
0x17: {  	s4 =	ssub.s32 s24, s26;
	s17 =	sadd.s32 $0x1E, s5;
	[dreg:$0x12] =	wrdreg s16  }
0x18: {  	s19 =	smax.u32 s4, $0x1;
	[dreg:$0x13] =	wrdreg s17  }
0x19: {  	s20 =	sadd.s32 $0x400, s5;
	[dreg:$0x16] =	wrdreg s19  }
0x1a: {  	s21 =	sadd.s32 $0x402, s5;
	[dreg:$0x17] =	wrdreg s20  }
0x1b: {  	s22 =	sadd.s32 $0x404, s5;
	[dreg:$0x18] =	wrdreg s21  }
0x1c: {  	s30 =	simm.s32 $0x0;
	s23 =	sadd.s32 $0x406, s5;
	[dreg:$0x19] =	wrdreg s22  }
0x1d: {  	s18 =	simm.s32 $0x6450;
	s24 =	sadd.s32 $0x408, s5;
	[dreg:$0x1a] =	wrdreg s23  }
0x1e: {  	s29 =	sadd.s32 $0x40, s28;
	s25 =	sadd.s32 $0x40A, s5;
	[dreg:$0x1b] =	wrdreg s24  }
0x1f: {  	v0 =	vmov s28;
	s28 =	simm.s32 $0x64E0;
	s26 =	sadd.s32 $0x40C, s5;
	[dreg:$0x1c] =	wrdreg s25  }
0x20: {  	s4 =	sadd.s32 $0x414, s5;
	v1 =	vmov s29;
	s29 =	simm.s32 $0x64F0;
	[dreg:$0x1d] =	wrdreg s26  }
0x21: {  	s31 =	sadd.s32 $0x40E, s5;
	s1 =	sadd.s32 $0x410, s5;
	s3 =	sadd.s32 $0x412, s5  }
0x22: {  	s6 =	sadd.s32 $0x416, s5;
	s7 =	sadd.s32 $0x418, s5;
	s8 =	sadd.s32 $0x41A, s5  }
0x23: {  	s9 =	sadd.s32 $0x41C, s5;
	s10 =	sadd.s32 $0x41E, s5;
	s11 =	simm.s32 $0x1  }
0x24: {  	s12 =	simm.s32 $0x1400;
	s13 =	simm.s32 $0x6400;
	s14 =	simm.s32 $0x6410  }
0x25: {  	s15 =	simm.s32 $0x6420;
	s16 =	simm.s32 $0x6430;
	s17 =	simm.s32 $0x6440  }
0x26: {  	s19 =	simm.s32 $0x6460;
	s20 =	simm.s32 $0x6470;
	s21 =	simm.s32 $0x6480  }
0x27: {  	s22 =	simm.s32 $0x6490;
	s23 =	simm.s32 $0x64A0;
	s24 =	simm.s32 $0x64B0  }
0x28: {  	v2 =	vimm.f32 $0.0e+00;
	s25 =	simm.s32 $0x64C0;
	s26 =	simm.s32 $0x64D0;
	[dreg:$0x1e] =	wrdreg s31  }
.LBB2_1:
0x29: {  	s0 =	rddreg [dreg:$0x3]  }
0x2a: {  	[tilespmem:s2], [sflag:$0x1] =	stream.linear.gather [hbm4b:s0+s2], $0x1400, $0x38;
	[tilespmem:$0x6500] =	vst v63  }
0x2b: {  	_ =	swait.ge [sflag:s11], $0x1400  }
0x2c: {  	[sflag:s11] =	ssyncset.done $0x0  }
0x2d: {  	s0 =	rddreg [dreg:$0x4];
	[sflag:s11] =	ssyncadd.s32 $0xFFFFEC00  }
0x2e: {  	[tilespmem:s12], [sflag:$0x1] =	stream.linear.gather [hbm4b:s0+s2], $0x5000, $0x38;
	[tilespmem:$0x6500] =	vst v63  }
0x2f: {  	_ =	swait.ge [sflag:s11], $0x5000  }
0x30: {  	[sflag:s11] =	ssyncset.done $0x0  }
0x31: {  	[sflag:s11] =	ssyncadd.s32 $0xFFFFB000  }
0x32: {  	[tilespmem:$0x6400] =	vst v2  }
0x33: {  	[tilespmem:$0x6410] =	vst v2  }
0x34: {  	[tilespmem:$0x6420] =	vst v2  }
0x35: {  	[tilespmem:$0x6430] =	vst v2  }
0x36: {  	[tilespmem:$0x6440] =	vst v2  }
0x37: {  	[tilespmem:$0x6450] =	vst v2  }
0x38: {  	[tilespmem:$0x6460] =	vst v2  }
0x39: {  	[tilespmem:$0x6470] =	vst v2  }
0x3a: {  	[tilespmem:$0x6480] =	vst v2  }
0x3b: {  	[tilespmem:$0x6490] =	vst v2  }
0x3c: {  	[tilespmem:$0x64A0] =	vst v2  }
0x3d: {  	[tilespmem:$0x64B0] =	vst v2  }
0x3e: {  	[tilespmem:$0x64C0] =	vst v2  }
0x3f: {  	[tilespmem:$0x64D0] =	vst v2  }
0x40: {  	[tilespmem:$0x64E0] =	vst v2  }
0x41: {  	s31 =	simm.s32 $0x0;
	s0 =	simm.s32 $0x40;
	[tilespmem:$0x64F0] =	vst v2  }
.LBB2_2:
0x42: {  	p0 =	sne.s32 s0, $0x4FC0;
	v3 =	vld [tilespmem:s31+$0x0]  }
0x43: {  	v4 =	vld [tilespmem:s31+$0x1400];
	_ =	sdelay $0x3  }
0x44: {  	vm0 =	vge.s32 v3, v0;
	vm1 =	vlt.s32 v3, v1  }
0x45: {  	v3 =	vsub.s32 v3, v0;
	vm0 =	vmand vm0, vm1  }
0x46: {  	v3 =	vshll.u32 v3, $0x2;
	_ =	sdelay $0x4  }
0x47: {  	[tilespmem:v3+s13+$0x0] =	vst.idx.msk vm0, v4  }
0x48: {  	v5 =	vor.u32 $0x1, v3;
	v4 =	vld [tilespmem:s31+$0x2800];
	_ =	sdelay $0x4  }
0x49: {  	[tilespmem:v5+s13+$0x0] =	vst.idx.msk vm0, v4  }
0x4a: {  	v5 =	vor.u32 $0x2, v3;
	v4 =	vld [tilespmem:s31+$0x3C00];
	_ =	sdelay $0x4  }
0x4b: {  	[tilespmem:v5+s13+$0x0] =	vst.idx.msk vm0, v4  }
0x4c: {  	v3 =	vor.u32 $0x3, v3;
	v4 =	vld [tilespmem:s31+$0x5000]  }
.Ltmp0:
0x4d: {  	(pc) =	sbr.rel @p0 .LBB2_2-.Ltmp0, $2  }
0x4e: {  	_ =	sdelay $0x2  }
0x4f: {  	s31 =	sshra.s32 s0, $0x2;
	s0 =	sadd.s32 $0x40, s0;
	[tilespmem:v3+s13+$0x0] =	vst.idx.msk vm0, v4  }
0x50: {  	v3 =	vld [tilespmem:s31+$0x0];
	_ =	sdelay $0x4  }
0x51: {  	vm0 =	vge.s32 v3, v0;
	vm1 =	vlt.s32 v3, v1  }
0x52: {  	v3 =	vsub.s32 v3, v0;
	vm0 =	vmand vm0, vm1  }
0x53: {  	v4 =	vld [tilespmem:s31+$0x1400];
	v3 =	vshll.u32 v3, $0x2;
	_ =	sdelay $0x4  }
0x54: {  	[tilespmem:v3+s13+$0x0] =	vst.idx.msk vm0, v4  }
0x55: {  	v5 =	vor.u32 $0x1, v3;
	v4 =	vld [tilespmem:s31+$0x2800];
	_ =	sdelay $0x4  }
0x56: {  	[tilespmem:v5+s13+$0x0] =	vst.idx.msk vm0, v4  }
0x57: {  	v63 =	vor.u32 $0x2, v3;
	v4 =	vld [tilespmem:s31+$0x3C00];
	_ =	sdelay $0x4  }
0x58: {  	[tilespmem:v63+s13+$0x0] =	vst.idx.msk vm0, v4  }
0x59: {  	v3 =	vor.u32 $0x3, v3;
	v4 =	vld [tilespmem:s31+$0x5000];
	_ =	sdelay $0x4  }
0x5a: {  	s31 =	simm.s32 $0x0;
	[tilespmem:v3+s13+$0x0] =	vst.idx.msk vm0, v4  }
0x5b: {  	[hbm4b:s5+s31] =	stream.linear.scatter [tilespmem:s13], [sflag:$0x1], $0x10, $0x38;
	[tilespmem:$0x6500] =	vst v63  }
0x5c: {  	_ =	swait.ge [sflag:s11], $0x10  }
0x5d: {  	[sflag:s11] =	ssyncset.done $0x0  }
0x5e: {  	s0 =	rddreg [dreg:$0x5];
	[sflag:s11] =	ssyncadd.s32 $0xFFFFFFF0  }
0x5f: {  	[hbm4b:s0+s31] =	stream.linear.scatter [tilespmem:s14], [sflag:$0x1], $0x10, $0x38;
	[tilespmem:$0x6500] =	vst v63  }
0x60: {  	_ =	swait.ge [sflag:s11], $0x10  }
0x61: {  	[sflag:s11] =	ssyncset.done $0x0  }
0x62: {  	s0 =	rddreg [dreg:$0x6];
	[sflag:s11] =	ssyncadd.s32 $0xFFFFFFF0  }
0x63: {  	[hbm4b:s0+s31] =	stream.linear.scatter [tilespmem:s15], [sflag:$0x1], $0x10, $0x38;
	[tilespmem:$0x6500] =	vst v63  }
0x64: {  	_ =	swait.ge [sflag:s11], $0x10  }
0x65: {  	[sflag:s11] =	ssyncset.done $0x0  }
0x66: {  	s0 =	rddreg [dreg:$0x7];
	[sflag:s11] =	ssyncadd.s32 $0xFFFFFFF0  }
0x67: {  	[hbm4b:s0+s31] =	stream.linear.scatter [tilespmem:s16], [sflag:$0x1], $0x10, $0x38;
	[tilespmem:$0x6500] =	vst v63  }
0x68: {  	_ =	swait.ge [sflag:s11], $0x10  }
0x69: {  	[sflag:s11] =	ssyncset.done $0x0  }
0x6a: {  	s0 =	rddreg [dreg:$0x8];
	[sflag:s11] =	ssyncadd.s32 $0xFFFFFFF0  }
0x6b: {  	[hbm4b:s0+s31] =	stream.linear.scatter [tilespmem:s17], [sflag:$0x1], $0x10, $0x38;
	[tilespmem:$0x6500] =	vst v63  }
0x6c: {  	_ =	swait.ge [sflag:s11], $0x10  }
0x6d: {  	[sflag:s11] =	ssyncset.done $0x0  }
0x6e: {  	s0 =	rddreg [dreg:$0x9];
	[sflag:s11] =	ssyncadd.s32 $0xFFFFFFF0  }
0x6f: {  	[hbm4b:s0+s31] =	stream.linear.scatter [tilespmem:s18], [sflag:$0x1], $0x10, $0x38;
	[tilespmem:$0x6500] =	vst v63  }
0x70: {  	_ =	swait.ge [sflag:s11], $0x10  }
0x71: {  	[sflag:s11] =	ssyncset.done $0x0  }
0x72: {  	s0 =	rddreg [dreg:$0xa];
	[sflag:s11] =	ssyncadd.s32 $0xFFFFFFF0  }
0x73: {  	[hbm4b:s0+s31] =	stream.linear.scatter [tilespmem:s19], [sflag:$0x1], $0x10, $0x38;
	[tilespmem:$0x6500] =	vst v63  }
0x74: {  	_ =	swait.ge [sflag:s11], $0x10  }
0x75: {  	[sflag:s11] =	ssyncset.done $0x0  }
0x76: {  	s0 =	rddreg [dreg:$0xb];
	[sflag:s11] =	ssyncadd.s32 $0xFFFFFFF0  }
0x77: {  	[hbm4b:s0+s31] =	stream.linear.scatter [tilespmem:s20], [sflag:$0x1], $0x10, $0x38;
	[tilespmem:$0x6500] =	vst v63  }
0x78: {  	_ =	swait.ge [sflag:s11], $0x10  }
0x79: {  	[sflag:s11] =	ssyncset.done $0x0  }
0x7a: {  	s0 =	rddreg [dreg:$0xc];
	[sflag:s11] =	ssyncadd.s32 $0xFFFFFFF0  }
0x7b: {  	[hbm4b:s0+s31] =	stream.linear.scatter [tilespmem:s21], [sflag:$0x1], $0x10, $0x38;
	[tilespmem:$0x6500] =	vst v63  }
0x7c: {  	_ =	swait.ge [sflag:s11], $0x10  }
0x7d: {  	[sflag:s11] =	ssyncset.done $0x0  }
0x7e: {  	s0 =	rddreg [dreg:$0xd];
	[sflag:s11] =	ssyncadd.s32 $0xFFFFFFF0  }
0x7f: {  	[hbm4b:s0+s31] =	stream.linear.scatter [tilespmem:s22], [sflag:$0x1], $0x10, $0x38;
	[tilespmem:$0x6500] =	vst v63  }
0x80: {  	_ =	swait.ge [sflag:s11], $0x10  }
0x81: {  	[sflag:s11] =	ssyncset.done $0x0  }
0x82: {  	s0 =	rddreg [dreg:$0xe];
	[sflag:s11] =	ssyncadd.s32 $0xFFFFFFF0  }
0x83: {  	[hbm4b:s0+s31] =	stream.linear.scatter [tilespmem:s23], [sflag:$0x1], $0x10, $0x38;
	[tilespmem:$0x6500] =	vst v63  }
0x84: {  	_ =	swait.ge [sflag:s11], $0x10  }
0x85: {  	[sflag:s11] =	ssyncset.done $0x0  }
0x86: {  	s0 =	rddreg [dreg:$0xf];
	[sflag:s11] =	ssyncadd.s32 $0xFFFFFFF0  }
0x87: {  	[hbm4b:s0+s31] =	stream.linear.scatter [tilespmem:s24], [sflag:$0x1], $0x10, $0x38;
	[tilespmem:$0x6500] =	vst v63  }
0x88: {  	_ =	swait.ge [sflag:s11], $0x10  }
0x89: {  	[sflag:s11] =	ssyncset.done $0x0  }
0x8a: {  	s0 =	rddreg [dreg:$0x10];
	[sflag:s11] =	ssyncadd.s32 $0xFFFFFFF0  }
0x8b: {  	[hbm4b:s0+s31] =	stream.linear.scatter [tilespmem:s25], [sflag:$0x1], $0x10, $0x38;
	[tilespmem:$0x6500] =	vst v63  }
0x8c: {  	_ =	swait.ge [sflag:s11], $0x10  }
0x8d: {  	[sflag:s11] =	ssyncset.done $0x0  }
0x8e: {  	s0 =	rddreg [dreg:$0x11];
	[sflag:s11] =	ssyncadd.s32 $0xFFFFFFF0  }
0x8f: {  	[hbm4b:s0+s31] =	stream.linear.scatter [tilespmem:s26], [sflag:$0x1], $0x10, $0x38;
	[tilespmem:$0x6500] =	vst v63  }
0x90: {  	_ =	swait.ge [sflag:s11], $0x10  }
0x91: {  	[sflag:s11] =	ssyncset.done $0x0  }
0x92: {  	s0 =	rddreg [dreg:$0x12];
	[sflag:s11] =	ssyncadd.s32 $0xFFFFFFF0  }
0x93: {  	[hbm4b:s0+s31] =	stream.linear.scatter [tilespmem:s28], [sflag:$0x1], $0x10, $0x38;
	[tilespmem:$0x6500] =	vst v63  }
0x94: {  	_ =	swait.ge [sflag:s11], $0x10  }
0x95: {  	[sflag:s11] =	ssyncset.done $0x0  }
0x96: {  	s0 =	rddreg [dreg:$0x13];
	[sflag:s11] =	ssyncadd.s32 $0xFFFFFFF0  }
0x97: {  	[hbm4b:s0+s31] =	stream.linear.scatter [tilespmem:s29], [sflag:$0x1], $0x10, $0x38;
	[tilespmem:$0x6500] =	vst v63  }
0x98: {  	_ =	swait.ge [sflag:s11], $0x10  }
0x99: {  	[sflag:s11] =	ssyncset.done $0x0  }
0x9a: {  	s0 =	rddreg [dreg:$0x14];
	[sflag:s11] =	ssyncadd.s32 $0xFFFFFFF0  }
0x9b: {  	[tilespmem:s31], [sflag:$0x1] =	stream.linear.gather [hbm4b:s0+s31], $0x1400, $0x38;
	[tilespmem:$0x6500] =	vst v63  }
0x9c: {  	_ =	swait.ge [sflag:s11], $0x1400  }
0x9d: {  	[sflag:s11] =	ssyncset.done $0x0  }
0x9e: {  	s0 =	rddreg [dreg:$0x15];
	[sflag:s11] =	ssyncadd.s32 $0xFFFFEC00  }
0x9f: {  	[tilespmem:s12], [sflag:$0x1] =	stream.linear.gather [hbm4b:s0+s31], $0x5000, $0x38;
	[tilespmem:$0x6500] =	vst v63  }
0xa0: {  	_ =	swait.ge [sflag:s11], $0x5000  }
0xa1: {  	[sflag:s11] =	ssyncset.done $0x0  }
0xa2: {  	[sflag:s11] =	ssyncadd.s32 $0xFFFFB000  }
0xa3: {  	[tilespmem:$0x6400] =	vst v2  }
0xa4: {  	[tilespmem:$0x6410] =	vst v2  }
0xa5: {  	[tilespmem:$0x6420] =	vst v2  }
0xa6: {  	[tilespmem:$0x6430] =	vst v2  }
0xa7: {  	[tilespmem:$0x6440] =	vst v2  }
0xa8: {  	[tilespmem:$0x6450] =	vst v2  }
0xa9: {  	[tilespmem:$0x6460] =	vst v2  }
0xaa: {  	[tilespmem:$0x6470] =	vst v2  }
0xab: {  	[tilespmem:$0x6480] =	vst v2  }
0xac: {  	[tilespmem:$0x6490] =	vst v2  }
0xad: {  	[tilespmem:$0x64A0] =	vst v2  }
0xae: {  	[tilespmem:$0x64B0] =	vst v2  }
0xaf: {  	[tilespmem:$0x64C0] =	vst v2  }
0xb0: {  	[tilespmem:$0x64D0] =	vst v2  }
0xb1: {  	[tilespmem:$0x64E0] =	vst v2  }
0xb2: {  	s31 =	simm.s32 $0x0;
	s0 =	simm.s32 $0x40;
	[tilespmem:$0x64F0] =	vst v2  }
.LBB2_4:
0xb3: {  	p0 =	sne.s32 s0, $0x4FC0;
	v3 =	vld [tilespmem:s31+$0x0]  }
0xb4: {  	v4 =	vld [tilespmem:s31+$0x1400];
	_ =	sdelay $0x3  }
0xb5: {  	vm0 =	vge.s32 v3, v0;
	vm1 =	vlt.s32 v3, v1  }
0xb6: {  	v3 =	vsub.s32 v3, v0;
	vm0 =	vmand vm0, vm1  }
0xb7: {  	v3 =	vshll.u32 v3, $0x2;
	_ =	sdelay $0x4  }
0xb8: {  	[tilespmem:v3+s13+$0x0] =	vst.idx.msk vm0, v4  }
0xb9: {  	v5 =	vor.u32 $0x1, v3;
	v4 =	vld [tilespmem:s31+$0x2800];
	_ =	sdelay $0x4  }
0xba: {  	[tilespmem:v5+s13+$0x0] =	vst.idx.msk vm0, v4  }
0xbb: {  	v5 =	vor.u32 $0x2, v3;
	v4 =	vld [tilespmem:s31+$0x3C00];
	_ =	sdelay $0x4  }
0xbc: {  	[tilespmem:v5+s13+$0x0] =	vst.idx.msk vm0, v4  }
0xbd: {  	v3 =	vor.u32 $0x3, v3;
	v4 =	vld [tilespmem:s31+$0x5000]  }
.Ltmp1:
0xbe: {  	(pc) =	sbr.rel @p0 .LBB2_4-.Ltmp1, $2  }
0xbf: {  	_ =	sdelay $0x2  }
0xc0: {  	s31 =	sshra.s32 s0, $0x2;
	s0 =	sadd.s32 $0x40, s0;
	[tilespmem:v3+s13+$0x0] =	vst.idx.msk vm0, v4  }
0xc1: {  	v3 =	vld [tilespmem:s31+$0x0];
	_ =	sdelay $0x4  }
0xc2: {  	vm0 =	vge.s32 v3, v0;
	vm1 =	vlt.s32 v3, v1  }
0xc3: {  	v3 =	vsub.s32 v3, v0;
	vm0 =	vmand vm0, vm1  }
0xc4: {  	v4 =	vld [tilespmem:s31+$0x1400];
	v3 =	vshll.u32 v3, $0x2;
	_ =	sdelay $0x4  }
0xc5: {  	[tilespmem:v3+s13+$0x0] =	vst.idx.msk vm0, v4  }
0xc6: {  	v5 =	vor.u32 $0x1, v3;
	v4 =	vld [tilespmem:s31+$0x2800];
	_ =	sdelay $0x4  }
0xc7: {  	[tilespmem:v5+s13+$0x0] =	vst.idx.msk vm0, v4  }
0xc8: {  	v63 =	vor.u32 $0x2, v3;
	v4 =	vld [tilespmem:s31+$0x3C00];
	_ =	sdelay $0x4  }
0xc9: {  	[tilespmem:v63+s13+$0x0] =	vst.idx.msk vm0, v4  }
0xca: {  	v3 =	vor.u32 $0x3, v3;
	v4 =	vld [tilespmem:s31+$0x5000];
	_ =	sdelay $0x4  }
0xcb: {  	s0 =	rddreg [dreg:$0x17];
	[tilespmem:v3+s13+$0x0] =	vst.idx.msk vm0, v4  }
0xcc: {  	[hbm4b:s0+s2] =	stream.linear.scatter [tilespmem:s13], [sflag:$0x1], $0x10, $0x38;
	[tilespmem:$0x6500] =	vst v63  }
0xcd: {  	_ =	swait.ge [sflag:s11], $0x10  }
0xce: {  	[sflag:s11] =	ssyncset.done $0x0  }
0xcf: {  	s31 =	rddreg [dreg:$0x18];
	[sflag:s11] =	ssyncadd.s32 $0xFFFFFFF0  }
0xd0: {  	[hbm4b:s31+s2] =	stream.linear.scatter [tilespmem:s14], [sflag:$0x1], $0x10, $0x38;
	[tilespmem:$0x6500] =	vst v63  }
0xd1: {  	_ =	swait.ge [sflag:s11], $0x10  }
0xd2: {  	[sflag:s11] =	ssyncset.done $0x0  }
0xd3: {  	s31 =	rddreg [dreg:$0x19];
	[sflag:s11] =	ssyncadd.s32 $0xFFFFFFF0  }
0xd4: {  	[hbm4b:s31+s2] =	stream.linear.scatter [tilespmem:s15], [sflag:$0x1], $0x10, $0x38;
	[tilespmem:$0x6500] =	vst v63  }
0xd5: {  	_ =	swait.ge [sflag:s11], $0x10  }
0xd6: {  	[sflag:s11] =	ssyncset.done $0x0  }
0xd7: {  	s31 =	rddreg [dreg:$0x1a];
	[sflag:s11] =	ssyncadd.s32 $0xFFFFFFF0  }
0xd8: {  	[hbm4b:s31+s2] =	stream.linear.scatter [tilespmem:s16], [sflag:$0x1], $0x10, $0x38;
	[tilespmem:$0x6500] =	vst v63  }
0xd9: {  	_ =	swait.ge [sflag:s11], $0x10  }
0xda: {  	[sflag:s11] =	ssyncset.done $0x0  }
0xdb: {  	s31 =	rddreg [dreg:$0x1b];
	[sflag:s11] =	ssyncadd.s32 $0xFFFFFFF0  }
0xdc: {  	[hbm4b:s31+s2] =	stream.linear.scatter [tilespmem:s17], [sflag:$0x1], $0x10, $0x38;
	[tilespmem:$0x6500] =	vst v63  }
0xdd: {  	_ =	swait.ge [sflag:s11], $0x10  }
0xde: {  	[sflag:s11] =	ssyncset.done $0x0  }
0xdf: {  	s31 =	rddreg [dreg:$0x1c];
	[sflag:s11] =	ssyncadd.s32 $0xFFFFFFF0  }
0xe0: {  	[hbm4b:s31+s2] =	stream.linear.scatter [tilespmem:s18], [sflag:$0x1], $0x10, $0x38;
	[tilespmem:$0x6500] =	vst v63  }
0xe1: {  	_ =	swait.ge [sflag:s11], $0x10  }
0xe2: {  	[sflag:s11] =	ssyncset.done $0x0  }
0xe3: {  	s31 =	rddreg [dreg:$0x1d];
	[sflag:s11] =	ssyncadd.s32 $0xFFFFFFF0  }
0xe4: {  	[hbm4b:s31+s2] =	stream.linear.scatter [tilespmem:s19], [sflag:$0x1], $0x10, $0x38;
	[tilespmem:$0x6500] =	vst v63  }
0xe5: {  	_ =	swait.ge [sflag:s11], $0x10  }
0xe6: {  	[sflag:s11] =	ssyncset.done $0x0  }
0xe7: {  	s31 =	rddreg [dreg:$0x1e];
	[sflag:s11] =	ssyncadd.s32 $0xFFFFFFF0  }
0xe8: {  	[hbm4b:s31+s2] =	stream.linear.scatter [tilespmem:s20], [sflag:$0x1], $0x10, $0x38;
	[tilespmem:$0x6500] =	vst v63  }
0xe9: {  	_ =	swait.ge [sflag:s11], $0x10  }
0xea: {  	[sflag:s11] =	ssyncset.done $0x0  }
0xeb: {  	[sflag:s11] =	ssyncadd.s32 $0xFFFFFFF0  }
0xec: {  	[hbm4b:s1+s2] =	stream.linear.scatter [tilespmem:s21], [sflag:$0x1], $0x10, $0x38;
	[tilespmem:$0x6500] =	vst v63  }
0xed: {  	_ =	swait.ge [sflag:s11], $0x10  }
0xee: {  	[sflag:s11] =	ssyncset.done $0x0  }
0xef: {  	[sflag:s11] =	ssyncadd.s32 $0xFFFFFFF0  }
0xf0: {  	[hbm4b:s3+s2] =	stream.linear.scatter [tilespmem:s22], [sflag:$0x1], $0x10, $0x38;
	[tilespmem:$0x6500] =	vst v63  }
0xf1: {  	_ =	swait.ge [sflag:s11], $0x10  }
0xf2: {  	[sflag:s11] =	ssyncset.done $0x0  }
0xf3: {  	[sflag:s11] =	ssyncadd.s32 $0xFFFFFFF0  }
0xf4: {  	[hbm4b:s4+s2] =	stream.linear.scatter [tilespmem:s23], [sflag:$0x1], $0x10, $0x38;
	[tilespmem:$0x6500] =	vst v63  }
0xf5: {  	_ =	swait.ge [sflag:s11], $0x10  }
0xf6: {  	[sflag:s11] =	ssyncset.done $0x0  }
0xf7: {  	[sflag:s11] =	ssyncadd.s32 $0xFFFFFFF0  }
0xf8: {  	[hbm4b:s6+s2] =	stream.linear.scatter [tilespmem:s24], [sflag:$0x1], $0x10, $0x38;
	[tilespmem:$0x6500] =	vst v63  }
0xf9: {  	_ =	swait.ge [sflag:s11], $0x10  }
0xfa: {  	[sflag:s11] =	ssyncset.done $0x0  }
0xfb: {  	[sflag:s11] =	ssyncadd.s32 $0xFFFFFFF0  }
0xfc: {  	[hbm4b:s7+s2] =	stream.linear.scatter [tilespmem:s25], [sflag:$0x1], $0x10, $0x38;
	[tilespmem:$0x6500] =	vst v63  }
0xfd: {  	_ =	swait.ge [sflag:s11], $0x10  }
0xfe: {  	[sflag:s11] =	ssyncset.done $0x0  }
0xff: {  	[sflag:s11] =	ssyncadd.s32 $0xFFFFFFF0  }
0x100: {  	[hbm4b:s8+s2] =	stream.linear.scatter [tilespmem:s26], [sflag:$0x1], $0x10, $0x38;
	[tilespmem:$0x6500] =	vst v63  }
0x101: {  	_ =	swait.ge [sflag:s11], $0x10  }
0x102: {  	[sflag:s11] =	ssyncset.done $0x0  }
0x103: {  	[sflag:s11] =	ssyncadd.s32 $0xFFFFFFF0  }
0x104: {  	[hbm4b:s9+s2] =	stream.linear.scatter [tilespmem:s28], [sflag:$0x1], $0x10, $0x38;
	[tilespmem:$0x6500] =	vst v63  }
0x105: {  	_ =	swait.ge [sflag:s11], $0x10  }
0x106: {  	[sflag:s11] =	ssyncset.done $0x0  }
0x107: {  	[sflag:s11] =	ssyncadd.s32 $0xFFFFFFF0  }
0x108: {  	[hbm4b:s10+s2] =	stream.linear.scatter [tilespmem:s29], [sflag:$0x1], $0x10, $0x38;
	[tilespmem:$0x6500] =	vst v63  }
0x109: {  	_ =	swait.ge [sflag:s11], $0x10  }
0x10a: {  	s30 =	sadd.s32 $0x1, s30;
	s31 =	rddreg [dreg:$0x16]  }
0x10b: {  	p0 =	sne.s32 s30, s31  }
.Ltmp2:
0x10c: {  	_ = 	snop;
	(pc) =	sbr.rel @p0 .LBB2_1-.Ltmp2, $3  }
0x10d: {  	_ =	sdelay $0x1  }
0x10e: {  	[sflag:s11] =	ssyncset.done $0x0  }
0x10f: {  	[sflag:s11] =	ssyncadd.s32 $0xFFFFFFF0  }
0x110: {  	_ =	sfence.sel $0x180000  }
0x111: {  	[bflag:$0x0] =	sbarrier.arrive $0xFFFF  }
0x112: {  	_ =	strace $0x9000004A  }
0x113: {  	s0 =	stileid.u32;
	[bflag:$0x2] =	sbarrier.arrive $0xFFFF  }
0x114: {  	p0 =	sne.s32 s0, $0x0;
	s0 =	rddreg [dreg:$0x2]  }
0x115: {  	s0 =	sadd.s32 @!p0 $0x100000, s0  }
0x116: {  	[sflag:s0] =	ssyncadd.tile.s32 @!p0 $0x1;
	_ =	shalt  }
.Lfunc_end2:
_tile_overlayer_lowered:
.L_overlay_start_2:
0x117: {  	(tag) =	ssettag $0x2  }
0x118: {  	s0 =	rddreg [dreg:$0x0];
	s2 =	stileid.u32  }
0x119: {  	s1 =	rddreg [dreg:$0x1];
	p0 =	sne.s32 s2, $0x0  }
0x11a: {  	s3 =	rddreg [dreg:$0x2];
	[bflag:$0x3] =	sbarrier.arrive $0xFFFF;
	s2 =	simm.s32 @!p0 $0x1C01  }
0x11b: {  	[timem:s3], [sflag:s2] =	dma.local @!p0 [hbm:s0], s1  }
0x11c: {  	s0 =	simm.s32 @!p0 $0x1  }
0x11d: {  	_ =	swait.ge @!p0 [sflag:s0], s1  }
0x11e: {  	s1 =	ssub.s32 @!p0 $0x0, s1;
	[sflag:s0] =	ssyncset.done @!p0 $0x0  }
0x11f: {  	[sflag:s0] =	ssyncadd.s32 @!p0 s1  }
0x120: {  	[bflag:$0x3] =	sbarrier.arrive $0xFFFF  }
0x121: {  	_ =	shalt  }

</sc_bundles>
